<compile_context>
chip_gen: v7x
topology: tpu7x:2x2x1
jax: 0.10.2.dev20260603
libtpu: 0.0.44.dev20260713+nightly
codegen_flags: <defaults>
</compile_context>

<pallas_src>
import functools

import jax
import jax.numpy as jnp
from jax import lax
from jax.experimental import pallas as pl
from jax.experimental.pallas import tpu as pltpu
from jax.experimental.pallas import tpu_sc as plsc

NC = 2
NS = 16
H = 8
HL = H // NC
C = 16
DH = HL * C
GATHER = 128
KSUB = 2
CE = GATHER * KSUB
PAD = 16


def _axis_index(name):
    return lax.axis_index(name)


def _pre_body(proj_ref, prev_ref, wl_ref, bl_ref, lnw_ref, lnb_ref,
              wr_ref, br_ref, hl0_ref, hl1_ref, hr0_ref, hr1_ref):
    r = jnp.dot(proj_ref[...], wl_ref[...], preferred_element_type=jnp.float32)
    r = r + bl_ref[...]
    hl0_ref[...] = r[:, :DH]
    hl1_ref[...] = r[:, DH:]
    x = prev_ref[...]
    mu = jnp.mean(x, axis=-1, keepdims=True)
    var = jnp.mean((x - mu) * (x - mu), axis=-1, keepdims=True)
    xn = (x - mu) / jnp.sqrt(var + 1e-5) * lnw_ref[...] + lnb_ref[...]
    xn = jnp.maximum(xn, 0.0)
    rr = jnp.dot(xn, wr_ref[...], preferred_element_type=jnp.float32)
    rr = rr + br_ref[...]
    hr0_ref[...] = rr[:, :DH]
    hr1_ref[...] = rr[:, DH:]


def _final_body(agg0_ref, agg1_ref, den0_ref, den1_ref, prev_ref, ob_ref,
                lnw_ref, lnb_ref, wm_ref, bm_ref, o_ref):
    den = den0_ref[...] + den1_ref[...]
    agg_full = jnp.concatenate([agg0_ref[...], agg1_ref[...]], axis=1)
    d = agg_full.shape[-1]
    r = lax.broadcasted_iota(jnp.int32, (16, d), 0)
    c = lax.broadcasted_iota(jnp.int32, (16, d), 1)
    expand = (r == c // C).astype(jnp.float32)
    den_bc = jnp.dot(den, expand, preferred_element_type=jnp.float32)
    agg = agg_full / (den_bc + 1e-16)
    x = prev_ref[...] + agg + ob_ref[...]
    mu = jnp.mean(x, axis=-1, keepdims=True)
    var = jnp.mean((x - mu) * (x - mu), axis=-1, keepdims=True)
    y = (x - mu) / jnp.sqrt(var + 1e-5) * lnw_ref[...] + lnb_ref[...]
    y = jnp.maximum(y, 0.0)
    o_ref[...] = x + (
        jnp.dot(y, wm_ref[...], preferred_element_type=jnp.float32) + bm_ref[...]
    )


def _edge_body(rps, gpw,
               hl0_hbm, hl1_hbm, hr0_hbm, hr1_hbm, src_hbm, dst_hbm,
               att_hbm, zagg_hbm, zden_hbm,
               agg_out, den_out,
               s0a, s0b, d0a, d0b, s1a, s1b, d1a, d1b,
               hl_a, hl_b, hr_a, hr_b, ex_a, ex_b, att_v,
               agg_sp, den_sp, sem_a, sem_b, ssem_a, ssem_b):
    cid = _axis_index("c")
    sid = _axis_index("s")
    chunks = gpw // KSUB
    sidx = ((s0a, s0b), (s1a, s1b))
    didx = ((d0a, d0b), (d1a, d1b))
    hls = (hl_a, hl_b)
    hrs = (hr_a, hr_b)
    exs = (ex_a, ex_b)
    sems = (sem_a, sem_b)
    ssems = (ssem_a, ssem_b)
    hl_hbms = (hl0_hbm, hl1_hbm)
    hr_hbms = (hr0_hbm, hr1_hbm)

    pltpu.sync_copy(zagg_hbm, agg_sp.at[pl.ds(sid * rps, rps)])
    pltpu.sync_copy(zden_hbm, den_sp.at[pl.ds(sid * rps, rps)])
    pltpu.sync_copy(att_hbm.at[pl.ds(cid * DH, DH)], att_v)
    plsc.subcore_barrier()
    iota16 = lax.iota(jnp.int32, 16)
    attv = tuple(att_v[pl.ds(lh * C, C)] for lh in range(HL))

    def issue(ch, b):
        g0 = ch * KSUB
        for j in range(KSUB):
            pltpu.sync_copy(src_hbm.at[sid, g0 + j], sidx[b][j])
            pltpu.sync_copy(dst_hbm.at[sid, g0 + j], didx[b][j])
        for variant in range(NC):
            @pl.when(cid == variant)
            def _():
                for j in range(KSUB):
                    pltpu.async_copy(
                        hl_hbms[variant].at[sidx[b][j]],
                        hls[b].at[pl.ds(j * GATHER, GATHER)], sems[b])
                    pltpu.async_copy(
                        hr_hbms[variant].at[didx[b][j]],
                        hrs[b].at[pl.ds(j * GATHER, GATHER)], sems[b])

    def drain(b):
        for j in range(KSUB):
            pltpu.make_async_copy(
                hl_hbms[0].at[sidx[b][j]],
                hls[b].at[pl.ds(j * GATHER, GATHER)], sems[b]).wait()
            pltpu.make_async_copy(
                hr_hbms[0].at[didx[b][j]],
                hrs[b].at[pl.ds(j * GATHER, GATHER)], sems[b]).wait()

    def compute(b):
        @plsc.parallel_loop(0, CE, unroll=16)
        def edge_body(e):
            exrow = jnp.zeros((16,), jnp.float32)
            for lh in range(HL):
                hs = pl.ds(lh * C, C)
                a = hls[b][e, hs]
                t = a + hrs[b][e, hs]
                t = jnp.maximum(t, t * 0.2)
                s = jnp.sum(t * attv[lh])
                ev = jnp.exp(jnp.broadcast_to(s, (16,)))
                hls[b][e, hs] = a * ev
                exrow = jnp.where(iota16 == cid * HL + lh, ev, exrow)
            exs[b][e, :] = exrow

    def scatter_issue(b):
        for j in range(KSUB):
            pltpu.async_copy(hls[b].at[pl.ds(j * GATHER, GATHER)],
                             agg_sp.at[didx[b][j]], ssems[b], add=True)
            pltpu.async_copy(exs[b].at[pl.ds(j * GATHER, GATHER)],
                             den_sp.at[didx[b][j]], ssems[b], add=True)

    def scatter_drain(b):
        for j in range(KSUB):
            pltpu.make_async_copy(hls[b].at[pl.ds(j * GATHER, GATHER)],
                                  agg_sp.at[didx[b][j]], ssems[b]).wait()
            pltpu.make_async_copy(exs[b].at[pl.ds(j * GATHER, GATHER)],
                                  den_sp.at[didx[b][j]], ssems[b]).wait()

    issue(0, 0)

    def outer_body(cc, carry):
        for phase in range(2):
            b = phase
            ch = cc * 2 + phase

            @pl.when(ch >= 1)
            def _():
                scatter_drain(1 - b)

            @pl.when(ch + 1 < chunks)
            def _():
                issue(ch + 1, 1 - b)

            drain(b)
            compute(b)
            scatter_issue(b)
        return carry

    lax.fori_loop(0, chunks // 2, outer_body, 0)
    scatter_drain(1)
    plsc.subcore_barrier()

    sl = pl.ds(sid * rps, rps)
    pltpu.sync_copy(agg_sp.at[sl], agg_out.at[cid, sl])
    pltpu.sync_copy(den_sp.at[sl], den_out.at[cid, sl])


def _edge_stage(hl0, hl1, hr0, hr1, edge_src, edge_dst, att):
    n_proj = hl0.shape[0]
    n_sp = hr0.shape[0] - PAD
    e = edge_src.shape[0]
    e_per_w = e // NS
    rps = -(-(-(-n_sp // NS)) // 8) * 8
    n_pad = NS * rps
    gpw = -(-e_per_w // (2 * CE)) * 2 * KSUB
    pad = gpw * GATHER - e_per_w

    src_w = edge_src.reshape(NS, e_per_w)
    dst_w = edge_dst.reshape(NS, e_per_w)
    srcp = jnp.pad(src_w, ((0, 0), (0, pad))).reshape(NS, gpw, GATHER)
    dstp = jnp.pad(dst_w, ((0, 0), (0, pad)),
                   constant_values=n_sp).reshape(NS, gpw, GATHER)
    att_flat = att.reshape(H * C)
    zagg = jnp.zeros((rps, DH), jnp.float32)
    zden = jnp.zeros((rps, 16), jnp.float32)

    mesh = plsc.VectorSubcoreMesh(
        core_axis_name="c", subcore_axis_name="s",
        num_cores=NC, num_subcores=NS)
    fn = pl.kernel(
        functools.partial(_edge_body, rps, gpw),
        out_type=[
            jax.ShapeDtypeStruct((NC, n_pad, DH), jnp.float32),
            jax.ShapeDtypeStruct((NC, n_pad, 16), jnp.float32),
        ],
        mesh=mesh,
        compiler_params=pltpu.CompilerParams(
            needs_layout_passes=False, use_tc_tiling_on_sc=False),
        scratch_types=(
            [pltpu.VMEM((GATHER,), jnp.int32)] * 8 +
            [
                pltpu.VMEM((CE, DH), jnp.float32),
                pltpu.VMEM((CE, DH), jnp.float32),
                pltpu.VMEM((CE, DH), jnp.float32),
                pltpu.VMEM((CE, DH), jnp.float32),
                pltpu.VMEM((CE, 16), jnp.float32),
                pltpu.VMEM((CE, 16), jnp.float32),
                pltpu.VMEM((DH,), jnp.float32),
                pltpu.VMEM_SHARED((n_pad, DH), jnp.float32),
                pltpu.VMEM_SHARED((n_pad, 16), jnp.float32),
                pltpu.SemaphoreType.DMA,
                pltpu.SemaphoreType.DMA,
                pltpu.SemaphoreType.DMA,
                pltpu.SemaphoreType.DMA,
            ]
        ),
    )
    return fn(hl0, hl1, hr0, hr1, srcp, dstp, att_flat, zagg, zden)


def kernel(proj_features, prev_scenepoint_features, edge_src, edge_dst,
           ln1_w, ln1_b, W_l, b_l, W_r, b_r, att, out_bias,
           ln2_w, ln2_b, W_mlp, b_mlp):
    n_proj, d = proj_features.shape
    n_sp = prev_scenepoint_features.shape[0]
    blk_l = 1000
    blk_p = n_sp // (n_proj // blk_l)
    blk_r = 400

    hl0, hl1, hr0, hr1 = pl.pallas_call(
        _pre_body,
        grid=(n_proj // blk_l,),
        in_specs=[
            pl.BlockSpec((blk_l, d), lambda i: (i, 0)),
            pl.BlockSpec((blk_p, d), lambda i: (i, 0)),
            pl.BlockSpec((d, d), lambda i: (0, 0)),
            pl.BlockSpec((1, d), lambda i: (0, 0)),
            pl.BlockSpec((1, d), lambda i: (0, 0)),
            pl.BlockSpec((1, d), lambda i: (0, 0)),
            pl.BlockSpec((d, d), lambda i: (0, 0)),
            pl.BlockSpec((1, d), lambda i: (0, 0)),
        ],
        out_specs=[
            pl.BlockSpec((blk_l, DH), lambda i: (i, 0)),
            pl.BlockSpec((blk_l, DH), lambda i: (i, 0)),
            pl.BlockSpec((blk_p, DH), lambda i: (i, 0)),
            pl.BlockSpec((blk_p, DH), lambda i: (i, 0)),
        ],
        out_shape=[
            jax.ShapeDtypeStruct((n_proj, DH), jnp.float32),
            jax.ShapeDtypeStruct((n_proj, DH), jnp.float32),
            jax.ShapeDtypeStruct((n_sp + PAD, DH), jnp.float32),
            jax.ShapeDtypeStruct((n_sp + PAD, DH), jnp.float32),
        ],
    )(proj_features, prev_scenepoint_features, W_l, b_l[None],
      ln1_w[None], ln1_b[None], W_r, b_r[None])

    agg, den = _edge_stage(hl0, hl1, hr0, hr1, edge_src, edge_dst, att)

    out = pl.pallas_call(
        _final_body,
        grid=(n_sp // blk_r,),
        in_specs=[
            pl.BlockSpec((blk_r, DH), lambda i: (i, 0)),
            pl.BlockSpec((blk_r, DH), lambda i: (i, 0)),
            pl.BlockSpec((blk_r, 16), lambda i: (i, 0)),
            pl.BlockSpec((blk_r, 16), lambda i: (i, 0)),
            pl.BlockSpec((blk_r, d), lambda i: (i, 0)),
            pl.BlockSpec((1, d), lambda i: (0, 0)),
            pl.BlockSpec((1, d), lambda i: (0, 0)),
            pl.BlockSpec((1, d), lambda i: (0, 0)),
            pl.BlockSpec((d, d), lambda i: (0, 0)),
            pl.BlockSpec((1, d), lambda i: (0, 0)),
        ],
        out_specs=pl.BlockSpec((blk_r, d), lambda i: (i, 0)),
        out_shape=jax.ShapeDtypeStruct((n_sp, d), jnp.float32),
    )(agg[0], agg[1], den[0], den[1], prev_scenepoint_features,
      out_bias[None], ln2_w[None], ln2_b[None], W_mlp, b_mlp[None])
    return out

# --- scband reference (transcript-rebuilt; emitter-appended) ---
"""Pipeline reference for scband-proj2-scene-point-33088428049085 (READ-ONLY COPY).

The authoritative reference and input builder live on the scoring server;
editing this copy changes nothing except your own understanding.
"""

import jax, jax.numpy as jnp
import numpy as np

N_PROJ = 50000
N_SP = 10000
E = 320000
D = 128
H = 8
C = D // H  # GATv2 out_channels per head = 16


def _layernorm(x, w, b):
    mu = jnp.mean(x, axis=-1, keepdims=True)
    var = jnp.var(x, axis=-1, keepdims=True)
    return (x - mu) / jnp.sqrt(var + 1e-5) * w + b


def setup_inputs(seed: int = 0) -> dict:
    key = jax.random.key(seed)
    ks = jax.random.split(key, 12)
    inp = {}
    inp["proj_features"] = jax.random.normal(ks[0], (N_PROJ, D), dtype=jnp.float32)
    inp["prev_scenepoint_features"] = jax.random.normal(ks[1], (N_SP, D), dtype=jnp.float32)
    inp["edge_src"] = jax.random.randint(ks[2], (E,), 0, N_PROJ, dtype=jnp.int32)
    inp["edge_dst"] = jax.random.randint(ks[3], (E,), 0, N_SP, dtype=jnp.int32)
    # norm_and_proj_scenepoint2proj: LayerNorm(128) + ReLU (no Linear since dims match)
    inp["ln1_w"] = jnp.ones((D,), dtype=jnp.float32)
    inp["ln1_b"] = jnp.zeros((D,), dtype=jnp.float32)
    # GATv2Conv params: lin_l (sources), lin_r (targets), attention vector, output bias
    inp["W_l"] = jax.random.normal(ks[4], (D, H * C), dtype=jnp.float32) * 0.05
    inp["b_l"] = jnp.zeros((H * C,), dtype=jnp.float32)
    inp["W_r"] = jax.random.normal(ks[5], (D, H * C), dtype=jnp.float32) * 0.05
    inp["b_r"] = jnp.zeros((H * C,), dtype=jnp.float32)
    inp["att"] = jax.random.normal(ks[6], (H, C), dtype=jnp.float32) * 0.1
    inp["out_bias"] = jnp.zeros((H * C,), dtype=jnp.float32)
    # norm_pre_mlp LayerNorm(128)
    inp["ln2_w"] = jnp.ones((D,), dtype=jnp.float32)
    inp["ln2_b"] = jnp.zeros((D,), dtype=jnp.float32)
    # mlp: single Linear(128,128) since n_hidden_layers_scenepoint_update=0
    inp["W_mlp"] = jax.random.normal(ks[7], (D, D), dtype=jnp.float32) * 0.05
    inp["b_mlp"] = jnp.zeros((D,), dtype=jnp.float32)
    return inp


def reference(proj_features, prev_scenepoint_features, edge_src, edge_dst,
              ln1_w, ln1_b, W_l, b_l, W_r, b_r, att, out_bias,
              ln2_w, ln2_b, W_mlp, b_mlp):
    # graph_wrapper.generate_node_features: proj nodes keep proj_features;
    # scenepoint (target) nodes get norm_and_proj_scenepoint2proj(prev_scenepoint_features)
    sp_in = jnp.maximum(_layernorm(prev_scenepoint_features, ln1_w, ln1_b), 0.0)
    # GATv2Conv (add_self_loops=False), edges go proj -> scenepoint
    h_l = (proj_features @ W_l + b_l).reshape(N_PROJ, H, C)   # source transform
    h_r = (sp_in @ W_r + b_r).reshape(N_SP, H, C)             # target transform
    e = jax.nn.leaky_relu(h_l[edge_src] + h_r[edge_dst], negative_slope=0.2)  # [E,H,C]
    logits = jnp.sum(e * att[None, :, :], axis=-1)            # [E,H]
    m = jax.ops.segment_max(logits, edge_dst, num_segments=N_SP)
    m = jnp.where(jnp.isfinite(m), m, 0.0)
    ex = jnp.exp(logits - m[edge_dst])
    denom = jax.ops.segment_sum(ex, edge_dst, num_segments=N_SP)
    alpha = ex / (denom[edge_dst] + 1e-16)                    # [E,H]
    msg = alpha[:, :, None] * h_l[edge_src]                   # [E,H,C]
    agg = jax.ops.segment_sum(msg, edge_dst, num_segments=N_SP).reshape(N_SP, H * C)
    x = agg + out_bias                                        # extract_target_node_features + squeeze(0)
    # stateful skip connection
    x = prev_scenepoint_features + x
    x_skip = x
    x = jnp.maximum(_layernorm(x, ln2_w, ln2_b), 0.0)
    x = x @ W_mlp + b_mlp
    return x_skip + x

if __name__ == "__main__":
    import jax
    _d = setup_inputs()
    print(jax.jit(kernel)(*tuple(_d.values())))

</pallas_src>

<mosaic_0001>
#map = affine_map<(d0, d1) -> (0, 0)>
#map1 = affine_map<(d0, d1) -> (0, 0, 0)>
#map2 = affine_map<(d0, d1) -> (0)>
module attributes {stable_mosaic.version = 14 : i64} {
  func.func @_edge_body(%arg0: i32, %arg1: i32, %arg2: memref<50000x64xf32, #tpu.memory_space<hbm>>, %arg3: memref<50000x64xf32, #tpu.memory_space<hbm>>, %arg4: memref<10016x64xf32, #tpu.memory_space<hbm>>, %arg5: memref<10016x64xf32, #tpu.memory_space<hbm>>, %arg6: memref<16x160x128xi32, #tpu.memory_space<hbm>>, %arg7: memref<16x160x128xi32, #tpu.memory_space<hbm>>, %arg8: memref<128xf32, #tpu.memory_space<hbm>>, %arg9: memref<632x64xf32, #tpu.memory_space<hbm>>, %arg10: memref<632x16xf32, #tpu.memory_space<hbm>>, %arg11: memref<2x10112x64xf32, #tpu.memory_space<hbm>>, %arg12: memref<2x10112x16xf32, #tpu.memory_space<hbm>>, %arg13: memref<128xi32, #tpu.memory_space<vmem>>, %arg14: memref<128xi32, #tpu.memory_space<vmem>>, %arg15: memref<128xi32, #tpu.memory_space<vmem>>, %arg16: memref<128xi32, #tpu.memory_space<vmem>>, %arg17: memref<128xi32, #tpu.memory_space<vmem>>, %arg18: memref<128xi32, #tpu.memory_space<vmem>>, %arg19: memref<128xi32, #tpu.memory_space<vmem>>, %arg20: memref<128xi32, #tpu.memory_space<vmem>>, %arg21: memref<256x64xf32, #tpu.memory_space<vmem>>, %arg22: memref<256x64xf32, #tpu.memory_space<vmem>>, %arg23: memref<256x64xf32, #tpu.memory_space<vmem>>, %arg24: memref<256x64xf32, #tpu.memory_space<vmem>>, %arg25: memref<256x16xf32, #tpu.memory_space<vmem>>, %arg26: memref<256x16xf32, #tpu.memory_space<vmem>>, %arg27: memref<64xf32, #tpu.memory_space<vmem>>, %arg28: memref<10112x64xf32, #tpu.memory_space<vmem_shared>>, %arg29: memref<10112x16xf32, #tpu.memory_space<vmem_shared>>, %arg30: memref<!tpu.dma_semaphore, #tpu.memory_space<semaphore_mem>>, %arg31: memref<!tpu.dma_semaphore, #tpu.memory_space<semaphore_mem>>, %arg32: memref<!tpu.dma_semaphore, #tpu.memory_space<semaphore_mem>>, %arg33: memref<!tpu.dma_semaphore, #tpu.memory_space<semaphore_mem>>) attributes {dimension_semantics = [#tpu.dimension_semantics<core_parallel>, #tpu.dimension_semantics<subcore_parallel>], iteration_bounds = array<i64: 2, 16>, scalar_prefetch = 0 : i64, scratch_operands = 21 : i64, tpu.core_type = #tpu.core_type<sc_vector_subcore>, window_params = [{transform_indices = #map}, {transform_indices = #map}, {transform_indices = #map}, {transform_indices = #map}, {transform_indices = #map1}, {transform_indices = #map1}, {transform_indices = #map2}, {transform_indices = #map}, {transform_indices = #map}, {transform_indices = #map1}, {transform_indices = #map1}]} {
    %mul3A = arith.constant 632 : i32
    %mul3A_0 = arith.muli %arg1, %mul3A : i32
    "tpu.region"() ({
      %run_scoped3A_53 = tpu.sem_alloc : memref<!tpu.dma_semaphore, #tpu.memory_space<semaphore_mem>>
      %dma_start3A = arith.constant 0 : i32
      %dma_start3A_54 = tpu.memref_slice %arg28[%mul3A_0, %dma_start3A] : memref<10112x64xf32, #tpu.memory_space<vmem_shared>> -> memref<632x64xf32, #tpu.memory_space<vmem_shared>>
      tpu.enqueue_dma source(%arg9 : memref<632x64xf32, #tpu.memory_space<hbm>>) target(%dma_start3A_54 : memref<632x64xf32, #tpu.memory_space<vmem_shared>>) target_semaphore(%run_scoped3A_53 : memref<!tpu.dma_semaphore, #tpu.memory_space<semaphore_mem>>)
      %dma_wait3A_55 = arith.constant 0 : i32
      %dma_wait3A_56 = tpu.memref_slice %arg28[%mul3A_0, %dma_wait3A_55] : memref<10112x64xf32, #tpu.memory_space<vmem_shared>> -> memref<632x64xf32, #tpu.memory_space<vmem_shared>>
      tpu.wait_dma2 semaphore(%run_scoped3A_53 : memref<!tpu.dma_semaphore, #tpu.memory_space<semaphore_mem>>) src(%arg9 : memref<632x64xf32, #tpu.memory_space<hbm>>) dst(%dma_wait3A_56 : memref<632x64xf32, #tpu.memory_space<vmem_shared>>)
      tpu.yield
    }) : () -> ()
    %mul3A_1 = arith.constant 632 : i32
    %mul3A_2 = arith.muli %arg1, %mul3A_1 : i32
    "tpu.region"() ({
      %run_scoped3A_53 = tpu.sem_alloc : memref<!tpu.dma_semaphore, #tpu.memory_space<semaphore_mem>>
      %dma_start3A = arith.constant 0 : i32
      %dma_start3A_54 = tpu.memref_slice %arg29[%mul3A_2, %dma_start3A] : memref<10112x16xf32, #tpu.memory_space<vmem_shared>> -> memref<632x16xf32, #tpu.memory_space<vmem_shared>>
      tpu.enqueue_dma source(%arg10 : memref<632x16xf32, #tpu.memory_space<hbm>>) target(%dma_start3A_54 : memref<632x16xf32, #tpu.memory_space<vmem_shared>>) target_semaphore(%run_scoped3A_53 : memref<!tpu.dma_semaphore, #tpu.memory_space<semaphore_mem>>)
      %dma_wait3A_55 = arith.constant 0 : i32
      %dma_wait3A_56 = tpu.memref_slice %arg29[%mul3A_2, %dma_wait3A_55] : memref<10112x16xf32, #tpu.memory_space<vmem_shared>> -> memref<632x16xf32, #tpu.memory_space<vmem_shared>>
      tpu.wait_dma2 semaphore(%run_scoped3A_53 : memref<!tpu.dma_semaphore, #tpu.memory_space<semaphore_mem>>) src(%arg10 : memref<632x16xf32, #tpu.memory_space<hbm>>) dst(%dma_wait3A_56 : memref<632x16xf32, #tpu.memory_space<vmem_shared>>)
      tpu.yield
    }) : () -> ()
    %mul3A_3 = arith.constant 64 : i32
    %mul3A_4 = arith.muli %arg0, %mul3A_3 : i32
    "tpu.region"() ({
      %run_scoped3A_53 = tpu.sem_alloc : memref<!tpu.dma_semaphore, #tpu.memory_space<semaphore_mem>>
      %dma_start3A = tpu.memref_slice %arg8[%mul3A_4] : memref<128xf32, #tpu.memory_space<hbm>> -> memref<64xf32, #tpu.memory_space<hbm>>
      %dma_start3A_54 = tpu.memref_slice %arg8[%mul3A_4] : memref<128xf32, #tpu.memory_space<hbm>> -> memref<64xf32, #tpu.memory_space<hbm>>
      tpu.enqueue_dma source(%dma_start3A_54 : memref<64xf32, #tpu.memory_space<hbm>>) target(%arg27 : memref<64xf32, #tpu.memory_space<vmem>>) target_semaphore(%run_scoped3A_53 : memref<!tpu.dma_semaphore, #tpu.memory_space<semaphore_mem>>)
      %dma_wait3A_55 = tpu.memref_slice %arg8[%mul3A_4] : memref<128xf32, #tpu.memory_space<hbm>> -> memref<64xf32, #tpu.memory_space<hbm>>
      %dma_wait3A_56 = tpu.memref_slice %arg8[%mul3A_4] : memref<128xf32, #tpu.memory_space<hbm>> -> memref<64xf32, #tpu.memory_space<hbm>>
      tpu.wait_dma2 semaphore(%run_scoped3A_53 : memref<!tpu.dma_semaphore, #tpu.memory_space<semaphore_mem>>) src(%dma_wait3A_56 : memref<64xf32, #tpu.memory_space<hbm>>) dst(%arg27 : memref<64xf32, #tpu.memory_space<vmem>>)
      tpu.yield
    }) : () -> ()
    %barrier3A = arith.constant 0 : index
    tpu.barrier barrier_id(%barrier3A)
    %iota3A = tpu.iota {dimensions = array<i32: 0>} : vector<16xi32>
    %get3A = arith.constant 0 : index
    %get3A_5 = tpu.vector_load %arg27[%get3A] {strides = array<i32>} : memref<64xf32, #tpu.memory_space<vmem>>, vector<16xf32>,
    %get3A_6 = arith.constant 16 : index
    %get3A_7 = tpu.vector_load %arg27[%get3A_6] {strides = array<i32>} : memref<64xf32, #tpu.memory_space<vmem>>, vector<16xf32>,
    %get3A_8 = arith.constant 32 : index
    %get3A_9 = tpu.vector_load %arg27[%get3A_8] {strides = array<i32>} : memref<64xf32, #tpu.memory_space<vmem>>, vector<16xf32>,
    %get3A_10 = arith.constant 48 : index
    %get3A_11 = tpu.vector_load %arg27[%get3A_10] {strides = array<i32>} : memref<64xf32, #tpu.memory_space<vmem>>, vector<16xf32>,
    %run_scoped3A = arith.constant 0 : i32
    "tpu.region"() ({
      %run_scoped3A_53 = tpu.sem_alloc : memref<!tpu.dma_semaphore, #tpu.memory_space<semaphore_mem>>
      %dma_start3A = arith.constant 0 : i32
      %dma_start3A_54 = tpu.memref_slice %arg6[%arg1, %run_scoped3A, %dma_start3A] : memref<16x160x128xi32, #tpu.memory_space<hbm>> -> memref<1x1x128xi32, #tpu.memory_space<hbm>>
      %dma_start3A_55 = tpu.memref_squeeze %dma_start3A_54 : memref<1x1x128xi32, #tpu.memory_space<hbm>> -> memref<128xi32, #tpu.memory_space<hbm>>
      %dma_start3A_56 = arith.constant 0 : i32
      %dma_start3A_57 = tpu.memref_slice %arg6[%arg1, %run_scoped3A, %dma_start3A_56] : memref<16x160x128xi32, #tpu.memory_space<hbm>> -> memref<1x1x128xi32, #tpu.memory_space<hbm>>
      %dma_start3A_58 = tpu.memref_squeeze %dma_start3A_57 : memref<1x1x128xi32, #tpu.memory_space<hbm>> -> memref<128xi32, #tpu.memory_space<hbm>>
      tpu.enqueue_dma source(%dma_start3A_58 : memref<128xi32, #tpu.memory_space<hbm>>) target(%arg13 : memref<128xi32, #tpu.memory_space<vmem>>) target_semaphore(%run_scoped3A_53 : memref<!tpu.dma_semaphore, #tpu.memory_space<semaphore_mem>>)
      %dma_wait3A_59 = arith.constant 0 : i32
      %dma_wait3A_60 = tpu.memref_slice %arg6[%arg1, %run_scoped3A, %dma_wait3A_59] : memref<16x160x128xi32, #tpu.memory_space<hbm>> -> memref<1x1x128xi32, #tpu.memory_space<hbm>>
      %dma_wait3A_61 = tpu.memref_squeeze %dma_wait3A_60 : memref<1x1x128xi32, #tpu.memory_space<hbm>> -> memref<128xi32, #tpu.memory_space<hbm>>
      %dma_wait3A_62 = arith.constant 0 : i32
      %dma_wait3A_63 = tpu.memref_slice %arg6[%arg1, %run_scoped3A, %dma_wait3A_62] : memref<16x160x128xi32, #tpu.memory_space<hbm>> -> memref<1x1x128xi32, #tpu.memory_space<hbm>>
      %dma_wait3A_64 = tpu.memref_squeeze %dma_wait3A_63 : memref<1x1x128xi32, #tpu.memory_space<hbm>> -> memref<128xi32, #tpu.memory_space<hbm>>
      tpu.wait_dma2 semaphore(%run_scoped3A_53 : memref<!tpu.dma_semaphore, #tpu.memory_space<semaphore_mem>>) src(%dma_wait3A_64 : memref<128xi32, #tpu.memory_space<hbm>>) dst(%arg13 : memref<128xi32, #tpu.memory_space<vmem>>)
      tpu.yield
    }) : () -> ()
    %run_scoped3A_12 = arith.constant 0 : i32
    "tpu.region"() ({
      %run_scoped3A_53 = tpu.sem_alloc : memref<!tpu.dma_semaphore, #tpu.memory_space<semaphore_mem>>
      %dma_start3A = arith.constant 0 : i32
      %dma_start3A_54 = tpu.memref_slice %arg7[%arg1, %run_scoped3A_12, %dma_start3A] : memref<16x160x128xi32, #tpu.memory_space<hbm>> -> memref<1x1x128xi32, #tpu.memory_space<hbm>>
      %dma_start3A_55 = tpu.memref_squeeze %dma_start3A_54 : memref<1x1x128xi32, #tpu.memory_space<hbm>> -> memref<128xi32, #tpu.memory_space<hbm>>
      %dma_start3A_56 = arith.constant 0 : i32
      %dma_start3A_57 = tpu.memref_slice %arg7[%arg1, %run_scoped3A_12, %dma_start3A_56] : memref<16x160x128xi32, #tpu.memory_space<hbm>> -> memref<1x1x128xi32, #tpu.memory_space<hbm>>
      %dma_start3A_58 = tpu.memref_squeeze %dma_start3A_57 : memref<1x1x128xi32, #tpu.memory_space<hbm>> -> memref<128xi32, #tpu.memory_space<hbm>>
      tpu.enqueue_dma source(%dma_start3A_58 : memref<128xi32, #tpu.memory_space<hbm>>) target(%arg15 : memref<128xi32, #tpu.memory_space<vmem>>) target_semaphore(%run_scoped3A_53 : memref<!tpu.dma_semaphore, #tpu.memory_space<semaphore_mem>>)
      %dma_wait3A_59 = arith.constant 0 : i32
      %dma_wait3A_60 = tpu.memref_slice %arg7[%arg1, %run_scoped3A_12, %dma_wait3A_59] : memref<16x160x128xi32, #tpu.memory_space<hbm>> -> memref<1x1x128xi32, #tpu.memory_space<hbm>>
      %dma_wait3A_61 = tpu.memref_squeeze %dma_wait3A_60 : memref<1x1x128xi32, #tpu.memory_space<hbm>> -> memref<128xi32, #tpu.memory_space<hbm>>
      %dma_wait3A_62 = arith.constant 0 : i32
      %dma_wait3A_63 = tpu.memref_slice %arg7[%arg1, %run_scoped3A_12, %dma_wait3A_62] : memref<16x160x128xi32, #tpu.memory_space<hbm>> -> memref<1x1x128xi32, #tpu.memory_space<hbm>>
      %dma_wait3A_64 = tpu.memref_squeeze %dma_wait3A_63 : memref<1x1x128xi32, #tpu.memory_space<hbm>> -> memref<128xi32, #tpu.memory_space<hbm>>
      tpu.wait_dma2 semaphore(%run_scoped3A_53 : memref<!tpu.dma_semaphore, #tpu.memory_space<semaphore_mem>>) src(%dma_wait3A_64 : memref<128xi32, #tpu.memory_space<hbm>>) dst(%arg15 : memref<128xi32, #tpu.memory_space<vmem>>)
      tpu.yield
    }) : () -> ()
    %run_scoped3A_13 = arith.constant 1 : i32
    "tpu.region"() ({
      %run_scoped3A_53 = tpu.sem_alloc : memref<!tpu.dma_semaphore, #tpu.memory_space<semaphore_mem>>
      %dma_start3A = arith.constant 0 : i32
      %dma_start3A_54 = tpu.memref_slice %arg6[%arg1, %run_scoped3A_13, %dma_start3A] : memref<16x160x128xi32, #tpu.memory_space<hbm>> -> memref<1x1x128xi32, #tpu.memory_space<hbm>>
      %dma_start3A_55 = tpu.memref_squeeze %dma_start3A_54 : memref<1x1x128xi32, #tpu.memory_space<hbm>> -> memref<128xi32, #tpu.memory_space<hbm>>
      %dma_start3A_56 = arith.constant 0 : i32
      %dma_start3A_57 = tpu.memref_slice %arg6[%arg1, %run_scoped3A_13, %dma_start3A_56] : memref<16x160x128xi32, #tpu.memory_space<hbm>> -> memref<1x1x128xi32, #tpu.memory_space<hbm>>
      %dma_start3A_58 = tpu.memref_squeeze %dma_start3A_57 : memref<1x1x128xi32, #tpu.memory_space<hbm>> -> memref<128xi32, #tpu.memory_space<hbm>>
      tpu.enqueue_dma source(%dma_start3A_58 : memref<128xi32, #tpu.memory_space<hbm>>) target(%arg14 : memref<128xi32, #tpu.memory_space<vmem>>) target_semaphore(%run_scoped3A_53 : memref<!tpu.dma_semaphore, #tpu.memory_space<semaphore_mem>>)
      %dma_wait3A_59 = arith.constant 0 : i32
      %dma_wait3A_60 = tpu.memref_slice %arg6[%arg1, %run_scoped3A_13, %dma_wait3A_59] : memref<16x160x128xi32, #tpu.memory_space<hbm>> -> memref<1x1x128xi32, #tpu.memory_space<hbm>>
      %dma_wait3A_61 = tpu.memref_squeeze %dma_wait3A_60 : memref<1x1x128xi32, #tpu.memory_space<hbm>> -> memref<128xi32, #tpu.memory_space<hbm>>
      %dma_wait3A_62 = arith.constant 0 : i32
      %dma_wait3A_63 = tpu.memref_slice %arg6[%arg1, %run_scoped3A_13, %dma_wait3A_62] : memref<16x160x128xi32, #tpu.memory_space<hbm>> -> memref<1x1x128xi32, #tpu.memory_space<hbm>>
      %dma_wait3A_64 = tpu.memref_squeeze %dma_wait3A_63 : memref<1x1x128xi32, #tpu.memory_space<hbm>> -> memref<128xi32, #tpu.memory_space<hbm>>
      tpu.wait_dma2 semaphore(%run_scoped3A_53 : memref<!tpu.dma_semaphore, #tpu.memory_space<semaphore_mem>>) src(%dma_wait3A_64 : memref<128xi32, #tpu.memory_space<hbm>>) dst(%arg14 : memref<128xi32, #tpu.memory_space<vmem>>)
      tpu.yield
    }) : () -> ()
    %run_scoped3A_14 = arith.constant 1 : i32
    "tpu.region"() ({
      %run_scoped3A_53 = tpu.sem_alloc : memref<!tpu.dma_semaphore, #tpu.memory_space<semaphore_mem>>
      %dma_start3A = arith.constant 0 : i32
      %dma_start3A_54 = tpu.memref_slice %arg7[%arg1, %run_scoped3A_14, %dma_start3A] : memref<16x160x128xi32, #tpu.memory_space<hbm>> -> memref<1x1x128xi32, #tpu.memory_space<hbm>>
      %dma_start3A_55 = tpu.memref_squeeze %dma_start3A_54 : memref<1x1x128xi32, #tpu.memory_space<hbm>> -> memref<128xi32, #tpu.memory_space<hbm>>
      %dma_start3A_56 = arith.constant 0 : i32
      %dma_start3A_57 = tpu.memref_slice %arg7[%arg1, %run_scoped3A_14, %dma_start3A_56] : memref<16x160x128xi32, #tpu.memory_space<hbm>> -> memref<1x1x128xi32, #tpu.memory_space<hbm>>
      %dma_start3A_58 = tpu.memref_squeeze %dma_start3A_57 : memref<1x1x128xi32, #tpu.memory_space<hbm>> -> memref<128xi32, #tpu.memory_space<hbm>>
      tpu.enqueue_dma source(%dma_start3A_58 : memref<128xi32, #tpu.memory_space<hbm>>) target(%arg16 : memref<128xi32, #tpu.memory_space<vmem>>) target_semaphore(%run_scoped3A_53 : memref<!tpu.dma_semaphore, #tpu.memory_space<semaphore_mem>>)
      %dma_wait3A_59 = arith.constant 0 : i32
      %dma_wait3A_60 = tpu.memref_slice %arg7[%arg1, %run_scoped3A_14, %dma_wait3A_59] : memref<16x160x128xi32, #tpu.memory_space<hbm>> -> memref<1x1x128xi32, #tpu.memory_space<hbm>>
      %dma_wait3A_61 = tpu.memref_squeeze %dma_wait3A_60 : memref<1x1x128xi32, #tpu.memory_space<hbm>> -> memref<128xi32, #tpu.memory_space<hbm>>
      %dma_wait3A_62 = arith.constant 0 : i32
      %dma_wait3A_63 = tpu.memref_slice %arg7[%arg1, %run_scoped3A_14, %dma_wait3A_62] : memref<16x160x128xi32, #tpu.memory_space<hbm>> -> memref<1x1x128xi32, #tpu.memory_space<hbm>>
      %dma_wait3A_64 = tpu.memref_squeeze %dma_wait3A_63 : memref<1x1x128xi32, #tpu.memory_space<hbm>> -> memref<128xi32, #tpu.memory_space<hbm>>
      tpu.wait_dma2 semaphore(%run_scoped3A_53 : memref<!tpu.dma_semaphore, #tpu.memory_space<semaphore_mem>>) src(%dma_wait3A_64 : memref<128xi32, #tpu.memory_space<hbm>>) dst(%arg16 : memref<128xi32, #tpu.memory_space<vmem>>)
      tpu.yield
    }) : () -> ()
    %eq3A = arith.constant 0 : i32
    %eq3A_15 = arith.cmpi eq, %arg0, %eq3A : i32
    %convert_element_type3A = arith.extui %eq3A_15 : i1 to i32
    %cond3A = arith.constant 0 : i32
    %cond3A_16 = arith.cmpi ne, %convert_element_type3A, %cond3A : i32
    scf.if %cond3A_16 {
      %dma_start3A = arith.constant 0 : i32
      %dma_start3A_53 = arith.constant 0 : i32
      %dma_start3A_54 = tpu.memref_slice %arg21[%dma_start3A, %dma_start3A_53] : memref<256x64xf32, #tpu.memory_space<vmem>> -> memref<128x64xf32, #tpu.memory_space<vmem>>
      %dma_start3A_55 = arith.constant 0 : i32
      %dma_start3A_56 = arith.constant 0 : i32
      %dma_start3A_57 = tpu.memref_slice %arg2[%dma_start3A_55, %dma_start3A_56] : memref<50000x64xf32, #tpu.memory_space<hbm>> -> memref<50000x64xf32, #tpu.memory_space<hbm>>
      tpu.enqueue_indirect_dma source(%dma_start3A_57 : memref<50000x64xf32, #tpu.memory_space<hbm>>) target(%dma_start3A_54 : memref<128x64xf32, #tpu.memory_space<vmem>>) offsets(%arg13 : memref<128xi32, #tpu.memory_space<vmem>>) semaphore(%arg30 : memref<!tpu.dma_semaphore, #tpu.memory_space<semaphore_mem>>)
      %dma_start3A_58 = arith.constant 0 : i32
      %dma_start3A_59 = arith.constant 0 : i32
      %dma_start3A_60 = tpu.memref_slice %arg23[%dma_start3A_58, %dma_start3A_59] : memref<256x64xf32, #tpu.memory_space<vmem>> -> memref<128x64xf32, #tpu.memory_space<vmem>>
      %dma_start3A_61 = arith.constant 0 : i32
      %dma_start3A_62 = arith.constant 0 : i32
      %dma_start3A_63 = tpu.memref_slice %arg4[%dma_start3A_61, %dma_start3A_62] : memref<10016x64xf32, #tpu.memory_space<hbm>> -> memref<10016x64xf32, #tpu.memory_space<hbm>>
      tpu.enqueue_indirect_dma source(%dma_start3A_63 : memref<10016x64xf32, #tpu.memory_space<hbm>>) target(%dma_start3A_60 : memref<128x64xf32, #tpu.memory_space<vmem>>) offsets(%arg15 : memref<128xi32, #tpu.memory_space<vmem>>) semaphore(%arg30 : memref<!tpu.dma_semaphore, #tpu.memory_space<semaphore_mem>>)
      %dma_start3A_64 = arith.constant 128 : i32
      %dma_start3A_65 = arith.constant 0 : i32
      %dma_start3A_66 = tpu.memref_slice %arg21[%dma_start3A_64, %dma_start3A_65] : memref<256x64xf32, #tpu.memory_space<vmem>> -> memref<128x64xf32, #tpu.memory_space<vmem>>
      %dma_start3A_67 = arith.constant 0 : i32
      %dma_start3A_68 = arith.constant 0 : i32
      %dma_start3A_69 = tpu.memref_slice %arg2[%dma_start3A_67, %dma_start3A_68] : memref<50000x64xf32, #tpu.memory_space<hbm>> -> memref<50000x64xf32, #tpu.memory_space<hbm>>
      tpu.enqueue_indirect_dma source(%dma_start3A_69 : memref<50000x64xf32, #tpu.memory_space<hbm>>) target(%dma_start3A_66 : memref<128x64xf32, #tpu.memory_space<vmem>>) offsets(%arg14 : memref<128xi32, #tpu.memory_space<vmem>>) semaphore(%arg30 : memref<!tpu.dma_semaphore, #tpu.memory_space<semaphore_mem>>)
      %dma_start3A_70 = arith.constant 128 : i32
      %dma_start3A_71 = arith.constant 0 : i32
      %dma_start3A_72 = tpu.memref_slice %arg23[%dma_start3A_70, %dma_start3A_71] : memref<256x64xf32, #tpu.memory_space<vmem>> -> memref<128x64xf32, #tpu.memory_space<vmem>>
      %dma_start3A_73 = arith.constant 0 : i32
      %dma_start3A_74 = arith.constant 0 : i32
      %dma_start3A_75 = tpu.memref_slice %arg4[%dma_start3A_73, %dma_start3A_74] : memref<10016x64xf32, #tpu.memory_space<hbm>> -> memref<10016x64xf32, #tpu.memory_space<hbm>>
      tpu.enqueue_indirect_dma source(%dma_start3A_75 : memref<10016x64xf32, #tpu.memory_space<hbm>>) target(%dma_start3A_72 : memref<128x64xf32, #tpu.memory_space<vmem>>) offsets(%arg16 : memref<128xi32, #tpu.memory_space<vmem>>) semaphore(%arg30 : memref<!tpu.dma_semaphore, #tpu.memory_space<semaphore_mem>>)
    } else {
    }
    %eq3A_17 = arith.constant 1 : i32
    %eq3A_18 = arith.cmpi eq, %arg0, %eq3A_17 : i32
    %convert_element_type3A_19 = arith.extui %eq3A_18 : i1 to i32
    %cond3A_20 = arith.constant 0 : i32
    %cond3A_21 = arith.cmpi ne, %convert_element_type3A_19, %cond3A_20 : i32
    scf.if %cond3A_21 {
      %dma_start3A = arith.constant 0 : i32
      %dma_start3A_53 = arith.constant 0 : i32
      %dma_start3A_54 = tpu.memref_slice %arg21[%dma_start3A, %dma_start3A_53] : memref<256x64xf32, #tpu.memory_space<vmem>> -> memref<128x64xf32, #tpu.memory_space<vmem>>
      %dma_start3A_55 = arith.constant 0 : i32
      %dma_start3A_56 = arith.constant 0 : i32
      %dma_start3A_57 = tpu.memref_slice %arg3[%dma_start3A_55, %dma_start3A_56] : memref<50000x64xf32, #tpu.memory_space<hbm>> -> memref<50000x64xf32, #tpu.memory_space<hbm>>
      tpu.enqueue_indirect_dma source(%dma_start3A_57 : memref<50000x64xf32, #tpu.memory_space<hbm>>) target(%dma_start3A_54 : memref<128x64xf32, #tpu.memory_space<vmem>>) offsets(%arg13 : memref<128xi32, #tpu.memory_space<vmem>>) semaphore(%arg30 : memref<!tpu.dma_semaphore, #tpu.memory_space<semaphore_mem>>)
      %dma_start3A_58 = arith.constant 0 : i32
      %dma_start3A_59 = arith.constant 0 : i32
      %dma_start3A_60 = tpu.memref_slice %arg23[%dma_start3A_58, %dma_start3A_59] : memref<256x64xf32, #tpu.memory_space<vmem>> -> memref<128x64xf32, #tpu.memory_space<vmem>>
      %dma_start3A_61 = arith.constant 0 : i32
      %dma_start3A_62 = arith.constant 0 : i32
      %dma_start3A_63 = tpu.memref_slice %arg5[%dma_start3A_61, %dma_start3A_62] : memref<10016x64xf32, #tpu.memory_space<hbm>> -> memref<10016x64xf32, #tpu.memory_space<hbm>>
      tpu.enqueue_indirect_dma source(%dma_start3A_63 : memref<10016x64xf32, #tpu.memory_space<hbm>>) target(%dma_start3A_60 : memref<128x64xf32, #tpu.memory_space<vmem>>) offsets(%arg15 : memref<128xi32, #tpu.memory_space<vmem>>) semaphore(%arg30 : memref<!tpu.dma_semaphore, #tpu.memory_space<semaphore_mem>>)
      %dma_start3A_64 = arith.constant 128 : i32
      %dma_start3A_65 = arith.constant 0 : i32
      %dma_start3A_66 = tpu.memref_slice %arg21[%dma_start3A_64, %dma_start3A_65] : memref<256x64xf32, #tpu.memory_space<vmem>> -> memref<128x64xf32, #tpu.memory_space<vmem>>
      %dma_start3A_67 = arith.constant 0 : i32
      %dma_start3A_68 = arith.constant 0 : i32
      %dma_start3A_69 = tpu.memref_slice %arg3[%dma_start3A_67, %dma_start3A_68] : memref<50000x64xf32, #tpu.memory_space<hbm>> -> memref<50000x64xf32, #tpu.memory_space<hbm>>
      tpu.enqueue_indirect_dma source(%dma_start3A_69 : memref<50000x64xf32, #tpu.memory_space<hbm>>) target(%dma_start3A_66 : memref<128x64xf32, #tpu.memory_space<vmem>>) offsets(%arg14 : memref<128xi32, #tpu.memory_space<vmem>>) semaphore(%arg30 : memref<!tpu.dma_semaphore, #tpu.memory_space<semaphore_mem>>)
      %dma_start3A_70 = arith.constant 128 : i32
      %dma_start3A_71 = arith.constant 0 : i32
      %dma_start3A_72 = tpu.memref_slice %arg23[%dma_start3A_70, %dma_start3A_71] : memref<256x64xf32, #tpu.memory_space<vmem>> -> memref<128x64xf32, #tpu.memory_space<vmem>>
      %dma_start3A_73 = arith.constant 0 : i32
      %dma_start3A_74 = arith.constant 0 : i32
      %dma_start3A_75 = tpu.memref_slice %arg5[%dma_start3A_73, %dma_start3A_74] : memref<10016x64xf32, #tpu.memory_space<hbm>> -> memref<10016x64xf32, #tpu.memory_space<hbm>>
      tpu.enqueue_indirect_dma source(%dma_start3A_75 : memref<10016x64xf32, #tpu.memory_space<hbm>>) target(%dma_start3A_72 : memref<128x64xf32, #tpu.memory_space<vmem>>) offsets(%arg16 : memref<128xi32, #tpu.memory_space<vmem>>) semaphore(%arg30 : memref<!tpu.dma_semaphore, #tpu.memory_space<semaphore_mem>>)
    } else {
    }
    %scan3A = arith.constant 0 : i32
    %scan3A_22 = arith.constant 0 : i32
    %scan3A_23 = arith.constant 40 : i32
    %scan3A_24 = arith.addi %scan3A_22, %scan3A_23 : i32
    %scan3A_25 = arith.constant 1 : i32
    scf.for %scan3A_53 = %scan3A_22 to %scan3A_24 step %scan3A_25  : i32 {
      %mul3A_54 = arith.constant 2 : i32
      %mul3A_55 = arith.muli %scan3A_53, %mul3A_54 : i32
      %add3A = arith.constant 0 : i32
      %add3A_56 = arith.addi %mul3A_55, %add3A : i32
      %ge3A = arith.constant 1 : i32
      %ge3A_57 = arith.cmpi sge, %add3A_56, %ge3A : i32
      %convert_element_type3A_58 = arith.extui %ge3A_57 : i1 to i32
      %cond3A_59 = arith.constant 0 : i32
      %cond3A_60 = arith.cmpi ne, %convert_element_type3A_58, %cond3A_59 : i32
      scf.if %cond3A_60 {
        %dma_wait3A_183 = arith.constant 0 : i32
        %dma_wait3A_184 = arith.constant 0 : i32
        %dma_wait3A_185 = tpu.memref_slice %arg22[%dma_wait3A_183, %dma_wait3A_184] : memref<256x64xf32, #tpu.memory_space<vmem>> -> memref<128x64xf32, #tpu.memory_space<vmem>>
        %dma_wait3A_186 = arith.constant 0 : i32
        %dma_wait3A_187 = arith.constant 0 : i32
        %dma_wait3A_188 = tpu.memref_slice %arg28[%dma_wait3A_186, %dma_wait3A_187] : memref<10112x64xf32, #tpu.memory_space<vmem_shared>> -> memref<10112x64xf32, #tpu.memory_space<vmem_shared>>
        tpu.wait_indirect_dma semaphore(%arg33 : memref<!tpu.dma_semaphore, #tpu.memory_space<semaphore_mem>>) src(%dma_wait3A_185 : memref<128x64xf32, #tpu.memory_space<vmem>>) dst(%dma_wait3A_188 : memref<10112x64xf32, #tpu.memory_space<vmem_shared>>)
        %dma_wait3A_189 = arith.constant 0 : i32
        %dma_wait3A_190 = arith.constant 0 : i32
        %dma_wait3A_191 = tpu.memref_slice %arg26[%dma_wait3A_189, %dma_wait3A_190] : memref<256x16xf32, #tpu.memory_space<vmem>> -> memref<128x16xf32, #tpu.memory_space<vmem>>
        %dma_wait3A_192 = arith.constant 0 : i32
        %dma_wait3A_193 = arith.constant 0 : i32
        %dma_wait3A_194 = tpu.memref_slice %arg29[%dma_wait3A_192, %dma_wait3A_193] : memref<10112x16xf32, #tpu.memory_space<vmem_shared>> -> memref<10112x16xf32, #tpu.memory_space<vmem_shared>>
        tpu.wait_indirect_dma semaphore(%arg33 : memref<!tpu.dma_semaphore, #tpu.memory_space<semaphore_mem>>) src(%dma_wait3A_191 : memref<128x16xf32, #tpu.memory_space<vmem>>) dst(%dma_wait3A_194 : memref<10112x16xf32, #tpu.memory_space<vmem_shared>>)
        %dma_wait3A_195 = arith.constant 128 : i32
        %dma_wait3A_196 = arith.constant 0 : i32
        %dma_wait3A_197 = tpu.memref_slice %arg22[%dma_wait3A_195, %dma_wait3A_196] : memref<256x64xf32, #tpu.memory_space<vmem>> -> memref<128x64xf32, #tpu.memory_space<vmem>>
        %dma_wait3A_198 = arith.constant 0 : i32
        %dma_wait3A_199 = arith.constant 0 : i32
        %dma_wait3A_200 = tpu.memref_slice %arg28[%dma_wait3A_198, %dma_wait3A_199] : memref<10112x64xf32, #tpu.memory_space<vmem_shared>> -> memref<10112x64xf32, #tpu.memory_space<vmem_shared>>
        tpu.wait_indirect_dma semaphore(%arg33 : memref<!tpu.dma_semaphore, #tpu.memory_space<semaphore_mem>>) src(%dma_wait3A_197 : memref<128x64xf32, #tpu.memory_space<vmem>>) dst(%dma_wait3A_200 : memref<10112x64xf32, #tpu.memory_space<vmem_shared>>)
        %dma_wait3A_201 = arith.constant 128 : i32
        %dma_wait3A_202 = arith.constant 0 : i32
        %dma_wait3A_203 = tpu.memref_slice %arg26[%dma_wait3A_201, %dma_wait3A_202] : memref<256x16xf32, #tpu.memory_space<vmem>> -> memref<128x16xf32, #tpu.memory_space<vmem>>
        %dma_wait3A_204 = arith.constant 0 : i32
        %dma_wait3A_205 = arith.constant 0 : i32
        %dma_wait3A_206 = tpu.memref_slice %arg29[%dma_wait3A_204, %dma_wait3A_205] : memref<10112x16xf32, #tpu.memory_space<vmem_shared>> -> memref<10112x16xf32, #tpu.memory_space<vmem_shared>>
        tpu.wait_indirect_dma semaphore(%arg33 : memref<!tpu.dma_semaphore, #tpu.memory_space<semaphore_mem>>) src(%dma_wait3A_203 : memref<128x16xf32, #tpu.memory_space<vmem>>) dst(%dma_wait3A_206 : memref<10112x16xf32, #tpu.memory_space<vmem_shared>>)
      } else {
      }
      %add3A_61 = arith.constant 1 : i32
      %add3A_62 = arith.addi %add3A_56, %add3A_61 : i32
      %lt3A = arith.constant 80 : i32
      %lt3A_63 = arith.cmpi slt, %add3A_62, %lt3A : i32
      %convert_element_type3A_64 = arith.extui %lt3A_63 : i1 to i32
      %cond3A_65 = arith.constant 0 : i32
      %cond3A_66 = arith.cmpi ne, %convert_element_type3A_64, %cond3A_65 : i32
      scf.if %cond3A_66 {
        %add3A_183 = arith.constant 1 : i32
        %add3A_184 = arith.addi %add3A_56, %add3A_183 : i32
        %mul3A_185 = arith.constant 2 : i32
        %mul3A_186 = arith.muli %add3A_184, %mul3A_185 : i32
        %add3A_187 = arith.constant 0 : i32
        %add3A_188 = arith.addi %mul3A_186, %add3A_187 : i32
        "tpu.region"() ({
          %run_scoped3A_205 = tpu.sem_alloc : memref<!tpu.dma_semaphore, #tpu.memory_space<semaphore_mem>>
          %dma_start3A_206 = arith.constant 0 : i32
          %dma_start3A_207 = tpu.memref_slice %arg6[%arg1, %add3A_188, %dma_start3A_206] : memref<16x160x128xi32, #tpu.memory_space<hbm>> -> memref<1x1x128xi32, #tpu.memory_space<hbm>>
          %dma_start3A_208 = tpu.memref_squeeze %dma_start3A_207 : memref<1x1x128xi32, #tpu.memory_space<hbm>> -> memref<128xi32, #tpu.memory_space<hbm>>
          %dma_start3A_209 = arith.constant 0 : i32
          %dma_start3A_210 = tpu.memref_slice %arg6[%arg1, %add3A_188, %dma_start3A_209] : memref<16x160x128xi32, #tpu.memory_space<hbm>> -> memref<1x1x128xi32, #tpu.memory_space<hbm>>
          %dma_start3A_211 = tpu.memref_squeeze %dma_start3A_210 : memref<1x1x128xi32, #tpu.memory_space<hbm>> -> memref<128xi32, #tpu.memory_space<hbm>>
          tpu.enqueue_dma source(%dma_start3A_211 : memref<128xi32, #tpu.memory_space<hbm>>) target(%arg17 : memref<128xi32, #tpu.memory_space<vmem>>) target_semaphore(%run_scoped3A_205 : memref<!tpu.dma_semaphore, #tpu.memory_space<semaphore_mem>>)
          %dma_wait3A_212 = arith.constant 0 : i32
          %dma_wait3A_213 = tpu.memref_slice %arg6[%arg1, %add3A_188, %dma_wait3A_212] : memref<16x160x128xi32, #tpu.memory_space<hbm>> -> memref<1x1x128xi32, #tpu.memory_space<hbm>>
          %dma_wait3A_214 = tpu.memref_squeeze %dma_wait3A_213 : memref<1x1x128xi32, #tpu.memory_space<hbm>> -> memref<128xi32, #tpu.memory_space<hbm>>
          %dma_wait3A_215 = arith.constant 0 : i32
          %dma_wait3A_216 = tpu.memref_slice %arg6[%arg1, %add3A_188, %dma_wait3A_215] : memref<16x160x128xi32, #tpu.memory_space<hbm>> -> memref<1x1x128xi32, #tpu.memory_space<hbm>>
          %dma_wait3A_217 = tpu.memref_squeeze %dma_wait3A_216 : memref<1x1x128xi32, #tpu.memory_space<hbm>> -> memref<128xi32, #tpu.memory_space<hbm>>
          tpu.wait_dma2 semaphore(%run_scoped3A_205 : memref<!tpu.dma_semaphore, #tpu.memory_space<semaphore_mem>>) src(%dma_wait3A_217 : memref<128xi32, #tpu.memory_space<hbm>>) dst(%arg17 : memref<128xi32, #tpu.memory_space<vmem>>)
          tpu.yield
        }) : () -> ()
        %add3A_189 = arith.constant 0 : i32
        %add3A_190 = arith.addi %mul3A_186, %add3A_189 : i32
        "tpu.region"() ({
          %run_scoped3A_205 = tpu.sem_alloc : memref<!tpu.dma_semaphore, #tpu.memory_space<semaphore_mem>>
          %dma_start3A_206 = arith.constant 0 : i32
          %dma_start3A_207 = tpu.memref_slice %arg7[%arg1, %add3A_190, %dma_start3A_206] : memref<16x160x128xi32, #tpu.memory_space<hbm>> -> memref<1x1x128xi32, #tpu.memory_space<hbm>>
          %dma_start3A_208 = tpu.memref_squeeze %dma_start3A_207 : memref<1x1x128xi32, #tpu.memory_space<hbm>> -> memref<128xi32, #tpu.memory_space<hbm>>
          %dma_start3A_209 = arith.constant 0 : i32
          %dma_start3A_210 = tpu.memref_slice %arg7[%arg1, %add3A_190, %dma_start3A_209] : memref<16x160x128xi32, #tpu.memory_space<hbm>> -> memref<1x1x128xi32, #tpu.memory_space<hbm>>
          %dma_start3A_211 = tpu.memref_squeeze %dma_start3A_210 : memref<1x1x128xi32, #tpu.memory_space<hbm>> -> memref<128xi32, #tpu.memory_space<hbm>>
          tpu.enqueue_dma source(%dma_start3A_211 : memref<128xi32, #tpu.memory_space<hbm>>) target(%arg19 : memref<128xi32, #tpu.memory_space<vmem>>) target_semaphore(%run_scoped3A_205 : memref<!tpu.dma_semaphore, #tpu.memory_space<semaphore_mem>>)
          %dma_wait3A_212 = arith.constant 0 : i32
          %dma_wait3A_213 = tpu.memref_slice %arg7[%arg1, %add3A_190, %dma_wait3A_212] : memref<16x160x128xi32, #tpu.memory_space<hbm>> -> memref<1x1x128xi32, #tpu.memory_space<hbm>>
          %dma_wait3A_214 = tpu.memref_squeeze %dma_wait3A_213 : memref<1x1x128xi32, #tpu.memory_space<hbm>> -> memref<128xi32, #tpu.memory_space<hbm>>
          %dma_wait3A_215 = arith.constant 0 : i32
          %dma_wait3A_216 = tpu.memref_slice %arg7[%arg1, %add3A_190, %dma_wait3A_215] : memref<16x160x128xi32, #tpu.memory_space<hbm>> -> memref<1x1x128xi32, #tpu.memory_space<hbm>>
          %dma_wait3A_217 = tpu.memref_squeeze %dma_wait3A_216 : memref<1x1x128xi32, #tpu.memory_space<hbm>> -> memref<128xi32, #tpu.memory_space<hbm>>
          tpu.wait_dma2 semaphore(%run_scoped3A_205 : memref<!tpu.dma_semaphore, #tpu.memory_space<semaphore_mem>>) src(%dma_wait3A_217 : memref<128xi32, #tpu.memory_space<hbm>>) dst(%arg19 : memref<128xi32, #tpu.memory_space<vmem>>)
          tpu.yield
        }) : () -> ()
        %add3A_191 = arith.constant 1 : i32
        %add3A_192 = arith.addi %mul3A_186, %add3A_191 : i32
        "tpu.region"() ({
          %run_scoped3A_205 = tpu.sem_alloc : memref<!tpu.dma_semaphore, #tpu.memory_space<semaphore_mem>>
          %dma_start3A_206 = arith.constant 0 : i32
          %dma_start3A_207 = tpu.memref_slice %arg6[%arg1, %add3A_192, %dma_start3A_206] : memref<16x160x128xi32, #tpu.memory_space<hbm>> -> memref<1x1x128xi32, #tpu.memory_space<hbm>>
          %dma_start3A_208 = tpu.memref_squeeze %dma_start3A_207 : memref<1x1x128xi32, #tpu.memory_space<hbm>> -> memref<128xi32, #tpu.memory_space<hbm>>
          %dma_start3A_209 = arith.constant 0 : i32
          %dma_start3A_210 = tpu.memref_slice %arg6[%arg1, %add3A_192, %dma_start3A_209] : memref<16x160x128xi32, #tpu.memory_space<hbm>> -> memref<1x1x128xi32, #tpu.memory_space<hbm>>
          %dma_start3A_211 = tpu.memref_squeeze %dma_start3A_210 : memref<1x1x128xi32, #tpu.memory_space<hbm>> -> memref<128xi32, #tpu.memory_space<hbm>>
          tpu.enqueue_dma source(%dma_start3A_211 : memref<128xi32, #tpu.memory_space<hbm>>) target(%arg18 : memref<128xi32, #tpu.memory_space<vmem>>) target_semaphore(%run_scoped3A_205 : memref<!tpu.dma_semaphore, #tpu.memory_space<semaphore_mem>>)
          %dma_wait3A_212 = arith.constant 0 : i32
          %dma_wait3A_213 = tpu.memref_slice %arg6[%arg1, %add3A_192, %dma_wait3A_212] : memref<16x160x128xi32, #tpu.memory_space<hbm>> -> memref<1x1x128xi32, #tpu.memory_space<hbm>>
          %dma_wait3A_214 = tpu.memref_squeeze %dma_wait3A_213 : memref<1x1x128xi32, #tpu.memory_space<hbm>> -> memref<128xi32, #tpu.memory_space<hbm>>
          %dma_wait3A_215 = arith.constant 0 : i32
          %dma_wait3A_216 = tpu.memref_slice %arg6[%arg1, %add3A_192, %dma_wait3A_215] : memref<16x160x128xi32, #tpu.memory_space<hbm>> -> memref<1x1x128xi32, #tpu.memory_space<hbm>>
          %dma_wait3A_217 = tpu.memref_squeeze %dma_wait3A_216 : memref<1x1x128xi32, #tpu.memory_space<hbm>> -> memref<128xi32, #tpu.memory_space<hbm>>
          tpu.wait_dma2 semaphore(%run_scoped3A_205 : memref<!tpu.dma_semaphore, #tpu.memory_space<semaphore_mem>>) src(%dma_wait3A_217 : memref<128xi32, #tpu.memory_space<hbm>>) dst(%arg18 : memref<128xi32, #tpu.memory_space<vmem>>)
          tpu.yield
        }) : () -> ()
        %add3A_193 = arith.constant 1 : i32
        %add3A_194 = arith.addi %mul3A_186, %add3A_193 : i32
        "tpu.region"() ({
          %run_scoped3A_205 = tpu.sem_alloc : memref<!tpu.dma_semaphore, #tpu.memory_space<semaphore_mem>>
          %dma_start3A_206 = arith.constant 0 : i32
          %dma_start3A_207 = tpu.memref_slice %arg7[%arg1, %add3A_194, %dma_start3A_206] : memref<16x160x128xi32, #tpu.memory_space<hbm>> -> memref<1x1x128xi32, #tpu.memory_space<hbm>>
          %dma_start3A_208 = tpu.memref_squeeze %dma_start3A_207 : memref<1x1x128xi32, #tpu.memory_space<hbm>> -> memref<128xi32, #tpu.memory_space<hbm>>
          %dma_start3A_209 = arith.constant 0 : i32
          %dma_start3A_210 = tpu.memref_slice %arg7[%arg1, %add3A_194, %dma_start3A_209] : memref<16x160x128xi32, #tpu.memory_space<hbm>> -> memref<1x1x128xi32, #tpu.memory_space<hbm>>
          %dma_start3A_211 = tpu.memref_squeeze %dma_start3A_210 : memref<1x1x128xi32, #tpu.memory_space<hbm>> -> memref<128xi32, #tpu.memory_space<hbm>>
          tpu.enqueue_dma source(%dma_start3A_211 : memref<128xi32, #tpu.memory_space<hbm>>) target(%arg20 : memref<128xi32, #tpu.memory_space<vmem>>) target_semaphore(%run_scoped3A_205 : memref<!tpu.dma_semaphore, #tpu.memory_space<semaphore_mem>>)
          %dma_wait3A_212 = arith.constant 0 : i32
          %dma_wait3A_213 = tpu.memref_slice %arg7[%arg1, %add3A_194, %dma_wait3A_212] : memref<16x160x128xi32, #tpu.memory_space<hbm>> -> memref<1x1x128xi32, #tpu.memory_space<hbm>>
          %dma_wait3A_214 = tpu.memref_squeeze %dma_wait3A_213 : memref<1x1x128xi32, #tpu.memory_space<hbm>> -> memref<128xi32, #tpu.memory_space<hbm>>
          %dma_wait3A_215 = arith.constant 0 : i32
          %dma_wait3A_216 = tpu.memref_slice %arg7[%arg1, %add3A_194, %dma_wait3A_215] : memref<16x160x128xi32, #tpu.memory_space<hbm>> -> memref<1x1x128xi32, #tpu.memory_space<hbm>>
          %dma_wait3A_217 = tpu.memref_squeeze %dma_wait3A_216 : memref<1x1x128xi32, #tpu.memory_space<hbm>> -> memref<128xi32, #tpu.memory_space<hbm>>
          tpu.wait_dma2 semaphore(%run_scoped3A_205 : memref<!tpu.dma_semaphore, #tpu.memory_space<semaphore_mem>>) src(%dma_wait3A_217 : memref<128xi32, #tpu.memory_space<hbm>>) dst(%arg20 : memref<128xi32, #tpu.memory_space<vmem>>)
          tpu.yield
        }) : () -> ()
        %eq3A_195 = arith.constant 0 : i32
        %eq3A_196 = arith.cmpi eq, %arg0, %eq3A_195 : i32
        %convert_element_type3A_197 = arith.extui %eq3A_196 : i1 to i32
        %cond3A_198 = arith.constant 0 : i32
        %cond3A_199 = arith.cmpi ne, %convert_element_type3A_197, %cond3A_198 : i32
        scf.if %cond3A_199 {
          %dma_start3A_205 = arith.constant 0 : i32
          %dma_start3A_206 = arith.constant 0 : i32
          %dma_start3A_207 = tpu.memref_slice %arg22[%dma_start3A_205, %dma_start3A_206] : memref<256x64xf32, #tpu.memory_space<vmem>> -> memref<128x64xf32, #tpu.memory_space<vmem>>
          %dma_start3A_208 = arith.constant 0 : i32
          %dma_start3A_209 = arith.constant 0 : i32
          %dma_start3A_210 = tpu.memref_slice %arg2[%dma_start3A_208, %dma_start3A_209] : memref<50000x64xf32, #tpu.memory_space<hbm>> -> memref<50000x64xf32, #tpu.memory_space<hbm>>
          tpu.enqueue_indirect_dma source(%dma_start3A_210 : memref<50000x64xf32, #tpu.memory_space<hbm>>) target(%dma_start3A_207 : memref<128x64xf32, #tpu.memory_space<vmem>>) offsets(%arg17 : memref<128xi32, #tpu.memory_space<vmem>>) semaphore(%arg31 : memref<!tpu.dma_semaphore, #tpu.memory_space<semaphore_mem>>)
          %dma_start3A_211 = arith.constant 0 : i32
          %dma_start3A_212 = arith.constant 0 : i32
          %dma_start3A_213 = tpu.memref_slice %arg24[%dma_start3A_211, %dma_start3A_212] : memref<256x64xf32, #tpu.memory_space<vmem>> -> memref<128x64xf32, #tpu.memory_space<vmem>>
          %dma_start3A_214 = arith.constant 0 : i32
          %dma_start3A_215 = arith.constant 0 : i32
          %dma_start3A_216 = tpu.memref_slice %arg4[%dma_start3A_214, %dma_start3A_215] : memref<10016x64xf32, #tpu.memory_space<hbm>> -> memref<10016x64xf32, #tpu.memory_space<hbm>>
          tpu.enqueue_indirect_dma source(%dma_start3A_216 : memref<10016x64xf32, #tpu.memory_space<hbm>>) target(%dma_start3A_213 : memref<128x64xf32, #tpu.memory_space<vmem>>) offsets(%arg19 : memref<128xi32, #tpu.memory_space<vmem>>) semaphore(%arg31 : memref<!tpu.dma_semaphore, #tpu.memory_space<semaphore_mem>>)
          %dma_start3A_217 = arith.constant 128 : i32
          %dma_start3A_218 = arith.constant 0 : i32
          %dma_start3A_219 = tpu.memref_slice %arg22[%dma_start3A_217, %dma_start3A_218] : memref<256x64xf32, #tpu.memory_space<vmem>> -> memref<128x64xf32, #tpu.memory_space<vmem>>
          %dma_start3A_220 = arith.constant 0 : i32
          %dma_start3A_221 = arith.constant 0 : i32
          %dma_start3A_222 = tpu.memref_slice %arg2[%dma_start3A_220, %dma_start3A_221] : memref<50000x64xf32, #tpu.memory_space<hbm>> -> memref<50000x64xf32, #tpu.memory_space<hbm>>
          tpu.enqueue_indirect_dma source(%dma_start3A_222 : memref<50000x64xf32, #tpu.memory_space<hbm>>) target(%dma_start3A_219 : memref<128x64xf32, #tpu.memory_space<vmem>>) offsets(%arg18 : memref<128xi32, #tpu.memory_space<vmem>>) semaphore(%arg31 : memref<!tpu.dma_semaphore, #tpu.memory_space<semaphore_mem>>)
          %dma_start3A_223 = arith.constant 128 : i32
          %dma_start3A_224 = arith.constant 0 : i32
          %dma_start3A_225 = tpu.memref_slice %arg24[%dma_start3A_223, %dma_start3A_224] : memref<256x64xf32, #tpu.memory_space<vmem>> -> memref<128x64xf32, #tpu.memory_space<vmem>>
          %dma_start3A_226 = arith.constant 0 : i32
          %dma_start3A_227 = arith.constant 0 : i32
          %dma_start3A_228 = tpu.memref_slice %arg4[%dma_start3A_226, %dma_start3A_227] : memref<10016x64xf32, #tpu.memory_space<hbm>> -> memref<10016x64xf32, #tpu.memory_space<hbm>>
          tpu.enqueue_indirect_dma source(%dma_start3A_228 : memref<10016x64xf32, #tpu.memory_space<hbm>>) target(%dma_start3A_225 : memref<128x64xf32, #tpu.memory_space<vmem>>) offsets(%arg20 : memref<128xi32, #tpu.memory_space<vmem>>) semaphore(%arg31 : memref<!tpu.dma_semaphore, #tpu.memory_space<semaphore_mem>>)
        } else {
        }
        %eq3A_200 = arith.constant 1 : i32
        %eq3A_201 = arith.cmpi eq, %arg0, %eq3A_200 : i32
        %convert_element_type3A_202 = arith.extui %eq3A_201 : i1 to i32
        %cond3A_203 = arith.constant 0 : i32
        %cond3A_204 = arith.cmpi ne, %convert_element_type3A_202, %cond3A_203 : i32
        scf.if %cond3A_204 {
          %dma_start3A_205 = arith.constant 0 : i32
          %dma_start3A_206 = arith.constant 0 : i32
          %dma_start3A_207 = tpu.memref_slice %arg22[%dma_start3A_205, %dma_start3A_206] : memref<256x64xf32, #tpu.memory_space<vmem>> -> memref<128x64xf32, #tpu.memory_space<vmem>>
          %dma_start3A_208 = arith.constant 0 : i32
          %dma_start3A_209 = arith.constant 0 : i32
          %dma_start3A_210 = tpu.memref_slice %arg3[%dma_start3A_208, %dma_start3A_209] : memref<50000x64xf32, #tpu.memory_space<hbm>> -> memref<50000x64xf32, #tpu.memory_space<hbm>>
          tpu.enqueue_indirect_dma source(%dma_start3A_210 : memref<50000x64xf32, #tpu.memory_space<hbm>>) target(%dma_start3A_207 : memref<128x64xf32, #tpu.memory_space<vmem>>) offsets(%arg17 : memref<128xi32, #tpu.memory_space<vmem>>) semaphore(%arg31 : memref<!tpu.dma_semaphore, #tpu.memory_space<semaphore_mem>>)
          %dma_start3A_211 = arith.constant 0 : i32
          %dma_start3A_212 = arith.constant 0 : i32
          %dma_start3A_213 = tpu.memref_slice %arg24[%dma_start3A_211, %dma_start3A_212] : memref<256x64xf32, #tpu.memory_space<vmem>> -> memref<128x64xf32, #tpu.memory_space<vmem>>
          %dma_start3A_214 = arith.constant 0 : i32
          %dma_start3A_215 = arith.constant 0 : i32
          %dma_start3A_216 = tpu.memref_slice %arg5[%dma_start3A_214, %dma_start3A_215] : memref<10016x64xf32, #tpu.memory_space<hbm>> -> memref<10016x64xf32, #tpu.memory_space<hbm>>
          tpu.enqueue_indirect_dma source(%dma_start3A_216 : memref<10016x64xf32, #tpu.memory_space<hbm>>) target(%dma_start3A_213 : memref<128x64xf32, #tpu.memory_space<vmem>>) offsets(%arg19 : memref<128xi32, #tpu.memory_space<vmem>>) semaphore(%arg31 : memref<!tpu.dma_semaphore, #tpu.memory_space<semaphore_mem>>)
          %dma_start3A_217 = arith.constant 128 : i32
          %dma_start3A_218 = arith.constant 0 : i32
          %dma_start3A_219 = tpu.memref_slice %arg22[%dma_start3A_217, %dma_start3A_218] : memref<256x64xf32, #tpu.memory_space<vmem>> -> memref<128x64xf32, #tpu.memory_space<vmem>>
          %dma_start3A_220 = arith.constant 0 : i32
          %dma_start3A_221 = arith.constant 0 : i32
          %dma_start3A_222 = tpu.memref_slice %arg3[%dma_start3A_220, %dma_start3A_221] : memref<50000x64xf32, #tpu.memory_space<hbm>> -> memref<50000x64xf32, #tpu.memory_space<hbm>>
          tpu.enqueue_indirect_dma source(%dma_start3A_222 : memref<50000x64xf32, #tpu.memory_space<hbm>>) target(%dma_start3A_219 : memref<128x64xf32, #tpu.memory_space<vmem>>) offsets(%arg18 : memref<128xi32, #tpu.memory_space<vmem>>) semaphore(%arg31 : memref<!tpu.dma_semaphore, #tpu.memory_space<semaphore_mem>>)
          %dma_start3A_223 = arith.constant 128 : i32
          %dma_start3A_224 = arith.constant 0 : i32
          %dma_start3A_225 = tpu.memref_slice %arg24[%dma_start3A_223, %dma_start3A_224] : memref<256x64xf32, #tpu.memory_space<vmem>> -> memref<128x64xf32, #tpu.memory_space<vmem>>
          %dma_start3A_226 = arith.constant 0 : i32
          %dma_start3A_227 = arith.constant 0 : i32
          %dma_start3A_228 = tpu.memref_slice %arg5[%dma_start3A_226, %dma_start3A_227] : memref<10016x64xf32, #tpu.memory_space<hbm>> -> memref<10016x64xf32, #tpu.memory_space<hbm>>
          tpu.enqueue_indirect_dma source(%dma_start3A_228 : memref<10016x64xf32, #tpu.memory_space<hbm>>) target(%dma_start3A_225 : memref<128x64xf32, #tpu.memory_space<vmem>>) offsets(%arg20 : memref<128xi32, #tpu.memory_space<vmem>>) semaphore(%arg31 : memref<!tpu.dma_semaphore, #tpu.memory_space<semaphore_mem>>)
        } else {
        }
      } else {
      }
      %dma_wait3A_67 = arith.constant 0 : i32
      %dma_wait3A_68 = arith.constant 0 : i32
      %dma_wait3A_69 = tpu.memref_slice %arg21[%dma_wait3A_67, %dma_wait3A_68] : memref<256x64xf32, #tpu.memory_space<vmem>> -> memref<128x64xf32, #tpu.memory_space<vmem>>
      %dma_wait3A_70 = arith.constant 0 : i32
      %dma_wait3A_71 = arith.constant 0 : i32
      %dma_wait3A_72 = tpu.memref_slice %arg2[%dma_wait3A_70, %dma_wait3A_71] : memref<50000x64xf32, #tpu.memory_space<hbm>> -> memref<50000x64xf32, #tpu.memory_space<hbm>>
      tpu.wait_indirect_dma semaphore(%arg30 : memref<!tpu.dma_semaphore, #tpu.memory_space<semaphore_mem>>) src(%dma_wait3A_72 : memref<50000x64xf32, #tpu.memory_space<hbm>>) dst(%dma_wait3A_69 : memref<128x64xf32, #tpu.memory_space<vmem>>)
      %dma_wait3A_73 = arith.constant 0 : i32
      %dma_wait3A_74 = arith.constant 0 : i32
      %dma_wait3A_75 = tpu.memref_slice %arg23[%dma_wait3A_73, %dma_wait3A_74] : memref<256x64xf32, #tpu.memory_space<vmem>> -> memref<128x64xf32, #tpu.memory_space<vmem>>
      %dma_wait3A_76 = arith.constant 0 : i32
      %dma_wait3A_77 = arith.constant 0 : i32
      %dma_wait3A_78 = tpu.memref_slice %arg4[%dma_wait3A_76, %dma_wait3A_77] : memref<10016x64xf32, #tpu.memory_space<hbm>> -> memref<10016x64xf32, #tpu.memory_space<hbm>>
      tpu.wait_indirect_dma semaphore(%arg30 : memref<!tpu.dma_semaphore, #tpu.memory_space<semaphore_mem>>) src(%dma_wait3A_78 : memref<10016x64xf32, #tpu.memory_space<hbm>>) dst(%dma_wait3A_75 : memref<128x64xf32, #tpu.memory_space<vmem>>)
      %dma_wait3A_79 = arith.constant 128 : i32
      %dma_wait3A_80 = arith.constant 0 : i32
      %dma_wait3A_81 = tpu.memref_slice %arg21[%dma_wait3A_79, %dma_wait3A_80] : memref<256x64xf32, #tpu.memory_space<vmem>> -> memref<128x64xf32, #tpu.memory_space<vmem>>
      %dma_wait3A_82 = arith.constant 0 : i32
      %dma_wait3A_83 = arith.constant 0 : i32
      %dma_wait3A_84 = tpu.memref_slice %arg2[%dma_wait3A_82, %dma_wait3A_83] : memref<50000x64xf32, #tpu.memory_space<hbm>> -> memref<50000x64xf32, #tpu.memory_space<hbm>>
      tpu.wait_indirect_dma semaphore(%arg30 : memref<!tpu.dma_semaphore, #tpu.memory_space<semaphore_mem>>) src(%dma_wait3A_84 : memref<50000x64xf32, #tpu.memory_space<hbm>>) dst(%dma_wait3A_81 : memref<128x64xf32, #tpu.memory_space<vmem>>)
      %dma_wait3A_85 = arith.constant 128 : i32
      %dma_wait3A_86 = arith.constant 0 : i32
      %dma_wait3A_87 = tpu.memref_slice %arg23[%dma_wait3A_85, %dma_wait3A_86] : memref<256x64xf32, #tpu.memory_space<vmem>> -> memref<128x64xf32, #tpu.memory_space<vmem>>
      %dma_wait3A_88 = arith.constant 0 : i32
      %dma_wait3A_89 = arith.constant 0 : i32
      %dma_wait3A_90 = tpu.memref_slice %arg4[%dma_wait3A_88, %dma_wait3A_89] : memref<10016x64xf32, #tpu.memory_space<hbm>> -> memref<10016x64xf32, #tpu.memory_space<hbm>>
      tpu.wait_indirect_dma semaphore(%arg30 : memref<!tpu.dma_semaphore, #tpu.memory_space<semaphore_mem>>) src(%dma_wait3A_90 : memref<10016x64xf32, #tpu.memory_space<hbm>>) dst(%dma_wait3A_87 : memref<128x64xf32, #tpu.memory_space<vmem>>)
      %parallel_loop3A = arith.constant 0 : i32
      %parallel_loop3A_91 = arith.constant 256 : i32
      %parallel_loop3A_92 = arith.constant 1 : i32
      scf.for %parallel_loop3A_183 = %parallel_loop3A to %parallel_loop3A_91 step %parallel_loop3A_92  : i32 {
        %parallel_loop3A_184 = arith.constant 0.000000e+00 : f32
        %parallel_loop3A_185 = vector.broadcast %parallel_loop3A_184 : f32 to vector<16xf32>
        %parallel_loop3A_186 = arith.index_cast %parallel_loop3A_183 : i32 to index
        %parallel_loop3A_187 = arith.constant 0 : index
        %parallel_loop3A_188 = tpu.vector_load %arg21[%parallel_loop3A_186, %parallel_loop3A_187] {strides = array<i32>} : memref<256x64xf32, #tpu.memory_space<vmem>>, vector<16xf32>,
        %parallel_loop3A_189 = arith.index_cast %parallel_loop3A_183 : i32 to index
        %parallel_loop3A_190 = arith.constant 0 : index
        %parallel_loop3A_191 = tpu.vector_load %arg23[%parallel_loop3A_189, %parallel_loop3A_190] {strides = array<i32>} : memref<256x64xf32, #tpu.memory_space<vmem>>, vector<16xf32>,
        %parallel_loop3A_192 = arith.addf %parallel_loop3A_188, %parallel_loop3A_191 : vector<16xf32>
        %parallel_loop3A_193 = arith.constant 2.000000e-01 : f32
        %parallel_loop3A_194 = vector.broadcast %parallel_loop3A_193 : f32 to vector<16xf32>
        %parallel_loop3A_195 = arith.mulf %parallel_loop3A_192, %parallel_loop3A_194 : vector<16xf32>
        %parallel_loop3A_196 = arith.maximumf %parallel_loop3A_192, %parallel_loop3A_195 : vector<16xf32>
        %parallel_loop3A_197 = arith.mulf %parallel_loop3A_196, %get3A_5 : vector<16xf32>
        %parallel_loop3A_198 = arith.constant true
        %parallel_loop3A_199 = vector.broadcast %parallel_loop3A_198 : i1 to vector<16xi1>
        %parallel_loop3A_200 = tpu.scan <sum>, %parallel_loop3A_197 masked %parallel_loop3A_199 : vector<16xf32>, vector<16xi1> -> vector<16xf32>
        %parallel_loop3A_201 = vector.extract %parallel_loop3A_200[15] : f32 from vector<16xf32>
        %parallel_loop3A_202 = vector.broadcast %parallel_loop3A_201 : f32 to vector<16xf32>
        %parallel_loop3A_203 = math.exp %parallel_loop3A_202 : vector<16xf32>
        %parallel_loop3A_204 = arith.mulf %parallel_loop3A_188, %parallel_loop3A_203 : vector<16xf32>
        %parallel_loop3A_205 = arith.index_cast %parallel_loop3A_183 : i32 to index
        %parallel_loop3A_206 = arith.constant 0 : index
        %parallel_loop3A_207 = tpu.vector_load %arg21[%parallel_loop3A_205, %parallel_loop3A_206] {strides = array<i32>} : memref<256x64xf32, #tpu.memory_space<vmem>>, vector<16xf32>,
        tpu.vector_store %arg21[%parallel_loop3A_205, %parallel_loop3A_206], %parallel_loop3A_204 {strides = array<i32>} : memref<256x64xf32, #tpu.memory_space<vmem>>, vector<16xf32>,
        %parallel_loop3A_208 = arith.constant 4 : i32
        %parallel_loop3A_209 = arith.muli %arg0, %parallel_loop3A_208 : i32
        %parallel_loop3A_210 = arith.constant 0 : i32
        %parallel_loop3A_211 = arith.addi %parallel_loop3A_209, %parallel_loop3A_210 : i32
        %parallel_loop3A_212 = vector.broadcast %parallel_loop3A_211 : i32 to vector<16xi32>
        %parallel_loop3A_213 = arith.cmpi eq, %iota3A, %parallel_loop3A_212 : vector<16xi32>
        %parallel_loop3A_214 = arith.select %parallel_loop3A_213, %parallel_loop3A_203, %parallel_loop3A_185 : vector<16xi1>, vector<16xf32>
        %parallel_loop3A_215 = arith.index_cast %parallel_loop3A_183 : i32 to index
        %parallel_loop3A_216 = arith.constant 16 : index
        %parallel_loop3A_217 = tpu.vector_load %arg21[%parallel_loop3A_215, %parallel_loop3A_216] {strides = array<i32>} : memref<256x64xf32, #tpu.memory_space<vmem>>, vector<16xf32>,
        %parallel_loop3A_218 = arith.index_cast %parallel_loop3A_183 : i32 to index
        %parallel_loop3A_219 = arith.constant 16 : index
        %parallel_loop3A_220 = tpu.vector_load %arg23[%parallel_loop3A_218, %parallel_loop3A_219] {strides = array<i32>} : memref<256x64xf32, #tpu.memory_space<vmem>>, vector<16xf32>,
        %parallel_loop3A_221 = arith.addf %parallel_loop3A_217, %parallel_loop3A_220 : vector<16xf32>
        %parallel_loop3A_222 = arith.constant 2.000000e-01 : f32
        %parallel_loop3A_223 = vector.broadcast %parallel_loop3A_222 : f32 to vector<16xf32>
        %parallel_loop3A_224 = arith.mulf %parallel_loop3A_221, %parallel_loop3A_223 : vector<16xf32>
        %parallel_loop3A_225 = arith.maximumf %parallel_loop3A_221, %parallel_loop3A_224 : vector<16xf32>
        %parallel_loop3A_226 = arith.mulf %parallel_loop3A_225, %get3A_7 : vector<16xf32>
        %parallel_loop3A_227 = arith.constant true
        %parallel_loop3A_228 = vector.broadcast %parallel_loop3A_227 : i1 to vector<16xi1>
        %parallel_loop3A_229 = tpu.scan <sum>, %parallel_loop3A_226 masked %parallel_loop3A_228 : vector<16xf32>, vector<16xi1> -> vector<16xf32>
        %parallel_loop3A_230 = vector.extract %parallel_loop3A_229[15] : f32 from vector<16xf32>
        %parallel_loop3A_231 = vector.broadcast %parallel_loop3A_230 : f32 to vector<16xf32>
        %parallel_loop3A_232 = math.exp %parallel_loop3A_231 : vector<16xf32>
        %parallel_loop3A_233 = arith.mulf %parallel_loop3A_217, %parallel_loop3A_232 : vector<16xf32>
        %parallel_loop3A_234 = arith.index_cast %parallel_loop3A_183 : i32 to index
        %parallel_loop3A_235 = arith.constant 16 : index
        %parallel_loop3A_236 = tpu.vector_load %arg21[%parallel_loop3A_234, %parallel_loop3A_235] {strides = array<i32>} : memref<256x64xf32, #tpu.memory_space<vmem>>, vector<16xf32>,
        tpu.vector_store %arg21[%parallel_loop3A_234, %parallel_loop3A_235], %parallel_loop3A_233 {strides = array<i32>} : memref<256x64xf32, #tpu.memory_space<vmem>>, vector<16xf32>,
        %parallel_loop3A_237 = arith.constant 4 : i32
        %parallel_loop3A_238 = arith.muli %arg0, %parallel_loop3A_237 : i32
        %parallel_loop3A_239 = arith.constant 1 : i32
        %parallel_loop3A_240 = arith.addi %parallel_loop3A_238, %parallel_loop3A_239 : i32
        %parallel_loop3A_241 = vector.broadcast %parallel_loop3A_240 : i32 to vector<16xi32>
        %parallel_loop3A_242 = arith.cmpi eq, %iota3A, %parallel_loop3A_241 : vector<16xi32>
        %parallel_loop3A_243 = arith.select %parallel_loop3A_242, %parallel_loop3A_232, %parallel_loop3A_214 : vector<16xi1>, vector<16xf32>
        %parallel_loop3A_244 = arith.index_cast %parallel_loop3A_183 : i32 to index
        %parallel_loop3A_245 = arith.constant 32 : index
        %parallel_loop3A_246 = tpu.vector_load %arg21[%parallel_loop3A_244, %parallel_loop3A_245] {strides = array<i32>} : memref<256x64xf32, #tpu.memory_space<vmem>>, vector<16xf32>,
        %parallel_loop3A_247 = arith.index_cast %parallel_loop3A_183 : i32 to index
        %parallel_loop3A_248 = arith.constant 32 : index
        %parallel_loop3A_249 = tpu.vector_load %arg23[%parallel_loop3A_247, %parallel_loop3A_248] {strides = array<i32>} : memref<256x64xf32, #tpu.memory_space<vmem>>, vector<16xf32>,
        %parallel_loop3A_250 = arith.addf %parallel_loop3A_246, %parallel_loop3A_249 : vector<16xf32>
        %parallel_loop3A_251 = arith.constant 2.000000e-01 : f32
        %parallel_loop3A_252 = vector.broadcast %parallel_loop3A_251 : f32 to vector<16xf32>
        %parallel_loop3A_253 = arith.mulf %parallel_loop3A_250, %parallel_loop3A_252 : vector<16xf32>
        %parallel_loop3A_254 = arith.maximumf %parallel_loop3A_250, %parallel_loop3A_253 : vector<16xf32>
        %parallel_loop3A_255 = arith.mulf %parallel_loop3A_254, %get3A_9 : vector<16xf32>
        %parallel_loop3A_256 = arith.constant true
        %parallel_loop3A_257 = vector.broadcast %parallel_loop3A_256 : i1 to vector<16xi1>
        %parallel_loop3A_258 = tpu.scan <sum>, %parallel_loop3A_255 masked %parallel_loop3A_257 : vector<16xf32>, vector<16xi1> -> vector<16xf32>
        %parallel_loop3A_259 = vector.extract %parallel_loop3A_258[15] : f32 from vector<16xf32>
        %parallel_loop3A_260 = vector.broadcast %parallel_loop3A_259 : f32 to vector<16xf32>
        %parallel_loop3A_261 = math.exp %parallel_loop3A_260 : vector<16xf32>
        %parallel_loop3A_262 = arith.mulf %parallel_loop3A_246, %parallel_loop3A_261 : vector<16xf32>
        %parallel_loop3A_263 = arith.index_cast %parallel_loop3A_183 : i32 to index
        %parallel_loop3A_264 = arith.constant 32 : index
        %parallel_loop3A_265 = tpu.vector_load %arg21[%parallel_loop3A_263, %parallel_loop3A_264] {strides = array<i32>} : memref<256x64xf32, #tpu.memory_space<vmem>>, vector<16xf32>,
        tpu.vector_store %arg21[%parallel_loop3A_263, %parallel_loop3A_264], %parallel_loop3A_262 {strides = array<i32>} : memref<256x64xf32, #tpu.memory_space<vmem>>, vector<16xf32>,
        %parallel_loop3A_266 = arith.constant 4 : i32
        %parallel_loop3A_267 = arith.muli %arg0, %parallel_loop3A_266 : i32
        %parallel_loop3A_268 = arith.constant 2 : i32
        %parallel_loop3A_269 = arith.addi %parallel_loop3A_267, %parallel_loop3A_268 : i32
        %parallel_loop3A_270 = vector.broadcast %parallel_loop3A_269 : i32 to vector<16xi32>
        %parallel_loop3A_271 = arith.cmpi eq, %iota3A, %parallel_loop3A_270 : vector<16xi32>
        %parallel_loop3A_272 = arith.select %parallel_loop3A_271, %parallel_loop3A_261, %parallel_loop3A_243 : vector<16xi1>, vector<16xf32>
        %parallel_loop3A_273 = arith.index_cast %parallel_loop3A_183 : i32 to index
        %parallel_loop3A_274 = arith.constant 48 : index
        %parallel_loop3A_275 = tpu.vector_load %arg21[%parallel_loop3A_273, %parallel_loop3A_274] {strides = array<i32>} : memref<256x64xf32, #tpu.memory_space<vmem>>, vector<16xf32>,
        %parallel_loop3A_276 = arith.index_cast %parallel_loop3A_183 : i32 to index
        %parallel_loop3A_277 = arith.constant 48 : index
        %parallel_loop3A_278 = tpu.vector_load %arg23[%parallel_loop3A_276, %parallel_loop3A_277] {strides = array<i32>} : memref<256x64xf32, #tpu.memory_space<vmem>>, vector<16xf32>,
        %parallel_loop3A_279 = arith.addf %parallel_loop3A_275, %parallel_loop3A_278 : vector<16xf32>
        %parallel_loop3A_280 = arith.constant 2.000000e-01 : f32
        %parallel_loop3A_281 = vector.broadcast %parallel_loop3A_280 : f32 to vector<16xf32>
        %parallel_loop3A_282 = arith.mulf %parallel_loop3A_279, %parallel_loop3A_281 : vector<16xf32>
        %parallel_loop3A_283 = arith.maximumf %parallel_loop3A_279, %parallel_loop3A_282 : vector<16xf32>
        %parallel_loop3A_284 = arith.mulf %parallel_loop3A_283, %get3A_11 : vector<16xf32>
        %parallel_loop3A_285 = arith.constant true
        %parallel_loop3A_286 = vector.broadcast %parallel_loop3A_285 : i1 to vector<16xi1>
        %parallel_loop3A_287 = tpu.scan <sum>, %parallel_loop3A_284 masked %parallel_loop3A_286 : vector<16xf32>, vector<16xi1> -> vector<16xf32>
        %parallel_loop3A_288 = vector.extract %parallel_loop3A_287[15] : f32 from vector<16xf32>
        %parallel_loop3A_289 = vector.broadcast %parallel_loop3A_288 : f32 to vector<16xf32>
        %parallel_loop3A_290 = math.exp %parallel_loop3A_289 : vector<16xf32>
        %parallel_loop3A_291 = arith.mulf %parallel_loop3A_275, %parallel_loop3A_290 : vector<16xf32>
        %parallel_loop3A_292 = arith.index_cast %parallel_loop3A_183 : i32 to index
        %parallel_loop3A_293 = arith.constant 48 : index
        %parallel_loop3A_294 = tpu.vector_load %arg21[%parallel_loop3A_292, %parallel_loop3A_293] {strides = array<i32>} : memref<256x64xf32, #tpu.memory_space<vmem>>, vector<16xf32>,
        tpu.vector_store %arg21[%parallel_loop3A_292, %parallel_loop3A_293], %parallel_loop3A_291 {strides = array<i32>} : memref<256x64xf32, #tpu.memory_space<vmem>>, vector<16xf32>,
        %parallel_loop3A_295 = arith.constant 4 : i32
        %parallel_loop3A_296 = arith.muli %arg0, %parallel_loop3A_295 : i32
        %parallel_loop3A_297 = arith.constant 3 : i32
        %parallel_loop3A_298 = arith.addi %parallel_loop3A_296, %parallel_loop3A_297 : i32
        %parallel_loop3A_299 = vector.broadcast %parallel_loop3A_298 : i32 to vector<16xi32>
        %parallel_loop3A_300 = arith.cmpi eq, %iota3A, %parallel_loop3A_299 : vector<16xi32>
        %parallel_loop3A_301 = arith.select %parallel_loop3A_300, %parallel_loop3A_290, %parallel_loop3A_272 : vector<16xi1>, vector<16xf32>
        %parallel_loop3A_302 = arith.index_cast %parallel_loop3A_183 : i32 to index
        %parallel_loop3A_303 = arith.constant 0 : index
        %parallel_loop3A_304 = tpu.vector_load %arg25[%parallel_loop3A_302, %parallel_loop3A_303] {strides = array<i32>} : memref<256x16xf32, #tpu.memory_space<vmem>>, vector<16xf32>,
        tpu.vector_store %arg25[%parallel_loop3A_302, %parallel_loop3A_303], %parallel_loop3A_301 {strides = array<i32>} : memref<256x16xf32, #tpu.memory_space<vmem>>, vector<16xf32>,
      } {sc.loop_unroll_factor = 16 : i64, sc.parallel_access}
      %dma_start3A = arith.constant 0 : i32
      %dma_start3A_93 = arith.constant 0 : i32
      %dma_start3A_94 = tpu.memref_slice %arg21[%dma_start3A, %dma_start3A_93] : memref<256x64xf32, #tpu.memory_space<vmem>> -> memref<128x64xf32, #tpu.memory_space<vmem>>
      %dma_start3A_95 = arith.constant 0 : i32
      %dma_start3A_96 = arith.constant 0 : i32
      %dma_start3A_97 = tpu.memref_slice %arg28[%dma_start3A_95, %dma_start3A_96] : memref<10112x64xf32, #tpu.memory_space<vmem_shared>> -> memref<10112x64xf32, #tpu.memory_space<vmem_shared>>
      tpu.enqueue_indirect_dma source(%dma_start3A_94 : memref<128x64xf32, #tpu.memory_space<vmem>>) target(%dma_start3A_97 : memref<10112x64xf32, #tpu.memory_space<vmem_shared>>) offsets(%arg15 : memref<128xi32, #tpu.memory_space<vmem>>) semaphore(%arg32 : memref<!tpu.dma_semaphore, #tpu.memory_space<semaphore_mem>>) {add = true}
      %dma_start3A_98 = arith.constant 0 : i32
      %dma_start3A_99 = arith.constant 0 : i32
      %dma_start3A_100 = tpu.memref_slice %arg25[%dma_start3A_98, %dma_start3A_99] : memref<256x16xf32, #tpu.memory_space<vmem>> -> memref<128x16xf32, #tpu.memory_space<vmem>>
      %dma_start3A_101 = arith.constant 0 : i32
      %dma_start3A_102 = arith.constant 0 : i32
      %dma_start3A_103 = tpu.memref_slice %arg29[%dma_start3A_101, %dma_start3A_102] : memref<10112x16xf32, #tpu.memory_space<vmem_shared>> -> memref<10112x16xf32, #tpu.memory_space<vmem_shared>>
      tpu.enqueue_indirect_dma source(%dma_start3A_100 : memref<128x16xf32, #tpu.memory_space<vmem>>) target(%dma_start3A_103 : memref<10112x16xf32, #tpu.memory_space<vmem_shared>>) offsets(%arg15 : memref<128xi32, #tpu.memory_space<vmem>>) semaphore(%arg32 : memref<!tpu.dma_semaphore, #tpu.memory_space<semaphore_mem>>) {add = true}
      %dma_start3A_104 = arith.constant 128 : i32
      %dma_start3A_105 = arith.constant 0 : i32
      %dma_start3A_106 = tpu.memref_slice %arg21[%dma_start3A_104, %dma_start3A_105] : memref<256x64xf32, #tpu.memory_space<vmem>> -> memref<128x64xf32, #tpu.memory_space<vmem>>
      %dma_start3A_107 = arith.constant 0 : i32
      %dma_start3A_108 = arith.constant 0 : i32
      %dma_start3A_109 = tpu.memref_slice %arg28[%dma_start3A_107, %dma_start3A_108] : memref<10112x64xf32, #tpu.memory_space<vmem_shared>> -> memref<10112x64xf32, #tpu.memory_space<vmem_shared>>
      tpu.enqueue_indirect_dma source(%dma_start3A_106 : memref<128x64xf32, #tpu.memory_space<vmem>>) target(%dma_start3A_109 : memref<10112x64xf32, #tpu.memory_space<vmem_shared>>) offsets(%arg16 : memref<128xi32, #tpu.memory_space<vmem>>) semaphore(%arg32 : memref<!tpu.dma_semaphore, #tpu.memory_space<semaphore_mem>>) {add = true}
      %dma_start3A_110 = arith.constant 128 : i32
      %dma_start3A_111 = arith.constant 0 : i32
      %dma_start3A_112 = tpu.memref_slice %arg25[%dma_start3A_110, %dma_start3A_111] : memref<256x16xf32, #tpu.memory_space<vmem>> -> memref<128x16xf32, #tpu.memory_space<vmem>>
      %dma_start3A_113 = arith.constant 0 : i32
      %dma_start3A_114 = arith.constant 0 : i32
      %dma_start3A_115 = tpu.memref_slice %arg29[%dma_start3A_113, %dma_start3A_114] : memref<10112x16xf32, #tpu.memory_space<vmem_shared>> -> memref<10112x16xf32, #tpu.memory_space<vmem_shared>>
      tpu.enqueue_indirect_dma source(%dma_start3A_112 : memref<128x16xf32, #tpu.memory_space<vmem>>) target(%dma_start3A_115 : memref<10112x16xf32, #tpu.memory_space<vmem_shared>>) offsets(%arg16 : memref<128xi32, #tpu.memory_space<vmem>>) semaphore(%arg32 : memref<!tpu.dma_semaphore, #tpu.memory_space<semaphore_mem>>) {add = true}
      %mul3A_116 = arith.constant 2 : i32
      %mul3A_117 = arith.muli %scan3A_53, %mul3A_116 : i32
      %add3A_118 = arith.constant 1 : i32
      %add3A_119 = arith.addi %mul3A_117, %add3A_118 : i32
      %ge3A_120 = arith.constant 1 : i32
      %ge3A_121 = arith.cmpi sge, %add3A_119, %ge3A_120 : i32
      %convert_element_type3A_122 = arith.extui %ge3A_121 : i1 to i32
      %cond3A_123 = arith.constant 0 : i32
      %cond3A_124 = arith.cmpi ne, %convert_element_type3A_122, %cond3A_123 : i32
      scf.if %cond3A_124 {
        %dma_wait3A_183 = arith.constant 0 : i32
        %dma_wait3A_184 = arith.constant 0 : i32
        %dma_wait3A_185 = tpu.memref_slice %arg21[%dma_wait3A_183, %dma_wait3A_184] : memref<256x64xf32, #tpu.memory_space<vmem>> -> memref<128x64xf32, #tpu.memory_space<vmem>>
        %dma_wait3A_186 = arith.constant 0 : i32
        %dma_wait3A_187 = arith.constant 0 : i32
        %dma_wait3A_188 = tpu.memref_slice %arg28[%dma_wait3A_186, %dma_wait3A_187] : memref<10112x64xf32, #tpu.memory_space<vmem_shared>> -> memref<10112x64xf32, #tpu.memory_space<vmem_shared>>
        tpu.wait_indirect_dma semaphore(%arg32 : memref<!tpu.dma_semaphore, #tpu.memory_space<semaphore_mem>>) src(%dma_wait3A_185 : memref<128x64xf32, #tpu.memory_space<vmem>>) dst(%dma_wait3A_188 : memref<10112x64xf32, #tpu.memory_space<vmem_shared>>)
        %dma_wait3A_189 = arith.constant 0 : i32
        %dma_wait3A_190 = arith.constant 0 : i32
        %dma_wait3A_191 = tpu.memref_slice %arg25[%dma_wait3A_189, %dma_wait3A_190] : memref<256x16xf32, #tpu.memory_space<vmem>> -> memref<128x16xf32, #tpu.memory_space<vmem>>
        %dma_wait3A_192 = arith.constant 0 : i32
        %dma_wait3A_193 = arith.constant 0 : i32
        %dma_wait3A_194 = tpu.memref_slice %arg29[%dma_wait3A_192, %dma_wait3A_193] : memref<10112x16xf32, #tpu.memory_space<vmem_shared>> -> memref<10112x16xf32, #tpu.memory_space<vmem_shared>>
        tpu.wait_indirect_dma semaphore(%arg32 : memref<!tpu.dma_semaphore, #tpu.memory_space<semaphore_mem>>) src(%dma_wait3A_191 : memref<128x16xf32, #tpu.memory_space<vmem>>) dst(%dma_wait3A_194 : memref<10112x16xf32, #tpu.memory_space<vmem_shared>>)
        %dma_wait3A_195 = arith.constant 128 : i32
        %dma_wait3A_196 = arith.constant 0 : i32
        %dma_wait3A_197 = tpu.memref_slice %arg21[%dma_wait3A_195, %dma_wait3A_196] : memref<256x64xf32, #tpu.memory_space<vmem>> -> memref<128x64xf32, #tpu.memory_space<vmem>>
        %dma_wait3A_198 = arith.constant 0 : i32
        %dma_wait3A_199 = arith.constant 0 : i32
        %dma_wait3A_200 = tpu.memref_slice %arg28[%dma_wait3A_198, %dma_wait3A_199] : memref<10112x64xf32, #tpu.memory_space<vmem_shared>> -> memref<10112x64xf32, #tpu.memory_space<vmem_shared>>
        tpu.wait_indirect_dma semaphore(%arg32 : memref<!tpu.dma_semaphore, #tpu.memory_space<semaphore_mem>>) src(%dma_wait3A_197 : memref<128x64xf32, #tpu.memory_space<vmem>>) dst(%dma_wait3A_200 : memref<10112x64xf32, #tpu.memory_space<vmem_shared>>)
        %dma_wait3A_201 = arith.constant 128 : i32
        %dma_wait3A_202 = arith.constant 0 : i32
        %dma_wait3A_203 = tpu.memref_slice %arg25[%dma_wait3A_201, %dma_wait3A_202] : memref<256x16xf32, #tpu.memory_space<vmem>> -> memref<128x16xf32, #tpu.memory_space<vmem>>
        %dma_wait3A_204 = arith.constant 0 : i32
        %dma_wait3A_205 = arith.constant 0 : i32
        %dma_wait3A_206 = tpu.memref_slice %arg29[%dma_wait3A_204, %dma_wait3A_205] : memref<10112x16xf32, #tpu.memory_space<vmem_shared>> -> memref<10112x16xf32, #tpu.memory_space<vmem_shared>>
        tpu.wait_indirect_dma semaphore(%arg32 : memref<!tpu.dma_semaphore, #tpu.memory_space<semaphore_mem>>) src(%dma_wait3A_203 : memref<128x16xf32, #tpu.memory_space<vmem>>) dst(%dma_wait3A_206 : memref<10112x16xf32, #tpu.memory_space<vmem_shared>>)
      } else {
      }
      %add3A_125 = arith.constant 1 : i32
      %add3A_126 = arith.addi %add3A_119, %add3A_125 : i32
      %lt3A_127 = arith.constant 80 : i32
      %lt3A_128 = arith.cmpi slt, %add3A_126, %lt3A_127 : i32
      %convert_element_type3A_129 = arith.extui %lt3A_128 : i1 to i32
      %cond3A_130 = arith.constant 0 : i32
      %cond3A_131 = arith.cmpi ne, %convert_element_type3A_129, %cond3A_130 : i32
      scf.if %cond3A_131 {
        %add3A_183 = arith.constant 1 : i32
        %add3A_184 = arith.addi %add3A_119, %add3A_183 : i32
        %mul3A_185 = arith.constant 2 : i32
        %mul3A_186 = arith.muli %add3A_184, %mul3A_185 : i32
        %add3A_187 = arith.constant 0 : i32
        %add3A_188 = arith.addi %mul3A_186, %add3A_187 : i32
        "tpu.region"() ({
          %run_scoped3A_205 = tpu.sem_alloc : memref<!tpu.dma_semaphore, #tpu.memory_space<semaphore_mem>>
          %dma_start3A_206 = arith.constant 0 : i32
          %dma_start3A_207 = tpu.memref_slice %arg6[%arg1, %add3A_188, %dma_start3A_206] : memref<16x160x128xi32, #tpu.memory_space<hbm>> -> memref<1x1x128xi32, #tpu.memory_space<hbm>>
          %dma_start3A_208 = tpu.memref_squeeze %dma_start3A_207 : memref<1x1x128xi32, #tpu.memory_space<hbm>> -> memref<128xi32, #tpu.memory_space<hbm>>
          %dma_start3A_209 = arith.constant 0 : i32
          %dma_start3A_210 = tpu.memref_slice %arg6[%arg1, %add3A_188, %dma_start3A_209] : memref<16x160x128xi32, #tpu.memory_space<hbm>> -> memref<1x1x128xi32, #tpu.memory_space<hbm>>
          %dma_start3A_211 = tpu.memref_squeeze %dma_start3A_210 : memref<1x1x128xi32, #tpu.memory_space<hbm>> -> memref<128xi32, #tpu.memory_space<hbm>>
          tpu.enqueue_dma source(%dma_start3A_211 : memref<128xi32, #tpu.memory_space<hbm>>) target(%arg13 : memref<128xi32, #tpu.memory_space<vmem>>) target_semaphore(%run_scoped3A_205 : memref<!tpu.dma_semaphore, #tpu.memory_space<semaphore_mem>>)
          %dma_wait3A_212 = arith.constant 0 : i32
          %dma_wait3A_213 = tpu.memref_slice %arg6[%arg1, %add3A_188, %dma_wait3A_212] : memref<16x160x128xi32, #tpu.memory_space<hbm>> -> memref<1x1x128xi32, #tpu.memory_space<hbm>>
          %dma_wait3A_214 = tpu.memref_squeeze %dma_wait3A_213 : memref<1x1x128xi32, #tpu.memory_space<hbm>> -> memref<128xi32, #tpu.memory_space<hbm>>
          %dma_wait3A_215 = arith.constant 0 : i32
          %dma_wait3A_216 = tpu.memref_slice %arg6[%arg1, %add3A_188, %dma_wait3A_215] : memref<16x160x128xi32, #tpu.memory_space<hbm>> -> memref<1x1x128xi32, #tpu.memory_space<hbm>>
          %dma_wait3A_217 = tpu.memref_squeeze %dma_wait3A_216 : memref<1x1x128xi32, #tpu.memory_space<hbm>> -> memref<128xi32, #tpu.memory_space<hbm>>
          tpu.wait_dma2 semaphore(%run_scoped3A_205 : memref<!tpu.dma_semaphore, #tpu.memory_space<semaphore_mem>>) src(%dma_wait3A_217 : memref<128xi32, #tpu.memory_space<hbm>>) dst(%arg13 : memref<128xi32, #tpu.memory_space<vmem>>)
          tpu.yield
        }) : () -> ()
        %add3A_189 = arith.constant 0 : i32
        %add3A_190 = arith.addi %mul3A_186, %add3A_189 : i32
        "tpu.region"() ({
          %run_scoped3A_205 = tpu.sem_alloc : memref<!tpu.dma_semaphore, #tpu.memory_space<semaphore_mem>>
          %dma_start3A_206 = arith.constant 0 : i32
          %dma_start3A_207 = tpu.memref_slice %arg7[%arg1, %add3A_190, %dma_start3A_206] : memref<16x160x128xi32, #tpu.memory_space<hbm>> -> memref<1x1x128xi32, #tpu.memory_space<hbm>>
          %dma_start3A_208 = tpu.memref_squeeze %dma_start3A_207 : memref<1x1x128xi32, #tpu.memory_space<hbm>> -> memref<128xi32, #tpu.memory_space<hbm>>
          %dma_start3A_209 = arith.constant 0 : i32
          %dma_start3A_210 = tpu.memref_slice %arg7[%arg1, %add3A_190, %dma_start3A_209] : memref<16x160x128xi32, #tpu.memory_space<hbm>> -> memref<1x1x128xi32, #tpu.memory_space<hbm>>
          %dma_start3A_211 = tpu.memref_squeeze %dma_start3A_210 : memref<1x1x128xi32, #tpu.memory_space<hbm>> -> memref<128xi32, #tpu.memory_space<hbm>>
          tpu.enqueue_dma source(%dma_start3A_211 : memref<128xi32, #tpu.memory_space<hbm>>) target(%arg15 : memref<128xi32, #tpu.memory_space<vmem>>) target_semaphore(%run_scoped3A_205 : memref<!tpu.dma_semaphore, #tpu.memory_space<semaphore_mem>>)
          %dma_wait3A_212 = arith.constant 0 : i32
          %dma_wait3A_213 = tpu.memref_slice %arg7[%arg1, %add3A_190, %dma_wait3A_212] : memref<16x160x128xi32, #tpu.memory_space<hbm>> -> memref<1x1x128xi32, #tpu.memory_space<hbm>>
          %dma_wait3A_214 = tpu.memref_squeeze %dma_wait3A_213 : memref<1x1x128xi32, #tpu.memory_space<hbm>> -> memref<128xi32, #tpu.memory_space<hbm>>
          %dma_wait3A_215 = arith.constant 0 : i32
          %dma_wait3A_216 = tpu.memref_slice %arg7[%arg1, %add3A_190, %dma_wait3A_215] : memref<16x160x128xi32, #tpu.memory_space<hbm>> -> memref<1x1x128xi32, #tpu.memory_space<hbm>>
          %dma_wait3A_217 = tpu.memref_squeeze %dma_wait3A_216 : memref<1x1x128xi32, #tpu.memory_space<hbm>> -> memref<128xi32, #tpu.memory_space<hbm>>
          tpu.wait_dma2 semaphore(%run_scoped3A_205 : memref<!tpu.dma_semaphore, #tpu.memory_space<semaphore_mem>>) src(%dma_wait3A_217 : memref<128xi32, #tpu.memory_space<hbm>>) dst(%arg15 : memref<128xi32, #tpu.memory_space<vmem>>)
          tpu.yield
        }) : () -> ()
        %add3A_191 = arith.constant 1 : i32
        %add3A_192 = arith.addi %mul3A_186, %add3A_191 : i32
        "tpu.region"() ({
          %run_scoped3A_205 = tpu.sem_alloc : memref<!tpu.dma_semaphore, #tpu.memory_space<semaphore_mem>>
          %dma_start3A_206 = arith.constant 0 : i32
          %dma_start3A_207 = tpu.memref_slice %arg6[%arg1, %add3A_192, %dma_start3A_206] : memref<16x160x128xi32, #tpu.memory_space<hbm>> -> memref<1x1x128xi32, #tpu.memory_space<hbm>>
          %dma_start3A_208 = tpu.memref_squeeze %dma_start3A_207 : memref<1x1x128xi32, #tpu.memory_space<hbm>> -> memref<128xi32, #tpu.memory_space<hbm>>
          %dma_start3A_209 = arith.constant 0 : i32
          %dma_start3A_210 = tpu.memref_slice %arg6[%arg1, %add3A_192, %dma_start3A_209] : memref<16x160x128xi32, #tpu.memory_space<hbm>> -> memref<1x1x128xi32, #tpu.memory_space<hbm>>
          %dma_start3A_211 = tpu.memref_squeeze %dma_start3A_210 : memref<1x1x128xi32, #tpu.memory_space<hbm>> -> memref<128xi32, #tpu.memory_space<hbm>>
          tpu.enqueue_dma source(%dma_start3A_211 : memref<128xi32, #tpu.memory_space<hbm>>) target(%arg14 : memref<128xi32, #tpu.memory_space<vmem>>) target_semaphore(%run_scoped3A_205 : memref<!tpu.dma_semaphore, #tpu.memory_space<semaphore_mem>>)
          %dma_wait3A_212 = arith.constant 0 : i32
          %dma_wait3A_213 = tpu.memref_slice %arg6[%arg1, %add3A_192, %dma_wait3A_212] : memref<16x160x128xi32, #tpu.memory_space<hbm>> -> memref<1x1x128xi32, #tpu.memory_space<hbm>>
          %dma_wait3A_214 = tpu.memref_squeeze %dma_wait3A_213 : memref<1x1x128xi32, #tpu.memory_space<hbm>> -> memref<128xi32, #tpu.memory_space<hbm>>
          %dma_wait3A_215 = arith.constant 0 : i32
          %dma_wait3A_216 = tpu.memref_slice %arg6[%arg1, %add3A_192, %dma_wait3A_215] : memref<16x160x128xi32, #tpu.memory_space<hbm>> -> memref<1x1x128xi32, #tpu.memory_space<hbm>>
          %dma_wait3A_217 = tpu.memref_squeeze %dma_wait3A_216 : memref<1x1x128xi32, #tpu.memory_space<hbm>> -> memref<128xi32, #tpu.memory_space<hbm>>
          tpu.wait_dma2 semaphore(%run_scoped3A_205 : memref<!tpu.dma_semaphore, #tpu.memory_space<semaphore_mem>>) src(%dma_wait3A_217 : memref<128xi32, #tpu.memory_space<hbm>>) dst(%arg14 : memref<128xi32, #tpu.memory_space<vmem>>)
          tpu.yield
        }) : () -> ()
        %add3A_193 = arith.constant 1 : i32
        %add3A_194 = arith.addi %mul3A_186, %add3A_193 : i32
        "tpu.region"() ({
          %run_scoped3A_205 = tpu.sem_alloc : memref<!tpu.dma_semaphore, #tpu.memory_space<semaphore_mem>>
          %dma_start3A_206 = arith.constant 0 : i32
          %dma_start3A_207 = tpu.memref_slice %arg7[%arg1, %add3A_194, %dma_start3A_206] : memref<16x160x128xi32, #tpu.memory_space<hbm>> -> memref<1x1x128xi32, #tpu.memory_space<hbm>>
          %dma_start3A_208 = tpu.memref_squeeze %dma_start3A_207 : memref<1x1x128xi32, #tpu.memory_space<hbm>> -> memref<128xi32, #tpu.memory_space<hbm>>
          %dma_start3A_209 = arith.constant 0 : i32
          %dma_start3A_210 = tpu.memref_slice %arg7[%arg1, %add3A_194, %dma_start3A_209] : memref<16x160x128xi32, #tpu.memory_space<hbm>> -> memref<1x1x128xi32, #tpu.memory_space<hbm>>
          %dma_start3A_211 = tpu.memref_squeeze %dma_start3A_210 : memref<1x1x128xi32, #tpu.memory_space<hbm>> -> memref<128xi32, #tpu.memory_space<hbm>>
          tpu.enqueue_dma source(%dma_start3A_211 : memref<128xi32, #tpu.memory_space<hbm>>) target(%arg16 : memref<128xi32, #tpu.memory_space<vmem>>) target_semaphore(%run_scoped3A_205 : memref<!tpu.dma_semaphore, #tpu.memory_space<semaphore_mem>>)
          %dma_wait3A_212 = arith.constant 0 : i32
          %dma_wait3A_213 = tpu.memref_slice %arg7[%arg1, %add3A_194, %dma_wait3A_212] : memref<16x160x128xi32, #tpu.memory_space<hbm>> -> memref<1x1x128xi32, #tpu.memory_space<hbm>>
          %dma_wait3A_214 = tpu.memref_squeeze %dma_wait3A_213 : memref<1x1x128xi32, #tpu.memory_space<hbm>> -> memref<128xi32, #tpu.memory_space<hbm>>
          %dma_wait3A_215 = arith.constant 0 : i32
          %dma_wait3A_216 = tpu.memref_slice %arg7[%arg1, %add3A_194, %dma_wait3A_215] : memref<16x160x128xi32, #tpu.memory_space<hbm>> -> memref<1x1x128xi32, #tpu.memory_space<hbm>>
          %dma_wait3A_217 = tpu.memref_squeeze %dma_wait3A_216 : memref<1x1x128xi32, #tpu.memory_space<hbm>> -> memref<128xi32, #tpu.memory_space<hbm>>
          tpu.wait_dma2 semaphore(%run_scoped3A_205 : memref<!tpu.dma_semaphore, #tpu.memory_space<semaphore_mem>>) src(%dma_wait3A_217 : memref<128xi32, #tpu.memory_space<hbm>>) dst(%arg16 : memref<128xi32, #tpu.memory_space<vmem>>)
          tpu.yield
        }) : () -> ()
        %eq3A_195 = arith.constant 0 : i32
        %eq3A_196 = arith.cmpi eq, %arg0, %eq3A_195 : i32
        %convert_element_type3A_197 = arith.extui %eq3A_196 : i1 to i32
        %cond3A_198 = arith.constant 0 : i32
        %cond3A_199 = arith.cmpi ne, %convert_element_type3A_197, %cond3A_198 : i32
        scf.if %cond3A_199 {
          %dma_start3A_205 = arith.constant 0 : i32
          %dma_start3A_206 = arith.constant 0 : i32
          %dma_start3A_207 = tpu.memref_slice %arg21[%dma_start3A_205, %dma_start3A_206] : memref<256x64xf32, #tpu.memory_space<vmem>> -> memref<128x64xf32, #tpu.memory_space<vmem>>
          %dma_start3A_208 = arith.constant 0 : i32
          %dma_start3A_209 = arith.constant 0 : i32
          %dma_start3A_210 = tpu.memref_slice %arg2[%dma_start3A_208, %dma_start3A_209] : memref<50000x64xf32, #tpu.memory_space<hbm>> -> memref<50000x64xf32, #tpu.memory_space<hbm>>
          tpu.enqueue_indirect_dma source(%dma_start3A_210 : memref<50000x64xf32, #tpu.memory_space<hbm>>) target(%dma_start3A_207 : memref<128x64xf32, #tpu.memory_space<vmem>>) offsets(%arg13 : memref<128xi32, #tpu.memory_space<vmem>>) semaphore(%arg30 : memref<!tpu.dma_semaphore, #tpu.memory_space<semaphore_mem>>)
          %dma_start3A_211 = arith.constant 0 : i32
          %dma_start3A_212 = arith.constant 0 : i32
          %dma_start3A_213 = tpu.memref_slice %arg23[%dma_start3A_211, %dma_start3A_212] : memref<256x64xf32, #tpu.memory_space<vmem>> -> memref<128x64xf32, #tpu.memory_space<vmem>>
          %dma_start3A_214 = arith.constant 0 : i32
          %dma_start3A_215 = arith.constant 0 : i32
          %dma_start3A_216 = tpu.memref_slice %arg4[%dma_start3A_214, %dma_start3A_215] : memref<10016x64xf32, #tpu.memory_space<hbm>> -> memref<10016x64xf32, #tpu.memory_space<hbm>>
          tpu.enqueue_indirect_dma source(%dma_start3A_216 : memref<10016x64xf32, #tpu.memory_space<hbm>>) target(%dma_start3A_213 : memref<128x64xf32, #tpu.memory_space<vmem>>) offsets(%arg15 : memref<128xi32, #tpu.memory_space<vmem>>) semaphore(%arg30 : memref<!tpu.dma_semaphore, #tpu.memory_space<semaphore_mem>>)
          %dma_start3A_217 = arith.constant 128 : i32
          %dma_start3A_218 = arith.constant 0 : i32
          %dma_start3A_219 = tpu.memref_slice %arg21[%dma_start3A_217, %dma_start3A_218] : memref<256x64xf32, #tpu.memory_space<vmem>> -> memref<128x64xf32, #tpu.memory_space<vmem>>
          %dma_start3A_220 = arith.constant 0 : i32
          %dma_start3A_221 = arith.constant 0 : i32
          %dma_start3A_222 = tpu.memref_slice %arg2[%dma_start3A_220, %dma_start3A_221] : memref<50000x64xf32, #tpu.memory_space<hbm>> -> memref<50000x64xf32, #tpu.memory_space<hbm>>
          tpu.enqueue_indirect_dma source(%dma_start3A_222 : memref<50000x64xf32, #tpu.memory_space<hbm>>) target(%dma_start3A_219 : memref<128x64xf32, #tpu.memory_space<vmem>>) offsets(%arg14 : memref<128xi32, #tpu.memory_space<vmem>>) semaphore(%arg30 : memref<!tpu.dma_semaphore, #tpu.memory_space<semaphore_mem>>)
          %dma_start3A_223 = arith.constant 128 : i32
          %dma_start3A_224 = arith.constant 0 : i32
          %dma_start3A_225 = tpu.memref_slice %arg23[%dma_start3A_223, %dma_start3A_224] : memref<256x64xf32, #tpu.memory_space<vmem>> -> memref<128x64xf32, #tpu.memory_space<vmem>>
          %dma_start3A_226 = arith.constant 0 : i32
          %dma_start3A_227 = arith.constant 0 : i32
          %dma_start3A_228 = tpu.memref_slice %arg4[%dma_start3A_226, %dma_start3A_227] : memref<10016x64xf32, #tpu.memory_space<hbm>> -> memref<10016x64xf32, #tpu.memory_space<hbm>>
          tpu.enqueue_indirect_dma source(%dma_start3A_228 : memref<10016x64xf32, #tpu.memory_space<hbm>>) target(%dma_start3A_225 : memref<128x64xf32, #tpu.memory_space<vmem>>) offsets(%arg16 : memref<128xi32, #tpu.memory_space<vmem>>) semaphore(%arg30 : memref<!tpu.dma_semaphore, #tpu.memory_space<semaphore_mem>>)
        } else {
        }
        %eq3A_200 = arith.constant 1 : i32
        %eq3A_201 = arith.cmpi eq, %arg0, %eq3A_200 : i32
        %convert_element_type3A_202 = arith.extui %eq3A_201 : i1 to i32
        %cond3A_203 = arith.constant 0 : i32
        %cond3A_204 = arith.cmpi ne, %convert_element_type3A_202, %cond3A_203 : i32
        scf.if %cond3A_204 {
          %dma_start3A_205 = arith.constant 0 : i32
          %dma_start3A_206 = arith.constant 0 : i32
          %dma_start3A_207 = tpu.memref_slice %arg21[%dma_start3A_205, %dma_start3A_206] : memref<256x64xf32, #tpu.memory_space<vmem>> -> memref<128x64xf32, #tpu.memory_space<vmem>>
          %dma_start3A_208 = arith.constant 0 : i32
          %dma_start3A_209 = arith.constant 0 : i32
          %dma_start3A_210 = tpu.memref_slice %arg3[%dma_start3A_208, %dma_start3A_209] : memref<50000x64xf32, #tpu.memory_space<hbm>> -> memref<50000x64xf32, #tpu.memory_space<hbm>>
          tpu.enqueue_indirect_dma source(%dma_start3A_210 : memref<50000x64xf32, #tpu.memory_space<hbm>>) target(%dma_start3A_207 : memref<128x64xf32, #tpu.memory_space<vmem>>) offsets(%arg13 : memref<128xi32, #tpu.memory_space<vmem>>) semaphore(%arg30 : memref<!tpu.dma_semaphore, #tpu.memory_space<semaphore_mem>>)
          %dma_start3A_211 = arith.constant 0 : i32
          %dma_start3A_212 = arith.constant 0 : i32
          %dma_start3A_213 = tpu.memref_slice %arg23[%dma_start3A_211, %dma_start3A_212] : memref<256x64xf32, #tpu.memory_space<vmem>> -> memref<128x64xf32, #tpu.memory_space<vmem>>
          %dma_start3A_214 = arith.constant 0 : i32
          %dma_start3A_215 = arith.constant 0 : i32
          %dma_start3A_216 = tpu.memref_slice %arg5[%dma_start3A_214, %dma_start3A_215] : memref<10016x64xf32, #tpu.memory_space<hbm>> -> memref<10016x64xf32, #tpu.memory_space<hbm>>
          tpu.enqueue_indirect_dma source(%dma_start3A_216 : memref<10016x64xf32, #tpu.memory_space<hbm>>) target(%dma_start3A_213 : memref<128x64xf32, #tpu.memory_space<vmem>>) offsets(%arg15 : memref<128xi32, #tpu.memory_space<vmem>>) semaphore(%arg30 : memref<!tpu.dma_semaphore, #tpu.memory_space<semaphore_mem>>)
          %dma_start3A_217 = arith.constant 128 : i32
          %dma_start3A_218 = arith.constant 0 : i32
          %dma_start3A_219 = tpu.memref_slice %arg21[%dma_start3A_217, %dma_start3A_218] : memref<256x64xf32, #tpu.memory_space<vmem>> -> memref<128x64xf32, #tpu.memory_space<vmem>>
          %dma_start3A_220 = arith.constant 0 : i32
          %dma_start3A_221 = arith.constant 0 : i32
          %dma_start3A_222 = tpu.memref_slice %arg3[%dma_start3A_220, %dma_start3A_221] : memref<50000x64xf32, #tpu.memory_space<hbm>> -> memref<50000x64xf32, #tpu.memory_space<hbm>>
          tpu.enqueue_indirect_dma source(%dma_start3A_222 : memref<50000x64xf32, #tpu.memory_space<hbm>>) target(%dma_start3A_219 : memref<128x64xf32, #tpu.memory_space<vmem>>) offsets(%arg14 : memref<128xi32, #tpu.memory_space<vmem>>) semaphore(%arg30 : memref<!tpu.dma_semaphore, #tpu.memory_space<semaphore_mem>>)
          %dma_start3A_223 = arith.constant 128 : i32
          %dma_start3A_224 = arith.constant 0 : i32
          %dma_start3A_225 = tpu.memref_slice %arg23[%dma_start3A_223, %dma_start3A_224] : memref<256x64xf32, #tpu.memory_space<vmem>> -> memref<128x64xf32, #tpu.memory_space<vmem>>
          %dma_start3A_226 = arith.constant 0 : i32
          %dma_start3A_227 = arith.constant 0 : i32
          %dma_start3A_228 = tpu.memref_slice %arg5[%dma_start3A_226, %dma_start3A_227] : memref<10016x64xf32, #tpu.memory_space<hbm>> -> memref<10016x64xf32, #tpu.memory_space<hbm>>
          tpu.enqueue_indirect_dma source(%dma_start3A_228 : memref<10016x64xf32, #tpu.memory_space<hbm>>) target(%dma_start3A_225 : memref<128x64xf32, #tpu.memory_space<vmem>>) offsets(%arg16 : memref<128xi32, #tpu.memory_space<vmem>>) semaphore(%arg30 : memref<!tpu.dma_semaphore, #tpu.memory_space<semaphore_mem>>)
        } else {
        }
      } else {
      }
      %dma_wait3A_132 = arith.constant 0 : i32
      %dma_wait3A_133 = arith.constant 0 : i32
      %dma_wait3A_134 = tpu.memref_slice %arg22[%dma_wait3A_132, %dma_wait3A_133] : memref<256x64xf32, #tpu.memory_space<vmem>> -> memref<128x64xf32, #tpu.memory_space<vmem>>
      %dma_wait3A_135 = arith.constant 0 : i32
      %dma_wait3A_136 = arith.constant 0 : i32
      %dma_wait3A_137 = tpu.memref_slice %arg2[%dma_wait3A_135, %dma_wait3A_136] : memref<50000x64xf32, #tpu.memory_space<hbm>> -> memref<50000x64xf32, #tpu.memory_space<hbm>>
      tpu.wait_indirect_dma semaphore(%arg31 : memref<!tpu.dma_semaphore, #tpu.memory_space<semaphore_mem>>) src(%dma_wait3A_137 : memref<50000x64xf32, #tpu.memory_space<hbm>>) dst(%dma_wait3A_134 : memref<128x64xf32, #tpu.memory_space<vmem>>)
      %dma_wait3A_138 = arith.constant 0 : i32
      %dma_wait3A_139 = arith.constant 0 : i32
      %dma_wait3A_140 = tpu.memref_slice %arg24[%dma_wait3A_138, %dma_wait3A_139] : memref<256x64xf32, #tpu.memory_space<vmem>> -> memref<128x64xf32, #tpu.memory_space<vmem>>
      %dma_wait3A_141 = arith.constant 0 : i32
      %dma_wait3A_142 = arith.constant 0 : i32
      %dma_wait3A_143 = tpu.memref_slice %arg4[%dma_wait3A_141, %dma_wait3A_142] : memref<10016x64xf32, #tpu.memory_space<hbm>> -> memref<10016x64xf32, #tpu.memory_space<hbm>>
      tpu.wait_indirect_dma semaphore(%arg31 : memref<!tpu.dma_semaphore, #tpu.memory_space<semaphore_mem>>) src(%dma_wait3A_143 : memref<10016x64xf32, #tpu.memory_space<hbm>>) dst(%dma_wait3A_140 : memref<128x64xf32, #tpu.memory_space<vmem>>)
      %dma_wait3A_144 = arith.constant 128 : i32
      %dma_wait3A_145 = arith.constant 0 : i32
      %dma_wait3A_146 = tpu.memref_slice %arg22[%dma_wait3A_144, %dma_wait3A_145] : memref<256x64xf32, #tpu.memory_space<vmem>> -> memref<128x64xf32, #tpu.memory_space<vmem>>
      %dma_wait3A_147 = arith.constant 0 : i32
      %dma_wait3A_148 = arith.constant 0 : i32
      %dma_wait3A_149 = tpu.memref_slice %arg2[%dma_wait3A_147, %dma_wait3A_148] : memref<50000x64xf32, #tpu.memory_space<hbm>> -> memref<50000x64xf32, #tpu.memory_space<hbm>>
      tpu.wait_indirect_dma semaphore(%arg31 : memref<!tpu.dma_semaphore, #tpu.memory_space<semaphore_mem>>) src(%dma_wait3A_149 : memref<50000x64xf32, #tpu.memory_space<hbm>>) dst(%dma_wait3A_146 : memref<128x64xf32, #tpu.memory_space<vmem>>)
      %dma_wait3A_150 = arith.constant 128 : i32
      %dma_wait3A_151 = arith.constant 0 : i32
      %dma_wait3A_152 = tpu.memref_slice %arg24[%dma_wait3A_150, %dma_wait3A_151] : memref<256x64xf32, #tpu.memory_space<vmem>> -> memref<128x64xf32, #tpu.memory_space<vmem>>
      %dma_wait3A_153 = arith.constant 0 : i32
      %dma_wait3A_154 = arith.constant 0 : i32
      %dma_wait3A_155 = tpu.memref_slice %arg4[%dma_wait3A_153, %dma_wait3A_154] : memref<10016x64xf32, #tpu.memory_space<hbm>> -> memref<10016x64xf32, #tpu.memory_space<hbm>>
      tpu.wait_indirect_dma semaphore(%arg31 : memref<!tpu.dma_semaphore, #tpu.memory_space<semaphore_mem>>) src(%dma_wait3A_155 : memref<10016x64xf32, #tpu.memory_space<hbm>>) dst(%dma_wait3A_152 : memref<128x64xf32, #tpu.memory_space<vmem>>)
      %parallel_loop3A_156 = arith.constant 0 : i32
      %parallel_loop3A_157 = arith.constant 256 : i32
      %parallel_loop3A_158 = arith.constant 1 : i32
      scf.for %parallel_loop3A_183 = %parallel_loop3A_156 to %parallel_loop3A_157 step %parallel_loop3A_158  : i32 {
        %parallel_loop3A_184 = arith.constant 0.000000e+00 : f32
        %parallel_loop3A_185 = vector.broadcast %parallel_loop3A_184 : f32 to vector<16xf32>
        %parallel_loop3A_186 = arith.index_cast %parallel_loop3A_183 : i32 to index
        %parallel_loop3A_187 = arith.constant 0 : index
        %parallel_loop3A_188 = tpu.vector_load %arg22[%parallel_loop3A_186, %parallel_loop3A_187] {strides = array<i32>} : memref<256x64xf32, #tpu.memory_space<vmem>>, vector<16xf32>,
        %parallel_loop3A_189 = arith.index_cast %parallel_loop3A_183 : i32 to index
        %parallel_loop3A_190 = arith.constant 0 : index
        %parallel_loop3A_191 = tpu.vector_load %arg24[%parallel_loop3A_189, %parallel_loop3A_190] {strides = array<i32>} : memref<256x64xf32, #tpu.memory_space<vmem>>, vector<16xf32>,
        %parallel_loop3A_192 = arith.addf %parallel_loop3A_188, %parallel_loop3A_191 : vector<16xf32>
        %parallel_loop3A_193 = arith.constant 2.000000e-01 : f32
        %parallel_loop3A_194 = vector.broadcast %parallel_loop3A_193 : f32 to vector<16xf32>
        %parallel_loop3A_195 = arith.mulf %parallel_loop3A_192, %parallel_loop3A_194 : vector<16xf32>
        %parallel_loop3A_196 = arith.maximumf %parallel_loop3A_192, %parallel_loop3A_195 : vector<16xf32>
        %parallel_loop3A_197 = arith.mulf %parallel_loop3A_196, %get3A_5 : vector<16xf32>
        %parallel_loop3A_198 = arith.constant true
        %parallel_loop3A_199 = vector.broadcast %parallel_loop3A_198 : i1 to vector<16xi1>
        %parallel_loop3A_200 = tpu.scan <sum>, %parallel_loop3A_197 masked %parallel_loop3A_199 : vector<16xf32>, vector<16xi1> -> vector<16xf32>
        %parallel_loop3A_201 = vector.extract %parallel_loop3A_200[15] : f32 from vector<16xf32>
        %parallel_loop3A_202 = vector.broadcast %parallel_loop3A_201 : f32 to vector<16xf32>
        %parallel_loop3A_203 = math.exp %parallel_loop3A_202 : vector<16xf32>
        %parallel_loop3A_204 = arith.mulf %parallel_loop3A_188, %parallel_loop3A_203 : vector<16xf32>
        %parallel_loop3A_205 = arith.index_cast %parallel_loop3A_183 : i32 to index
        %parallel_loop3A_206 = arith.constant 0 : index
        %parallel_loop3A_207 = tpu.vector_load %arg22[%parallel_loop3A_205, %parallel_loop3A_206] {strides = array<i32>} : memref<256x64xf32, #tpu.memory_space<vmem>>, vector<16xf32>,
        tpu.vector_store %arg22[%parallel_loop3A_205, %parallel_loop3A_206], %parallel_loop3A_204 {strides = array<i32>} : memref<256x64xf32, #tpu.memory_space<vmem>>, vector<16xf32>,
        %parallel_loop3A_208 = arith.constant 4 : i32
        %parallel_loop3A_209 = arith.muli %arg0, %parallel_loop3A_208 : i32
        %parallel_loop3A_210 = arith.constant 0 : i32
        %parallel_loop3A_211 = arith.addi %parallel_loop3A_209, %parallel_loop3A_210 : i32
        %parallel_loop3A_212 = vector.broadcast %parallel_loop3A_211 : i32 to vector<16xi32>
        %parallel_loop3A_213 = arith.cmpi eq, %iota3A, %parallel_loop3A_212 : vector<16xi32>
        %parallel_loop3A_214 = arith.select %parallel_loop3A_213, %parallel_loop3A_203, %parallel_loop3A_185 : vector<16xi1>, vector<16xf32>
        %parallel_loop3A_215 = arith.index_cast %parallel_loop3A_183 : i32 to index
        %parallel_loop3A_216 = arith.constant 16 : index
        %parallel_loop3A_217 = tpu.vector_load %arg22[%parallel_loop3A_215, %parallel_loop3A_216] {strides = array<i32>} : memref<256x64xf32, #tpu.memory_space<vmem>>, vector<16xf32>,
        %parallel_loop3A_218 = arith.index_cast %parallel_loop3A_183 : i32 to index
        %parallel_loop3A_219 = arith.constant 16 : index
        %parallel_loop3A_220 = tpu.vector_load %arg24[%parallel_loop3A_218, %parallel_loop3A_219] {strides = array<i32>} : memref<256x64xf32, #tpu.memory_space<vmem>>, vector<16xf32>,
        %parallel_loop3A_221 = arith.addf %parallel_loop3A_217, %parallel_loop3A_220 : vector<16xf32>
        %parallel_loop3A_222 = arith.constant 2.000000e-01 : f32
        %parallel_loop3A_223 = vector.broadcast %parallel_loop3A_222 : f32 to vector<16xf32>
        %parallel_loop3A_224 = arith.mulf %parallel_loop3A_221, %parallel_loop3A_223 : vector<16xf32>
        %parallel_loop3A_225 = arith.maximumf %parallel_loop3A_221, %parallel_loop3A_224 : vector<16xf32>
        %parallel_loop3A_226 = arith.mulf %parallel_loop3A_225, %get3A_7 : vector<16xf32>
        %parallel_loop3A_227 = arith.constant true
        %parallel_loop3A_228 = vector.broadcast %parallel_loop3A_227 : i1 to vector<16xi1>
        %parallel_loop3A_229 = tpu.scan <sum>, %parallel_loop3A_226 masked %parallel_loop3A_228 : vector<16xf32>, vector<16xi1> -> vector<16xf32>
        %parallel_loop3A_230 = vector.extract %parallel_loop3A_229[15] : f32 from vector<16xf32>
        %parallel_loop3A_231 = vector.broadcast %parallel_loop3A_230 : f32 to vector<16xf32>
        %parallel_loop3A_232 = math.exp %parallel_loop3A_231 : vector<16xf32>
        %parallel_loop3A_233 = arith.mulf %parallel_loop3A_217, %parallel_loop3A_232 : vector<16xf32>
        %parallel_loop3A_234 = arith.index_cast %parallel_loop3A_183 : i32 to index
        %parallel_loop3A_235 = arith.constant 16 : index
        %parallel_loop3A_236 = tpu.vector_load %arg22[%parallel_loop3A_234, %parallel_loop3A_235] {strides = array<i32>} : memref<256x64xf32, #tpu.memory_space<vmem>>, vector<16xf32>,
        tpu.vector_store %arg22[%parallel_loop3A_234, %parallel_loop3A_235], %parallel_loop3A_233 {strides = array<i32>} : memref<256x64xf32, #tpu.memory_space<vmem>>, vector<16xf32>,
        %parallel_loop3A_237 = arith.constant 4 : i32
        %parallel_loop3A_238 = arith.muli %arg0, %parallel_loop3A_237 : i32
        %parallel_loop3A_239 = arith.constant 1 : i32
        %parallel_loop3A_240 = arith.addi %parallel_loop3A_238, %parallel_loop3A_239 : i32
        %parallel_loop3A_241 = vector.broadcast %parallel_loop3A_240 : i32 to vector<16xi32>
        %parallel_loop3A_242 = arith.cmpi eq, %iota3A, %parallel_loop3A_241 : vector<16xi32>
        %parallel_loop3A_243 = arith.select %parallel_loop3A_242, %parallel_loop3A_232, %parallel_loop3A_214 : vector<16xi1>, vector<16xf32>
        %parallel_loop3A_244 = arith.index_cast %parallel_loop3A_183 : i32 to index
        %parallel_loop3A_245 = arith.constant 32 : index
        %parallel_loop3A_246 = tpu.vector_load %arg22[%parallel_loop3A_244, %parallel_loop3A_245] {strides = array<i32>} : memref<256x64xf32, #tpu.memory_space<vmem>>, vector<16xf32>,
        %parallel_loop3A_247 = arith.index_cast %parallel_loop3A_183 : i32 to index
        %parallel_loop3A_248 = arith.constant 32 : index
        %parallel_loop3A_249 = tpu.vector_load %arg24[%parallel_loop3A_247, %parallel_loop3A_248] {strides = array<i32>} : memref<256x64xf32, #tpu.memory_space<vmem>>, vector<16xf32>,
        %parallel_loop3A_250 = arith.addf %parallel_loop3A_246, %parallel_loop3A_249 : vector<16xf32>
        %parallel_loop3A_251 = arith.constant 2.000000e-01 : f32
        %parallel_loop3A_252 = vector.broadcast %parallel_loop3A_251 : f32 to vector<16xf32>
        %parallel_loop3A_253 = arith.mulf %parallel_loop3A_250, %parallel_loop3A_252 : vector<16xf32>
        %parallel_loop3A_254 = arith.maximumf %parallel_loop3A_250, %parallel_loop3A_253 : vector<16xf32>
        %parallel_loop3A_255 = arith.mulf %parallel_loop3A_254, %get3A_9 : vector<16xf32>
        %parallel_loop3A_256 = arith.constant true
        %parallel_loop3A_257 = vector.broadcast %parallel_loop3A_256 : i1 to vector<16xi1>
        %parallel_loop3A_258 = tpu.scan <sum>, %parallel_loop3A_255 masked %parallel_loop3A_257 : vector<16xf32>, vector<16xi1> -> vector<16xf32>
        %parallel_loop3A_259 = vector.extract %parallel_loop3A_258[15] : f32 from vector<16xf32>
        %parallel_loop3A_260 = vector.broadcast %parallel_loop3A_259 : f32 to vector<16xf32>
        %parallel_loop3A_261 = math.exp %parallel_loop3A_260 : vector<16xf32>
        %parallel_loop3A_262 = arith.mulf %parallel_loop3A_246, %parallel_loop3A_261 : vector<16xf32>
        %parallel_loop3A_263 = arith.index_cast %parallel_loop3A_183 : i32 to index
        %parallel_loop3A_264 = arith.constant 32 : index
        %parallel_loop3A_265 = tpu.vector_load %arg22[%parallel_loop3A_263, %parallel_loop3A_264] {strides = array<i32>} : memref<256x64xf32, #tpu.memory_space<vmem>>, vector<16xf32>,
        tpu.vector_store %arg22[%parallel_loop3A_263, %parallel_loop3A_264], %parallel_loop3A_262 {strides = array<i32>} : memref<256x64xf32, #tpu.memory_space<vmem>>, vector<16xf32>,
        %parallel_loop3A_266 = arith.constant 4 : i32
        %parallel_loop3A_267 = arith.muli %arg0, %parallel_loop3A_266 : i32
        %parallel_loop3A_268 = arith.constant 2 : i32
        %parallel_loop3A_269 = arith.addi %parallel_loop3A_267, %parallel_loop3A_268 : i32
        %parallel_loop3A_270 = vector.broadcast %parallel_loop3A_269 : i32 to vector<16xi32>
        %parallel_loop3A_271 = arith.cmpi eq, %iota3A, %parallel_loop3A_270 : vector<16xi32>
        %parallel_loop3A_272 = arith.select %parallel_loop3A_271, %parallel_loop3A_261, %parallel_loop3A_243 : vector<16xi1>, vector<16xf32>
        %parallel_loop3A_273 = arith.index_cast %parallel_loop3A_183 : i32 to index
        %parallel_loop3A_274 = arith.constant 48 : index
        %parallel_loop3A_275 = tpu.vector_load %arg22[%parallel_loop3A_273, %parallel_loop3A_274] {strides = array<i32>} : memref<256x64xf32, #tpu.memory_space<vmem>>, vector<16xf32>,
        %parallel_loop3A_276 = arith.index_cast %parallel_loop3A_183 : i32 to index
        %parallel_loop3A_277 = arith.constant 48 : index
        %parallel_loop3A_278 = tpu.vector_load %arg24[%parallel_loop3A_276, %parallel_loop3A_277] {strides = array<i32>} : memref<256x64xf32, #tpu.memory_space<vmem>>, vector<16xf32>,
        %parallel_loop3A_279 = arith.addf %parallel_loop3A_275, %parallel_loop3A_278 : vector<16xf32>
        %parallel_loop3A_280 = arith.constant 2.000000e-01 : f32
        %parallel_loop3A_281 = vector.broadcast %parallel_loop3A_280 : f32 to vector<16xf32>
        %parallel_loop3A_282 = arith.mulf %parallel_loop3A_279, %parallel_loop3A_281 : vector<16xf32>
        %parallel_loop3A_283 = arith.maximumf %parallel_loop3A_279, %parallel_loop3A_282 : vector<16xf32>
        %parallel_loop3A_284 = arith.mulf %parallel_loop3A_283, %get3A_11 : vector<16xf32>
        %parallel_loop3A_285 = arith.constant true
        %parallel_loop3A_286 = vector.broadcast %parallel_loop3A_285 : i1 to vector<16xi1>
        %parallel_loop3A_287 = tpu.scan <sum>, %parallel_loop3A_284 masked %parallel_loop3A_286 : vector<16xf32>, vector<16xi1> -> vector<16xf32>
        %parallel_loop3A_288 = vector.extract %parallel_loop3A_287[15] : f32 from vector<16xf32>
        %parallel_loop3A_289 = vector.broadcast %parallel_loop3A_288 : f32 to vector<16xf32>
        %parallel_loop3A_290 = math.exp %parallel_loop3A_289 : vector<16xf32>
        %parallel_loop3A_291 = arith.mulf %parallel_loop3A_275, %parallel_loop3A_290 : vector<16xf32>
        %parallel_loop3A_292 = arith.index_cast %parallel_loop3A_183 : i32 to index
        %parallel_loop3A_293 = arith.constant 48 : index
        %parallel_loop3A_294 = tpu.vector_load %arg22[%parallel_loop3A_292, %parallel_loop3A_293] {strides = array<i32>} : memref<256x64xf32, #tpu.memory_space<vmem>>, vector<16xf32>,
        tpu.vector_store %arg22[%parallel_loop3A_292, %parallel_loop3A_293], %parallel_loop3A_291 {strides = array<i32>} : memref<256x64xf32, #tpu.memory_space<vmem>>, vector<16xf32>,
        %parallel_loop3A_295 = arith.constant 4 : i32
        %parallel_loop3A_296 = arith.muli %arg0, %parallel_loop3A_295 : i32
        %parallel_loop3A_297 = arith.constant 3 : i32
        %parallel_loop3A_298 = arith.addi %parallel_loop3A_296, %parallel_loop3A_297 : i32
        %parallel_loop3A_299 = vector.broadcast %parallel_loop3A_298 : i32 to vector<16xi32>
        %parallel_loop3A_300 = arith.cmpi eq, %iota3A, %parallel_loop3A_299 : vector<16xi32>
        %parallel_loop3A_301 = arith.select %parallel_loop3A_300, %parallel_loop3A_290, %parallel_loop3A_272 : vector<16xi1>, vector<16xf32>
        %parallel_loop3A_302 = arith.index_cast %parallel_loop3A_183 : i32 to index
        %parallel_loop3A_303 = arith.constant 0 : index
        %parallel_loop3A_304 = tpu.vector_load %arg26[%parallel_loop3A_302, %parallel_loop3A_303] {strides = array<i32>} : memref<256x16xf32, #tpu.memory_space<vmem>>, vector<16xf32>,
        tpu.vector_store %arg26[%parallel_loop3A_302, %parallel_loop3A_303], %parallel_loop3A_301 {strides = array<i32>} : memref<256x16xf32, #tpu.memory_space<vmem>>, vector<16xf32>,
      } {sc.loop_unroll_factor = 16 : i64, sc.parallel_access}
      %dma_start3A_159 = arith.constant 0 : i32
      %dma_start3A_160 = arith.constant 0 : i32
      %dma_start3A_161 = tpu.memref_slice %arg22[%dma_start3A_159, %dma_start3A_160] : memref<256x64xf32, #tpu.memory_space<vmem>> -> memref<128x64xf32, #tpu.memory_space<vmem>>
      %dma_start3A_162 = arith.constant 0 : i32
      %dma_start3A_163 = arith.constant 0 : i32
      %dma_start3A_164 = tpu.memref_slice %arg28[%dma_start3A_162, %dma_start3A_163] : memref<10112x64xf32, #tpu.memory_space<vmem_shared>> -> memref<10112x64xf32, #tpu.memory_space<vmem_shared>>
      tpu.enqueue_indirect_dma source(%dma_start3A_161 : memref<128x64xf32, #tpu.memory_space<vmem>>) target(%dma_start3A_164 : memref<10112x64xf32, #tpu.memory_space<vmem_shared>>) offsets(%arg19 : memref<128xi32, #tpu.memory_space<vmem>>) semaphore(%arg33 : memref<!tpu.dma_semaphore, #tpu.memory_space<semaphore_mem>>) {add = true}
      %dma_start3A_165 = arith.constant 0 : i32
      %dma_start3A_166 = arith.constant 0 : i32
      %dma_start3A_167 = tpu.memref_slice %arg26[%dma_start3A_165, %dma_start3A_166] : memref<256x16xf32, #tpu.memory_space<vmem>> -> memref<128x16xf32, #tpu.memory_space<vmem>>
      %dma_start3A_168 = arith.constant 0 : i32
      %dma_start3A_169 = arith.constant 0 : i32
      %dma_start3A_170 = tpu.memref_slice %arg29[%dma_start3A_168, %dma_start3A_169] : memref<10112x16xf32, #tpu.memory_space<vmem_shared>> -> memref<10112x16xf32, #tpu.memory_space<vmem_shared>>
      tpu.enqueue_indirect_dma source(%dma_start3A_167 : memref<128x16xf32, #tpu.memory_space<vmem>>) target(%dma_start3A_170 : memref<10112x16xf32, #tpu.memory_space<vmem_shared>>) offsets(%arg19 : memref<128xi32, #tpu.memory_space<vmem>>) semaphore(%arg33 : memref<!tpu.dma_semaphore, #tpu.memory_space<semaphore_mem>>) {add = true}
      %dma_start3A_171 = arith.constant 128 : i32
      %dma_start3A_172 = arith.constant 0 : i32
      %dma_start3A_173 = tpu.memref_slice %arg22[%dma_start3A_171, %dma_start3A_172] : memref<256x64xf32, #tpu.memory_space<vmem>> -> memref<128x64xf32, #tpu.memory_space<vmem>>
      %dma_start3A_174 = arith.constant 0 : i32
      %dma_start3A_175 = arith.constant 0 : i32
      %dma_start3A_176 = tpu.memref_slice %arg28[%dma_start3A_174, %dma_start3A_175] : memref<10112x64xf32, #tpu.memory_space<vmem_shared>> -> memref<10112x64xf32, #tpu.memory_space<vmem_shared>>
      tpu.enqueue_indirect_dma source(%dma_start3A_173 : memref<128x64xf32, #tpu.memory_space<vmem>>) target(%dma_start3A_176 : memref<10112x64xf32, #tpu.memory_space<vmem_shared>>) offsets(%arg20 : memref<128xi32, #tpu.memory_space<vmem>>) semaphore(%arg33 : memref<!tpu.dma_semaphore, #tpu.memory_space<semaphore_mem>>) {add = true}
      %dma_start3A_177 = arith.constant 128 : i32
      %dma_start3A_178 = arith.constant 0 : i32
      %dma_start3A_179 = tpu.memref_slice %arg26[%dma_start3A_177, %dma_start3A_178] : memref<256x16xf32, #tpu.memory_space<vmem>> -> memref<128x16xf32, #tpu.memory_space<vmem>>
      %dma_start3A_180 = arith.constant 0 : i32
      %dma_start3A_181 = arith.constant 0 : i32
      %dma_start3A_182 = tpu.memref_slice %arg29[%dma_start3A_180, %dma_start3A_181] : memref<10112x16xf32, #tpu.memory_space<vmem_shared>> -> memref<10112x16xf32, #tpu.memory_space<vmem_shared>>
      tpu.enqueue_indirect_dma source(%dma_start3A_179 : memref<128x16xf32, #tpu.memory_space<vmem>>) target(%dma_start3A_182 : memref<10112x16xf32, #tpu.memory_space<vmem_shared>>) offsets(%arg20 : memref<128xi32, #tpu.memory_space<vmem>>) semaphore(%arg33 : memref<!tpu.dma_semaphore, #tpu.memory_space<semaphore_mem>>) {add = true}
    }
    %scan3A_26 = arith.constant 40 : i32
    %dma_wait3A = arith.constant 0 : i32
    %dma_wait3A_27 = arith.constant 0 : i32
    %dma_wait3A_28 = tpu.memref_slice %arg22[%dma_wait3A, %dma_wait3A_27] : memref<256x64xf32, #tpu.memory_space<vmem>> -> memref<128x64xf32, #tpu.memory_space<vmem>>
    %dma_wait3A_29 = arith.constant 0 : i32
    %dma_wait3A_30 = arith.constant 0 : i32
    %dma_wait3A_31 = tpu.memref_slice %arg28[%dma_wait3A_29, %dma_wait3A_30] : memref<10112x64xf32, #tpu.memory_space<vmem_shared>> -> memref<10112x64xf32, #tpu.memory_space<vmem_shared>>
    tpu.wait_indirect_dma semaphore(%arg33 : memref<!tpu.dma_semaphore, #tpu.memory_space<semaphore_mem>>) src(%dma_wait3A_28 : memref<128x64xf32, #tpu.memory_space<vmem>>) dst(%dma_wait3A_31 : memref<10112x64xf32, #tpu.memory_space<vmem_shared>>)
    %dma_wait3A_32 = arith.constant 0 : i32
    %dma_wait3A_33 = arith.constant 0 : i32
    %dma_wait3A_34 = tpu.memref_slice %arg26[%dma_wait3A_32, %dma_wait3A_33] : memref<256x16xf32, #tpu.memory_space<vmem>> -> memref<128x16xf32, #tpu.memory_space<vmem>>
    %dma_wait3A_35 = arith.constant 0 : i32
    %dma_wait3A_36 = arith.constant 0 : i32
    %dma_wait3A_37 = tpu.memref_slice %arg29[%dma_wait3A_35, %dma_wait3A_36] : memref<10112x16xf32, #tpu.memory_space<vmem_shared>> -> memref<10112x16xf32, #tpu.memory_space<vmem_shared>>
    tpu.wait_indirect_dma semaphore(%arg33 : memref<!tpu.dma_semaphore, #tpu.memory_space<semaphore_mem>>) src(%dma_wait3A_34 : memref<128x16xf32, #tpu.memory_space<vmem>>) dst(%dma_wait3A_37 : memref<10112x16xf32, #tpu.memory_space<vmem_shared>>)
    %dma_wait3A_38 = arith.constant 128 : i32
    %dma_wait3A_39 = arith.constant 0 : i32
    %dma_wait3A_40 = tpu.memref_slice %arg22[%dma_wait3A_38, %dma_wait3A_39] : memref<256x64xf32, #tpu.memory_space<vmem>> -> memref<128x64xf32, #tpu.memory_space<vmem>>
    %dma_wait3A_41 = arith.constant 0 : i32
    %dma_wait3A_42 = arith.constant 0 : i32
    %dma_wait3A_43 = tpu.memref_slice %arg28[%dma_wait3A_41, %dma_wait3A_42] : memref<10112x64xf32, #tpu.memory_space<vmem_shared>> -> memref<10112x64xf32, #tpu.memory_space<vmem_shared>>
    tpu.wait_indirect_dma semaphore(%arg33 : memref<!tpu.dma_semaphore, #tpu.memory_space<semaphore_mem>>) src(%dma_wait3A_40 : memref<128x64xf32, #tpu.memory_space<vmem>>) dst(%dma_wait3A_43 : memref<10112x64xf32, #tpu.memory_space<vmem_shared>>)
    %dma_wait3A_44 = arith.constant 128 : i32
    %dma_wait3A_45 = arith.constant 0 : i32
    %dma_wait3A_46 = tpu.memref_slice %arg26[%dma_wait3A_44, %dma_wait3A_45] : memref<256x16xf32, #tpu.memory_space<vmem>> -> memref<128x16xf32, #tpu.memory_space<vmem>>
    %dma_wait3A_47 = arith.constant 0 : i32
    %dma_wait3A_48 = arith.constant 0 : i32
    %dma_wait3A_49 = tpu.memref_slice %arg29[%dma_wait3A_47, %dma_wait3A_48] : memref<10112x16xf32, #tpu.memory_space<vmem_shared>> -> memref<10112x16xf32, #tpu.memory_space<vmem_shared>>
    tpu.wait_indirect_dma semaphore(%arg33 : memref<!tpu.dma_semaphore, #tpu.memory_space<semaphore_mem>>) src(%dma_wait3A_46 : memref<128x16xf32, #tpu.memory_space<vmem>>) dst(%dma_wait3A_49 : memref<10112x16xf32, #tpu.memory_space<vmem_shared>>)
    %barrier3A_50 = arith.constant 0 : index
    tpu.barrier barrier_id(%barrier3A_50)
    %mul3A_51 = arith.constant 632 : i32
    %mul3A_52 = arith.muli %arg1, %mul3A_51 : i32
    "tpu.region"() ({
      %run_scoped3A_53 = tpu.sem_alloc : memref<!tpu.dma_semaphore, #tpu.memory_space<semaphore_mem>>
      %dma_start3A = arith.constant 0 : i32
      %dma_start3A_54 = tpu.memref_slice %arg11[%arg0, %mul3A_52, %dma_start3A] : memref<2x10112x64xf32, #tpu.memory_space<hbm>> -> memref<1x632x64xf32, #tpu.memory_space<hbm>>
      %dma_start3A_55 = tpu.memref_squeeze %dma_start3A_54 : memref<1x632x64xf32, #tpu.memory_space<hbm>> -> memref<632x64xf32, #tpu.memory_space<hbm>>
      %dma_start3A_56 = arith.constant 0 : i32
      %dma_start3A_57 = tpu.memref_slice %arg28[%mul3A_52, %dma_start3A_56] : memref<10112x64xf32, #tpu.memory_space<vmem_shared>> -> memref<632x64xf32, #tpu.memory_space<vmem_shared>>
      tpu.enqueue_dma source(%dma_start3A_57 : memref<632x64xf32, #tpu.memory_space<vmem_shared>>) target(%dma_start3A_55 : memref<632x64xf32, #tpu.memory_space<hbm>>) target_semaphore(%run_scoped3A_53 : memref<!tpu.dma_semaphore, #tpu.memory_space<semaphore_mem>>)
      %dma_wait3A_58 = arith.constant 0 : i32
      %dma_wait3A_59 = tpu.memref_slice %arg11[%arg0, %mul3A_52, %dma_wait3A_58] : memref<2x10112x64xf32, #tpu.memory_space<hbm>> -> memref<1x632x64xf32, #tpu.memory_space<hbm>>
      %dma_wait3A_60 = tpu.memref_squeeze %dma_wait3A_59 : memref<1x632x64xf32, #tpu.memory_space<hbm>> -> memref<632x64xf32, #tpu.memory_space<hbm>>
      %dma_wait3A_61 = arith.constant 0 : i32
      %dma_wait3A_62 = tpu.memref_slice %arg28[%mul3A_52, %dma_wait3A_61] : memref<10112x64xf32, #tpu.memory_space<vmem_shared>> -> memref<632x64xf32, #tpu.memory_space<vmem_shared>>
      tpu.wait_dma2 semaphore(%run_scoped3A_53 : memref<!tpu.dma_semaphore, #tpu.memory_space<semaphore_mem>>) src(%dma_wait3A_62 : memref<632x64xf32, #tpu.memory_space<vmem_shared>>) dst(%dma_wait3A_60 : memref<632x64xf32, #tpu.memory_space<hbm>>)
      tpu.yield
    }) : () -> ()
    "tpu.region"() ({
      %run_scoped3A_53 = tpu.sem_alloc : memref<!tpu.dma_semaphore, #tpu.memory_space<semaphore_mem>>
      %dma_start3A = arith.constant 0 : i32
      %dma_start3A_54 = tpu.memref_slice %arg12[%arg0, %mul3A_52, %dma_start3A] : memref<2x10112x16xf32, #tpu.memory_space<hbm>> -> memref<1x632x16xf32, #tpu.memory_space<hbm>>
      %dma_start3A_55 = tpu.memref_squeeze %dma_start3A_54 : memref<1x632x16xf32, #tpu.memory_space<hbm>> -> memref<632x16xf32, #tpu.memory_space<hbm>>
      %dma_start3A_56 = arith.constant 0 : i32
      %dma_start3A_57 = tpu.memref_slice %arg29[%mul3A_52, %dma_start3A_56] : memref<10112x16xf32, #tpu.memory_space<vmem_shared>> -> memref<632x16xf32, #tpu.memory_space<vmem_shared>>
      tpu.enqueue_dma source(%dma_start3A_57 : memref<632x16xf32, #tpu.memory_space<vmem_shared>>) target(%dma_start3A_55 : memref<632x16xf32, #tpu.memory_space<hbm>>) target_semaphore(%run_scoped3A_53 : memref<!tpu.dma_semaphore, #tpu.memory_space<semaphore_mem>>)
      %dma_wait3A_58 = arith.constant 0 : i32
      %dma_wait3A_59 = tpu.memref_slice %arg12[%arg0, %mul3A_52, %dma_wait3A_58] : memref<2x10112x16xf32, #tpu.memory_space<hbm>> -> memref<1x632x16xf32, #tpu.memory_space<hbm>>
      %dma_wait3A_60 = tpu.memref_squeeze %dma_wait3A_59 : memref<1x632x16xf32, #tpu.memory_space<hbm>> -> memref<632x16xf32, #tpu.memory_space<hbm>>
      %dma_wait3A_61 = arith.constant 0 : i32
      %dma_wait3A_62 = tpu.memref_slice %arg29[%mul3A_52, %dma_wait3A_61] : memref<10112x16xf32, #tpu.memory_space<vmem_shared>> -> memref<632x16xf32, #tpu.memory_space<vmem_shared>>
      tpu.wait_dma2 semaphore(%run_scoped3A_53 : memref<!tpu.dma_semaphore, #tpu.memory_space<semaphore_mem>>) src(%dma_wait3A_62 : memref<632x16xf32, #tpu.memory_space<vmem_shared>>) dst(%dma_wait3A_60 : memref<632x16xf32, #tpu.memory_space<hbm>>)
      tpu.yield
    }) : () -> ()
    return
  }
}

module attributes {stable_mosaic.version = 14 : i64} {
  func.func @_pre_body(%arg0: i32, %arg1: memref<1000x128xf32, #tpu.memory_space<vmem>>, %arg2: memref<200x128xf32, #tpu.memory_space<vmem>>, %arg3: memref<128x128xf32, #tpu.memory_space<vmem>>, %arg4: memref<1x128xf32, #tpu.memory_space<vmem>>, %arg5: memref<1x128xf32, #tpu.memory_space<vmem>>, %arg6: memref<1x128xf32, #tpu.memory_space<vmem>>, %arg7: memref<128x128xf32, #tpu.memory_space<vmem>>, %arg8: memref<1x128xf32, #tpu.memory_space<vmem>>, %arg9: memref<1000x64xf32, #tpu.memory_space<vmem>>, %arg10: memref<1000x64xf32, #tpu.memory_space<vmem>>, %arg11: memref<200x64xf32, #tpu.memory_space<vmem>>, %arg12: memref<200x64xf32, #tpu.memory_space<vmem>>) attributes {dimension_semantics = [#tpu.dimension_semantics<arbitrary>], iteration_bounds = array<i64: 50>, scalar_prefetch = 0 : i64, scratch_operands = 0 : i64, tpu.core_type = #tpu.core_type<tc>, window_params = [{transform_indices = @transform_0, window_bounds = array<i64: 1000, 128>}, {transform_indices = @transform_1, window_bounds = array<i64: 200, 128>}, {pipeline_mode = #tpu.pipeline_mode<synchronous>, transform_indices = @transform_2, window_bounds = array<i64: 128, 128>}, {pipeline_mode = #tpu.pipeline_mode<synchronous>, transform_indices = @transform_3, window_bounds = array<i64: 1, 128>}, {pipeline_mode = #tpu.pipeline_mode<synchronous>, transform_indices = @transform_4, window_bounds = array<i64: 1, 128>}, {pipeline_mode = #tpu.pipeline_mode<synchronous>, transform_indices = @transform_5, window_bounds = array<i64: 1, 128>}, {pipeline_mode = #tpu.pipeline_mode<synchronous>, transform_indices = @transform_6, window_bounds = array<i64: 128, 128>}, {pipeline_mode = #tpu.pipeline_mode<synchronous>, transform_indices = @transform_7, window_bounds = array<i64: 1, 128>}, {transform_indices = @transform_8, window_bounds = array<i64: 1000, 64>}, {transform_indices = @transform_9, window_bounds = array<i64: 1000, 64>}, {transform_indices = @transform_10, window_bounds = array<i64: 200, 64>}, {transform_indices = @transform_11, window_bounds = array<i64: 200, 64>}]} {
    %get3A = arith.constant 0 : index
    %get3A_0 = arith.constant 0 : index
    %get3A_1 = vector.load %arg1[%get3A, %get3A_0] : memref<1000x128xf32, #tpu.memory_space<vmem>>, vector<1000x128xf32>
    %get3A_2 = arith.constant 0 : index
    %get3A_3 = arith.constant 0 : index
    %get3A_4 = vector.load %arg3[%get3A_2, %get3A_3] : memref<128x128xf32, #tpu.memory_space<vmem>>, vector<128x128xf32>
    %dot_general3A = arith.constant dense<0.000000e+00> : vector<1000x128xf32>
    %dot_general3A_5 = tpu.matmul %get3A_1, %get3A_4, %dot_general3A {dimension_numbers = #tpu.dot_dimension_numbers<[1], [0], [0], [1], [0, 0, 1, 1], [], []>, transpose_lhs_hint = false} : vector<1000x128xf32>, vector<128x128xf32>, vector<1000x128xf32> -> vector<1000x128xf32>
    %get3A_6 = arith.constant 0 : index
    %get3A_7 = arith.constant 0 : index
    %get3A_8 = vector.load %arg4[%get3A_6, %get3A_7] : memref<1x128xf32, #tpu.memory_space<vmem>>, vector<1x128xf32>
    %add3A = vector.broadcast %get3A_8 : vector<1x128xf32> to vector<1000x128xf32>
    %add3A_9 = arith.addf %dot_general3A_5, %add3A : vector<1000x128xf32>
    %slice3A = vector.extract_strided_slice %add3A_9 {offsets = [0, 0], sizes = [1000, 64], strides = [1, 1]} : vector<1000x128xf32> to vector<1000x64xf32>
    %swap3A = arith.constant 0 : index
    %swap3A_10 = arith.constant 0 : index
    %swap3A_11 = vector.load %arg9[%swap3A, %swap3A_10] : memref<1000x64xf32, #tpu.memory_space<vmem>>, vector<1000x64xf32>
    tpu.vector_store %arg9[%swap3A, %swap3A_10], %slice3A {strides = array<i32>} : memref<1000x64xf32, #tpu.memory_space<vmem>>, vector<1000x64xf32>,
    %slice3A_12 = vector.extract_strided_slice %add3A_9 {offsets = [0, 64], sizes = [1000, 64], strides = [1, 1]} : vector<1000x128xf32> to vector<1000x64xf32>
    %swap3A_13 = arith.constant 0 : index
    %swap3A_14 = arith.constant 0 : index
    %swap3A_15 = vector.load %arg10[%swap3A_13, %swap3A_14] : memref<1000x64xf32, #tpu.memory_space<vmem>>, vector<1000x64xf32>
    tpu.vector_store %arg10[%swap3A_13, %swap3A_14], %slice3A_12 {strides = array<i32>} : memref<1000x64xf32, #tpu.memory_space<vmem>>, vector<1000x64xf32>,
    %get3A_16 = arith.constant 0 : index
    %get3A_17 = arith.constant 0 : index
    %get3A_18 = vector.load %arg2[%get3A_16, %get3A_17] : memref<200x128xf32, #tpu.memory_space<vmem>>, vector<200x128xf32>
    %reduce_sum3A = arith.constant dense<0.000000e+00> : vector<200xf32>
    %reduce_sum3A_19 = vector.multi_reduction <add>, %get3A_18, %reduce_sum3A [1] : vector<200x128xf32> to vector<200xf32>
    %broadcast_in_dim3A = vector.shape_cast %reduce_sum3A_19 : vector<200xf32> to vector<200x1xf32>
    %div3A = arith.constant 1.280000e+02 : f32
    %div3A_20 = vector.broadcast %div3A : f32 to vector<200x1xf32>
    %div3A_21 = arith.divf %broadcast_in_dim3A, %div3A_20 : vector<200x1xf32>
    %sub3A = vector.broadcast %div3A_21 : vector<200x1xf32> to vector<200x128xf32>
    %sub3A_22 = arith.subf %get3A_18, %sub3A : vector<200x128xf32>
    %sub3A_23 = vector.broadcast %div3A_21 : vector<200x1xf32> to vector<200x128xf32>
    %sub3A_24 = arith.subf %get3A_18, %sub3A_23 : vector<200x128xf32>
    %mul3A = arith.mulf %sub3A_22, %sub3A_24 : vector<200x128xf32>
    %reduce_sum3A_25 = arith.constant dense<0.000000e+00> : vector<200xf32>
    %reduce_sum3A_26 = vector.multi_reduction <add>, %mul3A, %reduce_sum3A_25 [1] : vector<200x128xf32> to vector<200xf32>
    %broadcast_in_dim3A_27 = vector.shape_cast %reduce_sum3A_26 : vector<200xf32> to vector<200x1xf32>
    %div3A_28 = arith.constant 1.280000e+02 : f32
    %div3A_29 = vector.broadcast %div3A_28 : f32 to vector<200x1xf32>
    %div3A_30 = arith.divf %broadcast_in_dim3A_27, %div3A_29 : vector<200x1xf32>
    %sub3A_31 = vector.broadcast %div3A_21 : vector<200x1xf32> to vector<200x128xf32>
    %sub3A_32 = arith.subf %get3A_18, %sub3A_31 : vector<200x128xf32>
    %add3A_33 = arith.constant 9.99999974E-6 : f32
    %add3A_34 = vector.broadcast %add3A_33 : f32 to vector<200x1xf32>
    %add3A_35 = arith.addf %div3A_30, %add3A_34 : vector<200x1xf32>
    %sqrt3A = math.sqrt %add3A_35 : vector<200x1xf32>
    %div3A_36 = vector.broadcast %sqrt3A : vector<200x1xf32> to vector<200x128xf32>
    %div3A_37 = arith.divf %sub3A_32, %div3A_36 : vector<200x128xf32>
    %get3A_38 = arith.constant 0 : index
    %get3A_39 = arith.constant 0 : index
    %get3A_40 = vector.load %arg5[%get3A_38, %get3A_39] : memref<1x128xf32, #tpu.memory_space<vmem>>, vector<1x128xf32>
    %mul3A_41 = vector.broadcast %get3A_40 : vector<1x128xf32> to vector<200x128xf32>
    %mul3A_42 = arith.mulf %div3A_37, %mul3A_41 : vector<200x128xf32>
    %get3A_43 = arith.constant 0 : index
    %get3A_44 = arith.constant 0 : index
    %get3A_45 = vector.load %arg6[%get3A_43, %get3A_44] : memref<1x128xf32, #tpu.memory_space<vmem>>, vector<1x128xf32>
    %add3A_46 = vector.broadcast %get3A_45 : vector<1x128xf32> to vector<200x128xf32>
    %add3A_47 = arith.addf %mul3A_42, %add3A_46 : vector<200x128xf32>
    %max3A = arith.constant 0.000000e+00 : f32
    %max3A_48 = vector.broadcast %max3A : f32 to vector<200x128xf32>
    %max3A_49 = arith.maximumf %add3A_47, %max3A_48 : vector<200x128xf32>
    %get3A_50 = arith.constant 0 : index
    %get3A_51 = arith.constant 0 : index
    %get3A_52 = vector.load %arg7[%get3A_50, %get3A_51] : memref<128x128xf32, #tpu.memory_space<vmem>>, vector<128x128xf32>
    %dot_general3A_53 = arith.constant dense<0.000000e+00> : vector<200x128xf32>
    %dot_general3A_54 = tpu.matmul %max3A_49, %get3A_52, %dot_general3A_53 {dimension_numbers = #tpu.dot_dimension_numbers<[1], [0], [0], [1], [0, 0, 1, 1], [], []>, transpose_lhs_hint = false} : vector<200x128xf32>, vector<128x128xf32>, vector<200x128xf32> -> vector<200x128xf32>
    %get3A_55 = arith.constant 0 : index
    %get3A_56 = arith.constant 0 : index
    %get3A_57 = vector.load %arg8[%get3A_55, %get3A_56] : memref<1x128xf32, #tpu.memory_space<vmem>>, vector<1x128xf32>
    %add3A_58 = vector.broadcast %get3A_57 : vector<1x128xf32> to vector<200x128xf32>
    %add3A_59 = arith.addf %dot_general3A_54, %add3A_58 : vector<200x128xf32>
    %slice3A_60 = vector.extract_strided_slice %add3A_59 {offsets = [0, 0], sizes = [200, 64], strides = [1, 1]} : vector<200x128xf32> to vector<200x64xf32>
    %swap3A_61 = arith.constant 0 : index
    %swap3A_62 = arith.constant 0 : index
    %swap3A_63 = vector.load %arg11[%swap3A_61, %swap3A_62] : memref<200x64xf32, #tpu.memory_space<vmem>>, vector<200x64xf32>
    tpu.vector_store %arg11[%swap3A_61, %swap3A_62], %slice3A_60 {strides = array<i32>} : memref<200x64xf32, #tpu.memory_space<vmem>>, vector<200x64xf32>,
    %slice3A_64 = vector.extract_strided_slice %add3A_59 {offsets = [0, 64], sizes = [200, 64], strides = [1, 1]} : vector<200x128xf32> to vector<200x64xf32>
    %swap3A_65 = arith.constant 0 : index
    %swap3A_66 = arith.constant 0 : index
    %swap3A_67 = vector.load %arg12[%swap3A_65, %swap3A_66] : memref<200x64xf32, #tpu.memory_space<vmem>>, vector<200x64xf32>
    tpu.vector_store %arg12[%swap3A_65, %swap3A_66], %slice3A_64 {strides = array<i32>} : memref<200x64xf32, #tpu.memory_space<vmem>>, vector<200x64xf32>,
    return
  }
  func.func @transform_0(%arg0: i32) -> (i32, i32) {
    %c0_i32 = arith.constant 0 : i32
    %c0_i32_0 = arith.constant 0 : i32
    return %arg0, %c0_i32 : i32, i32
  }
  func.func @transform_1(%arg0: i32) -> (i32, i32) {
    %c0_i32 = arith.constant 0 : i32
    %c0_i32_0 = arith.constant 0 : i32
    return %arg0, %c0_i32 : i32, i32
  }
  func.func @transform_2(%arg0: i32) -> (i32, i32) {
    %c0_i32 = arith.constant 0 : i32
    %c0_i32_0 = arith.constant 0 : i32
    %c0_i32_1 = arith.constant 0 : i32
    return %c0_i32, %c0_i32_0 : i32, i32
  }
  func.func @transform_3(%arg0: i32) -> (i32, i32) {
    %c0_i32 = arith.constant 0 : i32
    %c0_i32_0 = arith.constant 0 : i32
    %c0_i32_1 = arith.constant 0 : i32
    return %c0_i32, %c0_i32_0 : i32, i32
  }
  func.func @transform_4(%arg0: i32) -> (i32, i32) {
    %c0_i32 = arith.constant 0 : i32
    %c0_i32_0 = arith.constant 0 : i32
    %c0_i32_1 = arith.constant 0 : i32
    return %c0_i32, %c0_i32_0 : i32, i32
  }
  func.func @transform_5(%arg0: i32) -> (i32, i32) {
    %c0_i32 = arith.constant 0 : i32
    %c0_i32_0 = arith.constant 0 : i32
    %c0_i32_1 = arith.constant 0 : i32
    return %c0_i32, %c0_i32_0 : i32, i32
  }
  func.func @transform_6(%arg0: i32) -> (i32, i32) {
    %c0_i32 = arith.constant 0 : i32
    %c0_i32_0 = arith.constant 0 : i32
    %c0_i32_1 = arith.constant 0 : i32
    return %c0_i32, %c0_i32_0 : i32, i32
  }
  func.func @transform_7(%arg0: i32) -> (i32, i32) {
    %c0_i32 = arith.constant 0 : i32
    %c0_i32_0 = arith.constant 0 : i32
    %c0_i32_1 = arith.constant 0 : i32
    return %c0_i32, %c0_i32_0 : i32, i32
  }
  func.func @transform_8(%arg0: i32) -> (i32, i32) {
    %c0_i32 = arith.constant 0 : i32
    %c0_i32_0 = arith.constant 0 : i32
    return %arg0, %c0_i32 : i32, i32
  }
  func.func @transform_9(%arg0: i32) -> (i32, i32) {
    %c0_i32 = arith.constant 0 : i32
    %c0_i32_0 = arith.constant 0 : i32
    return %arg0, %c0_i32 : i32, i32
  }
  func.func @transform_10(%arg0: i32) -> (i32, i32) {
    %c0_i32 = arith.constant 0 : i32
    %c0_i32_0 = arith.constant 0 : i32
    return %arg0, %c0_i32 : i32, i32
  }
  func.func @transform_11(%arg0: i32) -> (i32, i32) {
    %c0_i32 = arith.constant 0 : i32
    %c0_i32_0 = arith.constant 0 : i32
    return %arg0, %c0_i32 : i32, i32
  }
}

module attributes {stable_mosaic.version = 14 : i64} {
  func.func @_final_body(%arg0: i32, %arg1: memref<400x64xf32, #tpu.memory_space<vmem>>, %arg2: memref<400x64xf32, #tpu.memory_space<vmem>>, %arg3: memref<400x16xf32, #tpu.memory_space<vmem>>, %arg4: memref<400x16xf32, #tpu.memory_space<vmem>>, %arg5: memref<400x128xf32, #tpu.memory_space<vmem>>, %arg6: memref<1x128xf32, #tpu.memory_space<vmem>>, %arg7: memref<1x128xf32, #tpu.memory_space<vmem>>, %arg8: memref<1x128xf32, #tpu.memory_space<vmem>>, %arg9: memref<128x128xf32, #tpu.memory_space<vmem>>, %arg10: memref<1x128xf32, #tpu.memory_space<vmem>>, %arg11: memref<400x128xf32, #tpu.memory_space<vmem>>) attributes {dimension_semantics = [#tpu.dimension_semantics<arbitrary>], iteration_bounds = array<i64: 25>, scalar_prefetch = 0 : i64, scratch_operands = 0 : i64, tpu.core_type = #tpu.core_type<tc>, window_params = [{transform_indices = @transform_0, window_bounds = array<i64: 400, 64>}, {transform_indices = @transform_1, window_bounds = array<i64: 400, 64>}, {transform_indices = @transform_2, window_bounds = array<i64: 400, 16>}, {transform_indices = @transform_3, window_bounds = array<i64: 400, 16>}, {transform_indices = @transform_4, window_bounds = array<i64: 400, 128>}, {pipeline_mode = #tpu.pipeline_mode<synchronous>, transform_indices = @transform_5, window_bounds = array<i64: 1, 128>}, {pipeline_mode = #tpu.pipeline_mode<synchronous>, transform_indices = @transform_6, window_bounds = array<i64: 1, 128>}, {pipeline_mode = #tpu.pipeline_mode<synchronous>, transform_indices = @transform_7, window_bounds = array<i64: 1, 128>}, {pipeline_mode = #tpu.pipeline_mode<synchronous>, transform_indices = @transform_8, window_bounds = array<i64: 128, 128>}, {pipeline_mode = #tpu.pipeline_mode<synchronous>, transform_indices = @transform_9, window_bounds = array<i64: 1, 128>}, {transform_indices = @transform_10, window_bounds = array<i64: 400, 128>}]} {
    %get3A = arith.constant 0 : index
    %get3A_0 = arith.constant 0 : index
    %get3A_1 = vector.load %arg3[%get3A, %get3A_0] : memref<400x16xf32, #tpu.memory_space<vmem>>, vector<400x16xf32>
    %get3A_2 = arith.constant 0 : index
    %get3A_3 = arith.constant 0 : index
    %get3A_4 = vector.load %arg4[%get3A_2, %get3A_3] : memref<400x16xf32, #tpu.memory_space<vmem>>, vector<400x16xf32>
    %add3A = arith.addf %get3A_1, %get3A_4 : vector<400x16xf32>
    %get3A_5 = arith.constant 0 : index
    %get3A_6 = arith.constant 0 : index
    %get3A_7 = vector.load %arg1[%get3A_5, %get3A_6] : memref<400x64xf32, #tpu.memory_space<vmem>>, vector<400x64xf32>
    %get3A_8 = arith.constant 0 : index
    %get3A_9 = arith.constant 0 : index
    %get3A_10 = vector.load %arg2[%get3A_8, %get3A_9] : memref<400x64xf32, #tpu.memory_space<vmem>>, vector<400x64xf32>
    %concatenate3A = tpu.concatenate %get3A_7, %get3A_10 in 1 : vector<400x64xf32>, vector<400x64xf32> -> vector<400x128xf32>
    %iota3A = tpu.iota {dimensions = array<i32: 0>} : vector<16x128xi32>
    %iota3A_11 = tpu.iota {dimensions = array<i32: 1>} : vector<16x128xi32>
    %jit3A = arith.constant 16 : i32
    %div3A = vector.broadcast %jit3A : i32 to vector<16x128xi32>
    %div3A_12 = arith.divsi %iota3A_11, %div3A : vector<16x128xi32>
    %sign3A = arith.constant 0 : i32
    %sign3A_13 = vector.broadcast %sign3A : i32 to vector<16x128xi32>
    %sign3A_14 = arith.cmpi sgt, %iota3A_11, %sign3A_13 : vector<16x128xi32>
    %sign3A_15 = arith.extui %sign3A_14 : vector<16x128xi1> to vector<16x128xi32>
    %sign3A_16 = arith.constant 0 : i32
    %sign3A_17 = vector.broadcast %sign3A_16 : i32 to vector<16x128xi32>
    %sign3A_18 = arith.cmpi slt, %iota3A_11, %sign3A_17 : vector<16x128xi32>
    %sign3A_19 = arith.extui %sign3A_18 : vector<16x128xi1> to vector<16x128xi32>
    %sign3A_20 = arith.subi %sign3A_15, %sign3A_19 : vector<16x128xi32>
    %sign3A_21 = arith.constant 0 : i32
    %sign3A_22 = arith.cmpi sgt, %jit3A, %sign3A_21 : i32
    %sign3A_23 = arith.extui %sign3A_22 : i1 to i32
    %sign3A_24 = arith.constant 0 : i32
    %sign3A_25 = arith.cmpi slt, %jit3A, %sign3A_24 : i32
    %sign3A_26 = arith.extui %sign3A_25 : i1 to i32
    %sign3A_27 = arith.subi %sign3A_23, %sign3A_26 : i32
    %ne3A = vector.broadcast %sign3A_27 : i32 to vector<16x128xi32>
    %ne3A_28 = arith.cmpi ne, %sign3A_20, %ne3A : vector<16x128xi32>
    %rem3A = vector.broadcast %jit3A : i32 to vector<16x128xi32>
    %rem3A_29 = arith.remsi %iota3A_11, %rem3A : vector<16x128xi32>
    %ne3A_30 = arith.constant 0 : i32
    %ne3A_31 = vector.broadcast %ne3A_30 : i32 to vector<16x128xi32>
    %ne3A_32 = arith.cmpi ne, %rem3A_29, %ne3A_31 : vector<16x128xi32>
    %and3A = arith.andi %ne3A_28, %ne3A_32 : vector<16x128xi1>
    %sub3A = arith.constant 1 : i32
    %sub3A_33 = vector.broadcast %sub3A : i32 to vector<16x128xi32>
    %sub3A_34 = arith.subi %div3A_12, %sub3A_33 : vector<16x128xi32>
    %select_n3A = arith.select %and3A, %sub3A_34, %div3A_12 : vector<16x128xi1>, vector<16x128xi32>
    %eq3A = arith.cmpi eq, %iota3A, %select_n3A : vector<16x128xi32>
    %convert_element_type3A = arith.extui %eq3A : vector<16x128xi1> to vector<16x128xi32>
    %convert_element_type3A_35 = arith.sitofp %convert_element_type3A : vector<16x128xi32> to vector<16x128xf32>
    %dot_general3A = arith.constant dense<0.000000e+00> : vector<400x128xf32>
    %dot_general3A_36 = tpu.matmul %add3A, %convert_element_type3A_35, %dot_general3A {dimension_numbers = #tpu.dot_dimension_numbers<[1], [0], [0], [1], [0, 0, 1, 1], [], []>, transpose_lhs_hint = false} : vector<400x16xf32>, vector<16x128xf32>, vector<400x128xf32> -> vector<400x128xf32>
    %add3A_37 = arith.constant 1.000000e-16 : f32
    %add3A_38 = vector.broadcast %add3A_37 : f32 to vector<400x128xf32>
    %add3A_39 = arith.addf %dot_general3A_36, %add3A_38 : vector<400x128xf32>
    %div3A_40 = arith.divf %concatenate3A, %add3A_39 : vector<400x128xf32>
    %get3A_41 = arith.constant 0 : index
    %get3A_42 = arith.constant 0 : index
    %get3A_43 = vector.load %arg5[%get3A_41, %get3A_42] : memref<400x128xf32, #tpu.memory_space<vmem>>, vector<400x128xf32>
    %add3A_44 = arith.addf %get3A_43, %div3A_40 : vector<400x128xf32>
    %get3A_45 = arith.constant 0 : index
    %get3A_46 = arith.constant 0 : index
    %get3A_47 = vector.load %arg6[%get3A_45, %get3A_46] : memref<1x128xf32, #tpu.memory_space<vmem>>, vector<1x128xf32>
    %add3A_48 = vector.broadcast %get3A_47 : vector<1x128xf32> to vector<400x128xf32>
    %add3A_49 = arith.addf %add3A_44, %add3A_48 : vector<400x128xf32>
    %reduce_sum3A = arith.constant dense<0.000000e+00> : vector<400xf32>
    %reduce_sum3A_50 = vector.multi_reduction <add>, %add3A_49, %reduce_sum3A [1] : vector<400x128xf32> to vector<400xf32>
    %broadcast_in_dim3A = vector.shape_cast %reduce_sum3A_50 : vector<400xf32> to vector<400x1xf32>
    %div3A_51 = arith.constant 1.280000e+02 : f32
    %div3A_52 = vector.broadcast %div3A_51 : f32 to vector<400x1xf32>
    %div3A_53 = arith.divf %broadcast_in_dim3A, %div3A_52 : vector<400x1xf32>
    %sub3A_54 = vector.broadcast %div3A_53 : vector<400x1xf32> to vector<400x128xf32>
    %sub3A_55 = arith.subf %add3A_49, %sub3A_54 : vector<400x128xf32>
    %sub3A_56 = vector.broadcast %div3A_53 : vector<400x1xf32> to vector<400x128xf32>
    %sub3A_57 = arith.subf %add3A_49, %sub3A_56 : vector<400x128xf32>
    %mul3A = arith.mulf %sub3A_55, %sub3A_57 : vector<400x128xf32>
    %reduce_sum3A_58 = arith.constant dense<0.000000e+00> : vector<400xf32>
    %reduce_sum3A_59 = vector.multi_reduction <add>, %mul3A, %reduce_sum3A_58 [1] : vector<400x128xf32> to vector<400xf32>
    %broadcast_in_dim3A_60 = vector.shape_cast %reduce_sum3A_59 : vector<400xf32> to vector<400x1xf32>
    %div3A_61 = arith.constant 1.280000e+02 : f32
    %div3A_62 = vector.broadcast %div3A_61 : f32 to vector<400x1xf32>
    %div3A_63 = arith.divf %broadcast_in_dim3A_60, %div3A_62 : vector<400x1xf32>
    %sub3A_64 = vector.broadcast %div3A_53 : vector<400x1xf32> to vector<400x128xf32>
    %sub3A_65 = arith.subf %add3A_49, %sub3A_64 : vector<400x128xf32>
    %add3A_66 = arith.constant 9.99999974E-6 : f32
    %add3A_67 = vector.broadcast %add3A_66 : f32 to vector<400x1xf32>
    %add3A_68 = arith.addf %div3A_63, %add3A_67 : vector<400x1xf32>
    %sqrt3A = math.sqrt %add3A_68 : vector<400x1xf32>
    %div3A_69 = vector.broadcast %sqrt3A : vector<400x1xf32> to vector<400x128xf32>
    %div3A_70 = arith.divf %sub3A_65, %div3A_69 : vector<400x128xf32>
    %get3A_71 = arith.constant 0 : index
    %get3A_72 = arith.constant 0 : index
    %get3A_73 = vector.load %arg7[%get3A_71, %get3A_72] : memref<1x128xf32, #tpu.memory_space<vmem>>, vector<1x128xf32>
    %mul3A_74 = vector.broadcast %get3A_73 : vector<1x128xf32> to vector<400x128xf32>
    %mul3A_75 = arith.mulf %div3A_70, %mul3A_74 : vector<400x128xf32>
    %get3A_76 = arith.constant 0 : index
    %get3A_77 = arith.constant 0 : index
    %get3A_78 = vector.load %arg8[%get3A_76, %get3A_77] : memref<1x128xf32, #tpu.memory_space<vmem>>, vector<1x128xf32>
    %add3A_79 = vector.broadcast %get3A_78 : vector<1x128xf32> to vector<400x128xf32>
    %add3A_80 = arith.addf %mul3A_75, %add3A_79 : vector<400x128xf32>
    %max3A = arith.constant 0.000000e+00 : f32
    %max3A_81 = vector.broadcast %max3A : f32 to vector<400x128xf32>
    %max3A_82 = arith.maximumf %add3A_80, %max3A_81 : vector<400x128xf32>
    %get3A_83 = arith.constant 0 : index
    %get3A_84 = arith.constant 0 : index
    %get3A_85 = vector.load %arg9[%get3A_83, %get3A_84] : memref<128x128xf32, #tpu.memory_space<vmem>>, vector<128x128xf32>
    %dot_general3A_86 = arith.constant dense<0.000000e+00> : vector<400x128xf32>
    %dot_general3A_87 = tpu.matmul %max3A_82, %get3A_85, %dot_general3A_86 {dimension_numbers = #tpu.dot_dimension_numbers<[1], [0], [0], [1], [0, 0, 1, 1], [], []>, transpose_lhs_hint = false} : vector<400x128xf32>, vector<128x128xf32>, vector<400x128xf32> -> vector<400x128xf32>
    %get3A_88 = arith.constant 0 : index
    %get3A_89 = arith.constant 0 : index
    %get3A_90 = vector.load %arg10[%get3A_88, %get3A_89] : memref<1x128xf32, #tpu.memory_space<vmem>>, vector<1x128xf32>
    %add3A_91 = vector.broadcast %get3A_90 : vector<1x128xf32> to vector<400x128xf32>
    %add3A_92 = arith.addf %dot_general3A_87, %add3A_91 : vector<400x128xf32>
    %add3A_93 = arith.addf %add3A_49, %add3A_92 : vector<400x128xf32>
    %swap3A = arith.constant 0 : index
    %swap3A_94 = arith.constant 0 : index
    %swap3A_95 = vector.load %arg11[%swap3A, %swap3A_94] : memref<400x128xf32, #tpu.memory_space<vmem>>, vector<400x128xf32>
    tpu.vector_store %arg11[%swap3A, %swap3A_94], %add3A_93 {strides = array<i32>} : memref<400x128xf32, #tpu.memory_space<vmem>>, vector<400x128xf32>,
    return
  }
  func.func @transform_0(%arg0: i32) -> (i32, i32) {
    %c0_i32 = arith.constant 0 : i32
    %c0_i32_0 = arith.constant 0 : i32
    return %arg0, %c0_i32 : i32, i32
  }
  func.func @transform_1(%arg0: i32) -> (i32, i32) {
    %c0_i32 = arith.constant 0 : i32
    %c0_i32_0 = arith.constant 0 : i32
    return %arg0, %c0_i32 : i32, i32
  }
  func.func @transform_2(%arg0: i32) -> (i32, i32) {
    %c0_i32 = arith.constant 0 : i32
    %c0_i32_0 = arith.constant 0 : i32
    return %arg0, %c0_i32 : i32, i32
  }
  func.func @transform_3(%arg0: i32) -> (i32, i32) {
    %c0_i32 = arith.constant 0 : i32
    %c0_i32_0 = arith.constant 0 : i32
    return %arg0, %c0_i32 : i32, i32
  }
  func.func @transform_4(%arg0: i32) -> (i32, i32) {
    %c0_i32 = arith.constant 0 : i32
    %c0_i32_0 = arith.constant 0 : i32
    return %arg0, %c0_i32 : i32, i32
  }
  func.func @transform_5(%arg0: i32) -> (i32, i32) {
    %c0_i32 = arith.constant 0 : i32
    %c0_i32_0 = arith.constant 0 : i32
    %c0_i32_1 = arith.constant 0 : i32
    return %c0_i32, %c0_i32_0 : i32, i32
  }
  func.func @transform_6(%arg0: i32) -> (i32, i32) {
    %c0_i32 = arith.constant 0 : i32
    %c0_i32_0 = arith.constant 0 : i32
    %c0_i32_1 = arith.constant 0 : i32
    return %c0_i32, %c0_i32_0 : i32, i32
  }
  func.func @transform_7(%arg0: i32) -> (i32, i32) {
    %c0_i32 = arith.constant 0 : i32
    %c0_i32_0 = arith.constant 0 : i32
    %c0_i32_1 = arith.constant 0 : i32
    return %c0_i32, %c0_i32_0 : i32, i32
  }
  func.func @transform_8(%arg0: i32) -> (i32, i32) {
    %c0_i32 = arith.constant 0 : i32
    %c0_i32_0 = arith.constant 0 : i32
    %c0_i32_1 = arith.constant 0 : i32
    return %c0_i32, %c0_i32_0 : i32, i32
  }
  func.func @transform_9(%arg0: i32) -> (i32, i32) {
    %c0_i32 = arith.constant 0 : i32
    %c0_i32_0 = arith.constant 0 : i32
    %c0_i32_1 = arith.constant 0 : i32
    return %c0_i32, %c0_i32_0 : i32, i32
  }
  func.func @transform_10(%arg0: i32) -> (i32, i32) {
    %c0_i32 = arith.constant 0 : i32
    %c0_i32_0 = arith.constant 0 : i32
    return %arg0, %c0_i32 : i32, i32
  }
}

</mosaic_0001>

<sc_bundles>
// kernel: kernel.5.cloned.1.call-start
scs
__scs_entry_jumppad:
0x0: {  	(pc) =	sbr.rel $0x88, $3  }
0x1: {  	(tag) =	ssettag $0x0;
	lr =	simm.s32 $0x1  }
0x2: {  	[smem:$0x3F91] =	sst lr;
	_ =	strace $0xD0000000  }
0x3: {  	_ = 	snop  }
0x4: {  	_ = 	snop  }
0x5: {  	_ = 	snop  }
0x6: {  	_ = 	snop  }
0x7: {  	_ = 	snop  }
__scs_overlays_trampoline_lowered:
0x8: {  	[smem:$0x3FA0] =	sst s0  }
0x9: {  	[smem:$0x3FA1] =	sst s1  }
0xa: {  	[smem:$0x3FA2] =	sst s2  }
0xb: {  	[smem:$0x3FA3] =	sst s3  }
0xc: {  	[smem:$0x3FA4] =	sst s4  }
0xd: {  	[smem:$0x3FA5] =	sst s5  }
0xe: {  	[smem:$0x3FA6] =	sst s6  }
0xf: {  	[smem:$0x3FA7] =	sst s7  }
0x10: {  	[smem:$0x3FA8] =	sst s8  }
0x11: {  	[smem:$0x3FA9] =	sst s9;
	s0 =	simm.s32 @!p0 $0x0  }
0x12: {  	s1 =	sld [smem:$0x3F8F];
	s0 =	simm.s32 @p0 $0x1  }
0x13: {  	[smem:$0x3FAA] =	sst s0;
	s0 =	simm.s32 @!p1 $0x0  }
0x14: {  	s2 =	sld [smem:$0x3F8E];
	s0 =	simm.s32 @p1 $0x1  }
0x15: {  	[smem:$0x3FAB] =	sst s0;
	s0 =	simm.s32 @!p2 $0x0  }
0x16: {  	s3 =	sld [smem:$0x3FDB];
	s0 =	simm.s32 @p2 $0x1  }
0x17: {  	s4 =	simm.s32 $0x1BF5;
	[smem:$0x3FAD] =	sst s0  }
0x18: {  	s0 =	sld [smem:$0x3F90];
	_ =	swait.ge [sflag:s4], $0x0  }
0x19: {  	s7 =	sld [smem:$0x3F91]  }
0x1a: {  	s8 =	sadd.s32 $0xFFFFE003, lr  }
0x1b: {  	s9 =	sadd.s32 $0xFFFFFEF7, lr;
	s5 =	simm.s32 $0xFFFFFFFF;
	p2 =	slt.u32 s8, $0xFFFFF086  }
0x1c: {  	p1 =	slt.u32 s9, $0xF7A;
	s5 =	simm.s32 @!p2 $0x0  }
0x1d: {  	s5 =	simm.s32 @p1 $0x1;
	p0 =	seq.s32 s7, s2  }
0x1e: {  	s7 =	smul.u32 @!p0 $0xF7A, s2;
	p2 =	seq.s32 @!p0 s5, $0x0  }
0x1f: {  	s9 =	smul.u32 $0xF7A, s1;
	s8 =	simm.s32 @!p0 $0x1BF5;
	p2 =	por !p2, p0  }
0x20: {  	[sflag:s8] =	ssyncset.s32 @!p0 $0xFFFFF086;
	s6 =	sadd.s32 @!p0 s3, s7;
	s7 =	simm.s32 @!p0 $0x108  }
0x21: {  	s3 =	sadd.s32 s3, s9;
	s6 =	sadd.s32 @!p0 $0x88, s6;
	s7 =	simm.s32 @p2 $0x1082  }
0x22: {  	[simem:s7], [sflag:s8] =	dma.local @!p0 [hbm:s6], $0xF7A  }
0x23: {  	s9 =	sor.u32 $0xD0000000, s2;
	s6 =	simm.s32 $0x108;
	_ =	swait.ge @!p0 [sflag:s8], $0x0  }
0x24: {  	s3 =	sadd.s32 $0x88, s3;
	s6 =	simm.s32 @!p1 $0x1082;
	[sflag:s4] =	ssyncset.s32 $0xFFFFF086  }
0x25: {  	[simem:s6], [sflag:s4] =	dma.local [hbm:s3], $0xF7A  }
0x26: {  	[smem:$0x3F91] =	sst s1;
	(tag) =	ssettag s2;
	_ =	strace s9  }
0x27: {  	s1 =	sld [smem:$0x3FA1]  }
0x28: {  	s2 =	sld [smem:$0x3FA2]  }
0x29: {  	s4 =	sld [smem:$0x3FA4]  }
0x2a: {  	p0 =	seq.s32 s5, $0x0;
	s5 =	sld [smem:$0x3FA5]  }
0x2b: {  	s6 =	sld [smem:$0x3FA6]  }
0x2c: {  	s7 =	sld [smem:$0x3FA7]  }
0x2d: {  	s3 =	simm.s32 $0x108;
	s8 =	sld [smem:$0x3FA8]  }
0x2e: {  	s3 =	simm.s32 @!p0 $0x1082;
	s9 =	sld [smem:$0x3FA9]  }
0x2f: {  	lr =	sadd.s32 s0, s3;
	s0 =	sld [smem:$0x3FA0]  }
0x30: {  	s3 =	sld [smem:$0x3FA3]  }
0x31: {  	[smem:$0x3FAC] =	sst s10  }
0x32: {  	s10 =	sld [smem:$0x3FAA];
	_ =	sdelay $0x3  }
0x33: {  	p0 =	seq.s32 s10, $0x1;
	s10 =	sld [smem:$0x3FAC];
	_ =	sdelay $0x3  }
0x34: {  	[smem:$0x3FAC] =	sst s10  }
0x35: {  	s10 =	sld [smem:$0x3FAB];
	_ =	sdelay $0x3  }
0x36: {  	p1 =	seq.s32 s10, $0x1;
	s10 =	sld [smem:$0x3FAC];
	_ =	sdelay $0x3  }
0x37: {  	[smem:$0x3FAC] =	sst s10  }
0x38: {  	s10 =	sld [smem:$0x3FAD]  }
0x39: {  	_ = 	snop;
	(pc) =	sbr.ind lr, $3  }
0x3a: {  	_ = 	snop  }
0x3b: {  	_ = 	snop  }
0x3c: {  	p2 =	seq.s32 s10, $0x1;
	s10 =	sld [smem:$0x3FAC]  }
0x3d: {  	_ =	shalt  }
0x3e: {  	_ =	shalt  }
0x3f: {  	_ =	shalt  }
0x40: {  	_ =	shalt  }
0x41: {  	_ =	shalt  }
0x42: {  	_ =	shalt  }
0x43: {  	_ =	shalt  }
0x44: {  	_ =	shalt  }
0x45: {  	_ =	shalt  }
0x46: {  	_ =	shalt  }
0x47: {  	_ =	shalt  }
0x48: {  	_ =	shalt  }
0x49: {  	_ =	shalt  }
0x4a: {  	_ =	shalt  }
0x4b: {  	_ =	shalt  }
0x4c: {  	_ =	shalt  }
0x4d: {  	_ =	shalt  }
0x4e: {  	_ =	shalt  }
0x4f: {  	_ =	shalt  }
0x50: {  	_ =	shalt  }
0x51: {  	_ =	shalt  }
0x52: {  	_ =	shalt  }
0x53: {  	_ =	shalt  }
0x54: {  	_ =	shalt  }
0x55: {  	_ =	shalt  }
0x56: {  	_ =	shalt  }
0x57: {  	_ =	shalt  }
0x58: {  	_ =	shalt  }
0x59: {  	_ =	shalt  }
0x5a: {  	_ =	shalt  }
0x5b: {  	_ =	shalt  }
0x5c: {  	_ =	shalt  }
0x5d: {  	_ =	shalt  }
0x5e: {  	_ =	shalt  }
0x5f: {  	_ =	shalt  }
0x60: {  	_ =	shalt  }
0x61: {  	_ =	shalt  }
0x62: {  	_ =	shalt  }
0x63: {  	_ =	shalt  }
0x64: {  	_ =	shalt  }
0x65: {  	_ =	shalt  }
0x66: {  	_ =	shalt  }
0x67: {  	_ =	shalt  }
0x68: {  	_ =	shalt  }
0x69: {  	_ =	shalt  }
0x6a: {  	_ =	shalt  }
0x6b: {  	_ =	shalt  }
0x6c: {  	_ =	shalt  }
0x6d: {  	_ =	shalt  }
0x6e: {  	_ =	shalt  }
0x6f: {  	_ =	shalt  }
0x70: {  	_ =	shalt  }
0x71: {  	_ =	shalt  }
0x72: {  	_ =	shalt  }
0x73: {  	_ =	shalt  }
0x74: {  	_ =	shalt  }
0x75: {  	_ =	shalt  }
0x76: {  	_ =	shalt  }
0x77: {  	_ =	shalt  }
0x78: {  	_ =	shalt  }
0x79: {  	_ =	shalt  }
0x7a: {  	_ =	shalt  }
0x7b: {  	_ =	shalt  }
0x7c: {  	_ =	shalt  }
0x7d: {  	_ =	shalt  }
0x7e: {  	_ =	shalt  }
0x7f: {  	_ =	shalt  }
0x80: {  	_ =	shalt  }
0x81: {  	_ =	shalt  }
0x82: {  	_ =	shalt  }
0x83: {  	_ =	shalt  }
0x84: {  	_ =	shalt  }
0x85: {  	_ =	shalt  }
0x86: {  	_ =	shalt  }
0x87: {  	_ =	shalt  }
.Lfunc_end0:
.L_simem_size_0:
called_computation_lowered:
.L_overlay_start_0:
0x88: {  	s2 =	sld [smem:$0x3FD9]  }
0x89: {  	s3 =	sld [smem:$0x3FFE];
	_ =	sdelay $0x1  }
0x8a: {  	s1 =	srdreg.scid  }
0x8b: {  	s0 =	sand.u32 $0x1, s1  }
0x8c: {  	s17 =	sshll.u32 s0, $0xA;
	s2 =	sadd.s32 s3, s2  }
0x8d: {  	s2 =	sadd.s32 s2, s17  }
0x8e: {  	[smem:$0x3FB8] =	sst s2  }
0x8f: {  	_ = 	snop  }
0x90: {  	s2 =	sld [smem:$0x3FD0];
	(tm) =	ssettm $0x1  }
0x91: {  	s18 =	sld [smem:$0x3FFB];
	_ =	sdelay $0x3  }
0x92: {  	_ =	strace s18  }
0x93: {  	s3 =	sld [smem:$0x3FFC];
	_ =	sdelay $0x3  }
0x94: {  	_ =	strace s3  }
0x95: {  	s3 =	sld [smem:$0x3FFD];
	_ =	sdelay $0x3  }
0x96: {  	_ =	strace s3  }
0x97: {  	_ =	strace $0x8FFFFFFF  }
0x98: {  	s19 =	sld [smem:$0x3FDB];
	_ =	sdelay $0x1  }
0x99: {  	s4 =	simm.s32 $_scs_section_size  }
0x9a: {  	s5 =	simm.s32 $_size__tile_overlayer_lowered;
	s6 =	simm.s32 $_tile_overlayer_lowered  }
0x9b: {  	s22 =	simm.s32 $0x1BFF;
	s21 =	sshll.u32 s6, $0x1;
	s3 =	sadd.s32 s4, s19  }
0x9c: {  	s7 =	simm.s32 $0x0;
	s20 =	sshll.u32 s5, $0x1;
	s5 =	sadd.s32 s21, s3  }
0x9d: {  	[timem:s7], [sflag:s22] =	dma.local [hbm:s5], s20  }
0x9e: {  	_ =	swait.ge [sflag:s22], s20  }
0x9f: {  	s4 =	ssub.s32 $0x0, s20;
	[sflag:s22] =	ssyncset.done $0x0  }
0xa0: {  	[sflag:s22] =	ssyncadd.s32 s4;
	_ =	sdelay $0x1  }
0xa1: {  	s23 =	simm.s32 $0x1B8B  }
0xa2: {  	_ =	swait.ge [sflag:s23], $0x1  }
0xa3: {  	[sflag:s23] =	ssyncset.done $0x0  }
0xa4: {  	s25 =	simm.s32 $0x1B8E;
	s24 =	sld [smem:$0x3FFE];
	[sflag:s23] =	ssyncadd.s32 $0xFFFFFFFF  }
0xa5: {  	s26 =	simm.s32 $execute0_lowered;
	[smem:$0x3FD2] =	sst s25  }
0xa6: {  	s5 =	sshll.u32 s26, $0x1;
	_ =	strace $0x80000046;
	[dreg:$0x1] =	wrdreg $0xFFFFFFFF  }
0xa7: {  	s28 =	simm.s32 $_size_execute0_lowered;
	s3 =	sadd.s32 s3, s5;
	[dreg:$0x0] =	wrdreg $0x0  }
0xa8: {  	s5 =	sshll.u32 s28, $0x1;
	[dreg:$0x2] =	wrdreg s3  }
0xa9: {  	[dreg:$0x3] =	wrdreg s5  }
0xaa: {  	[dreg:$0x4] =	wrdreg $0xC0  }
0xab: {  	_ =	task [dreg:s7], $0x5FFFF  }
0xac: {  	[dreg:$0x1] =	wrdreg $0xFFFFFFFF  }
0xad: {  	[dreg:$0x0] =	wrdreg $0x60  }
0xae: {  	[dreg:$0x2] =	wrdreg s24  }
0xaf: {  	[dreg:$0x3] =	wrdreg s2  }
0xb0: {  	[dreg:$0x4] =	wrdreg $0x124400  }
0xb1: {  	[dreg:$0x5] =	wrdreg $0x1C2400  }
0xb2: {  	[dreg:$0x6] =	wrdreg $0x9  }
0xb3: {  	_ =	task.clear_ibuf [dreg:s7], $0x7FFFF;
	_ =	strace $0x90000046  }
0xb4: {  	s29 =	simm.s32 $0x9;
	_ =	strace $0x80000048  }
0xb5: {  	_ =	swait.ge [sflag:s29], $0x1  }
0xb6: {  	[sflag:s29] =	ssyncadd.s32 $0xFFFFFFFF  }
0xb7: {  	_ =	strace $0x90000048  }
0xb8: {  	_ =	sfence  }
0xb9: {  	s30 =	sld [smem:$0x0];
	_ =	sdelay $0x2  }
0xba: {  	s31 =	sshll.u32 s1, $0xD;
	s1 =	sshrl.u32 s1, $0x2  }
0xbb: {  	s3 =	sand.u32 $0x4000, s31;
	s1 =	sadd.s32 s1, s30  }
0xbc: {  	s0 =	sor.u32 s3, s0;
	s1 =	sshll.u32 s1, $0x11  }
0xbd: {  	s0 =	sor.u32 s1, s0  }
0xbe: {  	s0 =	sadd.s32 $0x8F2B, s0  }
0xbf: {  	[sflag:s0] =	ssyncadd.remote.s32 $0x1  }
0xc0: {  	_ =	sfence.sel $0xFFFF  }
0xc1: {  	[dreg:$0x0] =	wrdreg $0xFFFFFFFF;
	(pc) =	sbr.abs _section_cstart, $3  }
0xc2: {  	[dreg:$0x1] =	wrdreg $0xFFFFFFFF  }
0xc3: {  	_ =	task.clear_ibuf [dreg:s7], $0x2FFFF;
	_ =	strace $0x9FFFFFFF  }
0xc4: {  	(tm) =	ssettm $0x7FFFFFFF  }
0xc5: {  	_ =	shalt  }
tec
execute0_lowered:
.L_overlay_start_1:
0x0: {  	(tag) =	ssettag $0x1  }
0x1: {  	s0 =	rddreg [dreg:$0x0]  }
0x2: {  	s3 =	rddreg [dreg:$0x1]  }
0x3: {  	s1 =	rddreg [dreg:$0x2]  }
0x4: {  	s2 =	rddreg [dreg:$0x3]  }
0x5: {  	s4 =	simm.s32 $0x0;
	s15 =	srdreg.scid;
	s17 =	stileid.u32  }
0x6: {  	s29 =	simm.s32 $0x100;
	s30 =	simm.s32 $0x80;
	s31 =	simm.s32 $0x180  }
0x7: {  	s28 =	simm.s32 $0x2400;
	[smem:$0x7FF] =	sst s4;
	s4 =	sand.u32 $0x1, s15  }
0x8: {  	s9 =	smul.u32 $0x9E00, s17;
	s10 =	sadd.s32 $0x189800, s0;
	s5 =	sadd.s32 $0x2C00, s0  }
0x9: {  	s6 =	sadd.s32 $0x64800, s0;
	s7 =	sadd.s32 $0x82200, s0;
	s12 =	smul.u32 $0x2780, s17  }
0xa: {  	s8 =	sadd.s32 $0x78200, s0;
	s15 =	sadd.s32 $0x8C400, s0;
	s16 =	sadd.s32 $0x8D800, s0  }
0xb: {  	s21 =	sshll.u32 s17, $0x6;
	_ =	strace $0x80000047;
	s11 =	smul.u32 $0x9E000, s4  }
0xc: {  	s13 =	sshll.u32 s4, $0x3;
	s14 =	smul.u32 $0x27800, s4;
	[dreg:$0x5] =	wrdreg s15  }
0xd: {  	[dreg:$0x6] =	wrdreg s16;
	s20 =	ssub.s32 $0x2, s4;
	p0 =	seq.s32 s4, $0x0  }
0xe: {  	s13 =	sadd.s32 s13, s0;
	s16 =	sshrl.u32 s20, $0x1;
	s22 =	sadd.s32 s12, s2  }
0xf: {  	s5 =	smov.u32 @p0 s10;
	s6 =	smov.u32 @p0 s3;
	s3 =	simm.s32 $0x200  }
0x10: {  	s10 =	simm.s32 $0x280;
	s11 =	sadd.s32 s9, s11;
	s14 =	sadd.s32 s12, s14  }
0x11: {  	s9 =	sadd.s32 s9, s1;
	[dreg:$0x9] =	wrdreg s22;
	s24 =	sadd.s32 $0x8C200, s13  }
0x12: {  	s12 =	simm.s32 $0x380;
	s11 =	sshrl.u32 s11, $0x3;
	[dreg:$0x7] =	wrdreg s9  }
0x13: {  	s19 =	sshrl.u32 s14, $0x3;
	s14 =	ssub.s32 s20, s16;
	[dreg:$0xa] =	wrdreg s24  }
0x14: {  	s18 =	sadd.s32 s11, s0;
	s0 =	sadd.s32 s19, s0;
	s11 =	smul.u32 $0x5000, s17  }
0x15: {  	s19 =	sor.u32 $0x1C05, s21;
	s17 =	sshll.u32 s4, $0x2;
	s21 =	smax.u32 s14, $0x1  }
0x16: {  	s4 =	sshllo.u32 s4, $0x2;
	s14 =	simm.s32 $0x4400;
	[dreg:$0x11] =	wrdreg s21  }
0x17: {  	s18 =	sadd.s32 $0x97C00, s18;
	s0 =	sadd.s32 $0x8DE00, s0;
	[dreg:$0x8] =	wrdreg s19  }
0x18: {  	s22 =	sor.u32 $0x1, s17;
	v1 =	vmov s4;
	s4 =	simm.s32 $0x0;
	[dreg:$0xf] =	wrdreg s18  }
0x19: {  	s23 =	sshrl.u32 s11, $0x3;
	s20 =	sor.u32 $0x100, s11;
	[dreg:$0x10] =	wrdreg s0  }
0x1a: {  	s24 =	sor.u32 $0x180, s11;
	s18 =	simm.s32 $0x1;
	s25 =	sadd.s32 s7, s23  }
0x1b: {  	v3 =	vmov s22;
	s22 =	simm.s32 $0x3;
	s9 =	sadd.s32 s8, s23;
	[dreg:$0xb] =	wrdreg s25  }
0x1c: {  	s26 =	sor.u32 $0x10, s23;
	s23 =	sor.u32 $0x2, s17;
	[dreg:$0xc] =	wrdreg s9  }
0x1d: {  	v2 =	vlaneseq.u32;
	s13 =	sadd.s32 s7, s26;
	s16 =	sadd.s32 s8, s26;
	s25 =	sor.u32 $0x80, s11  }
0x1e: {  	v0 =	vmov s17;
	vm0 =	veq.s32 v1, v2;
	s26 =	simm.s32 $0x5;
	s9 =	simm.s32 $0x300;
	v4 =	vmov s23;
	[dreg:$0xd] =	wrdreg s13  }
0x1f: {  	vm3 =	veq.s32 v0, v2;
	vm2 =	veq.s32 v3, v2;
	s23 =	simm.s32 $0x2;
	[dreg:$0xe] =	wrdreg s16;
	s16 =	simm.s32 $0x6400;
	vm1 =	veq.s32 v4, v2  }
.LBB2_1:
0x20: {  	[dreg:$0x12] =	wrdreg s4  }
0x21: {  	s0 =	rddreg [dreg:$0x7]  }
0x22: {  	s21 =	rddreg [dreg:$0x5];
	s17 =	sshrl.u32 s0, $0x3  }
0x23: {  	[dreg:$0x13] =	wrdreg s17  }
0x24: {  	[spmem:s17], [sflag:s19] =	dma.local [hbm:s21], $0x13C0  }
0x25: {  	_ =	swait.ge [sflag:s26], $0x13C0  }
0x26: {  	s4 =	rddreg [dreg:$0x9]  }
0x27: {  	[sflag:s26] =	ssyncset.done $0x0;
	s15 =	rddreg [dreg:$0x6];
	s13 =	sshrl.u32 s4, $0x3  }
0x28: {  	[sflag:s26] =	ssyncadd.s32 $0xFFFFEC40;
	[dreg:$0x14] =	wrdreg s13  }
0x29: {  	[spmem:s13], [sflag:s19] =	dma.local [hbm:s15], $0x4F0  }
0x2a: {  	_ =	swait.ge [sflag:s26], $0x4F0  }
0x2b: {  	s0 =	simm.s32 $0x0;
	[sflag:s26] =	ssyncset.done $0x0  }
0x2c: {  	s13 =	simm.s32 $0x12400;
	s17 =	rddreg [dreg:$0xa];
	[sflag:s26] =	ssyncadd.s32 $0xFFFFFB10  }
0x2d: {  	[tilespmem:s13], [sflag:$0x5] =	stream.linear.gather [hbm4b:s17+s0], $0x40, $0x38;
	[tilespmem:$0x1E9C0] =	vst v63  }
0x2e: {  	_ =	swait.ge [sflag:s26], $0x40  }
0x2f: {  	[sflag:s26] =	ssyncset.done $0x0  }
0x30: {  	[sflag:s26] =	ssyncadd.s32 $0xFFFFFFC0  }
0x31: {  	[bflag:$0x0] =	sbarrier.arrive $0xFFFF  }
0x32: {  	v45 =	vld [tilespmem:$0x12400]  }
0x33: {  	v3 =	vld [tilespmem:$0x12410]  }
0x34: {  	v1 =	vld [tilespmem:$0x12420];
	s19 =	rddreg [dreg:$0xb]  }
0x35: {  	v2 =	vld [tilespmem:$0x12430];
	[tilespmem:s0], [sflag:$0x5] =	stream.linear.gather [hbm4b:s19+s0], $0x80, $0x38  }
0x36: {  	_ =	swait.ge [sflag:s26], $0x80  }
0x37: {  	[sflag:s26] =	ssyncset.done $0x0  }
0x38: {  	s21 =	rddreg [dreg:$0xc];
	[sflag:s26] =	ssyncadd.s32 $0xFFFFFF80  }
0x39: {  	[tilespmem:s29], [sflag:$0x5] =	stream.linear.gather [hbm4b:s21+s0], $0x80, $0x38;
	[tilespmem:$0x1E9C0] =	vst v63  }
0x3a: {  	_ =	swait.ge [sflag:s26], $0x80  }
0x3b: {  	[sflag:s26] =	ssyncset.done $0x0  }
0x3c: {  	s13 =	rddreg [dreg:$0xd];
	[sflag:s26] =	ssyncadd.s32 $0xFFFFFF80  }
0x3d: {  	[tilespmem:s30], [sflag:$0x5] =	stream.linear.gather [hbm4b:s13+s0], $0x80, $0x38;
	[tilespmem:$0x1E9C0] =	vst v63  }
0x3e: {  	_ =	swait.ge [sflag:s26], $0x80  }
0x3f: {  	[sflag:s26] =	ssyncset.done $0x0  }
0x40: {  	s15 =	rddreg [dreg:$0xe];
	[sflag:s26] =	ssyncadd.s32 $0xFFFFFF80  }
0x41: {  	[tilespmem:s31], [sflag:$0x5] =	stream.linear.gather [hbm4b:s15+s0], $0x80, $0x38;
	[tilespmem:$0x1E9C0] =	vst v63  }
0x42: {  	_ =	swait.ge [sflag:s26], $0x80  }
0x43: {  	[sflag:s26] =	ssyncset.done $0x0  }
0x44: {  	s17 =	simm.s32 $0x400;
	[sflag:s26] =	ssyncadd.s32 $0xFFFFFF80  }
0x45: {  	[tilespmem:s17], [sflag:$0x1] =	stream.indirect.gather [hbm4b:s5+s30], $0x40, s0, s30, $0xb8;
	[tilespmem:$0x1E9C0] =	vst v63  }
0x46: {  	s19 =	simm.s32 $0x8400  }
0x47: {  	[tilespmem:s19], [sflag:$0x1] =	stream.indirect.gather [hbm4b:s6+s30], $0x40, s29, s30, $0xb8;
	[tilespmem:$0x1E9C0] =	vst v63  }
0x48: {  	_ = 	snop  }
0x49: {  	[tilespmem:s28], [sflag:$0x1] =	stream.indirect.gather [hbm4b:s5+s30], $0x40, s30, s30, $0xb8;
	[tilespmem:$0x1E9C0] =	vst v63  }
0x4a: {  	s21 =	simm.s32 $0xA400;
	s15 =	simm.s32 $0x0  }
0x4b: {  	[tilespmem:s21], [sflag:$0x1] =	stream.indirect.gather [hbm4b:s6+s30], $0x40, s31, s30, $0xb8;
	[tilespmem:$0x1E9C0] =	vst v63  }
.LBB2_2:
0x4c: {  	p0 =	seq.s32 s15, $0x0  }
0x4d: {  	s4 =	simm.s32 @!p0 $0x4  }
0x4e: {  	_ =	swait.ge @!p0 [sflag:s4], $0x2000  }
0x4f: {  	[sflag:s4] =	ssyncset.done @!p0 $0x0  }
0x50: {  	[sflag:s4] =	ssyncadd.s32 @!p0 $0xFFFFE000  }
0x51: {  	_ =	swait.ge @!p0 [sflag:s4], $0x800  }
0x52: {  	[sflag:s4] =	ssyncset.done @!p0 $0x0  }
0x53: {  	[sflag:s4] =	ssyncadd.s32 @!p0 $0xFFFFF800  }
0x54: {  	_ =	swait.ge @!p0 [sflag:s4], $0x2000  }
0x55: {  	[sflag:s4] =	ssyncset.done @!p0 $0x0  }
0x56: {  	s17 =	sshll.u32 s15, $0x9;
	[sflag:s4] =	ssyncadd.s32 @!p0 $0xFFFFE000  }
0x57: {  	s19 =	sadd.s32 s17, s20;
	_ =	swait.ge @!p0 [sflag:s4], $0x800  }
0x58: {  	s21 =	sshrl.u32 s19, $0x3;
	[sflag:s4] =	ssyncset.done @!p0 $0x0  }
0x59: {  	s19 =	simm.s32 $0x0;
	s13 =	sadd.s32 s7, s21;
	[sflag:s4] =	ssyncadd.s32 @!p0 $0xFFFFF800  }
0x5a: {  	[tilespmem:s3], [sflag:$0x5] =	stream.linear.gather [hbm4b:s13+s19], $0x80, $0x38;
	[tilespmem:$0x1E9C0] =	vst v63  }
0x5b: {  	_ =	swait.ge [sflag:s26], $0x80  }
0x5c: {  	[sflag:s26] =	ssyncset.done $0x0  }
0x5d: {  	s21 =	sadd.s32 s8, s21;
	[sflag:s26] =	ssyncadd.s32 $0xFFFFFF80  }
0x5e: {  	[tilespmem:s9], [sflag:$0x5] =	stream.linear.gather [hbm4b:s21+s19], $0x80, $0x38;
	[tilespmem:$0x1E9C0] =	vst v63  }
0x5f: {  	s0 =	sadd.s32 s17, s24;
	_ =	swait.ge [sflag:s26], $0x80  }
0x60: {  	s4 =	sshrl.u32 s0, $0x3;
	[sflag:s26] =	ssyncset.done $0x0  }
0x61: {  	s13 =	sadd.s32 s7, s4;
	[sflag:s26] =	ssyncadd.s32 $0xFFFFFF80  }
0x62: {  	[tilespmem:s10], [sflag:$0x5] =	stream.linear.gather [hbm4b:s13+s19], $0x80, $0x38;
	[tilespmem:$0x1E9C0] =	vst v63  }
0x63: {  	_ =	swait.ge [sflag:s26], $0x80  }
0x64: {  	[sflag:s26] =	ssyncset.done $0x0  }
0x65: {  	s4 =	sadd.s32 s8, s4;
	[sflag:s26] =	ssyncadd.s32 $0xFFFFFF80  }
0x66: {  	[tilespmem:s12], [sflag:$0x5] =	stream.linear.gather [hbm4b:s4+s19], $0x80, $0x38;
	[tilespmem:$0x1E9C0] =	vst v63  }
0x67: {  	_ =	swait.ge [sflag:s26], $0x80  }
0x68: {  	[sflag:s26] =	ssyncset.done $0x0  }
0x69: {  	[sflag:s26] =	ssyncadd.s32 $0xFFFFFF80  }
0x6a: {  	[tilespmem:s14], [sflag:$0x2] =	stream.indirect.gather [hbm4b:s5+s30], $0x40, s3, s30, $0xb8;
	[tilespmem:$0x1E9C0] =	vst v63  }
0x6b: {  	s0 =	simm.s32 $0xC400  }
0x6c: {  	[tilespmem:s0], [sflag:$0x2] =	stream.indirect.gather [hbm4b:s6+s30], $0x40, s9, s30, $0xb8;
	[tilespmem:$0x1E9C0] =	vst v63  }
0x6d: {  	_ = 	snop  }
0x6e: {  	[tilespmem:s16], [sflag:$0x2] =	stream.indirect.gather [hbm4b:s5+s30], $0x40, s10, s30, $0xb8;
	[tilespmem:$0x1E9C0] =	vst v63  }
0x6f: {  	s21 =	simm.s32 $0xE400  }
0x70: {  	[tilespmem:s21], [sflag:$0x2] =	stream.indirect.gather [hbm4b:s6+s30], $0x40, s12, s30, $0xb8;
	[tilespmem:$0x1E9C0] =	vst v63  }
0x71: {  	_ =	swait.ge [sflag:s18], $0x2000  }
0x72: {  	[sflag:s18] =	ssyncset.done $0x0  }
0x73: {  	[sflag:s18] =	ssyncadd.s32 $0xFFFFE000  }
0x74: {  	_ =	swait.ge [sflag:s18], $0x2000  }
0x75: {  	[sflag:s18] =	ssyncset.done $0x0  }
0x76: {  	[sflag:s18] =	ssyncadd.s32 $0xFFFFE000  }
0x77: {  	_ =	swait.ge [sflag:s18], $0x2000  }
0x78: {  	[sflag:s18] =	ssyncset.done $0x0  }
0x79: {  	[sflag:s18] =	ssyncadd.s32 $0xFFFFE000  }
0x7a: {  	_ =	swait.ge [sflag:s18], $0x2000  }
0x7b: {  	[sflag:s18] =	ssyncset.done $0x0  }
0x7c: {  	[sflag:s18] =	ssyncadd.s32 $0xFFFFE000  }
.LBB2_3:
0x7d: {  	s21 =	sshll.u32 s19, $0x6  }
0x7e: {  	v4 =	vld [tilespmem:s21+$0x400]  }
0x7f: {  	v5 =	vld [tilespmem:s21+$0x8400]  }
0x80: {  	v7 =	vld [tilespmem:s21+$0x410]  }
0x81: {  	v6 =	vld [tilespmem:s21+$0x8410];
	_ =	sdelay $0x2  }
0x82: {  	v5 =	vadd.f32 v5, v4  }
0x83: {  	v9 =	vld [tilespmem:s21+$0x420]  }
0x84: {  	v10 =	vld [tilespmem:s21+$0x8420];
	v6 =	vadd.f32 v6, v7;
	v8 =	vmul.f32 $2.000000030e-01, v5;
	_ =	sdelay $0x1  }
0x85: {  	v12 =	vld [tilespmem:s21+$0x430];
	v42 =	vmul.f32 $2.000000030e-01, v6;
	v5 =	vmax.f32 v5, v8  }
0x86: {  	v44 =	vld [tilespmem:s21+$0x8430];
	v5 =	vmul.f32 v5, v45  }
0x87: {  	v11 =	vld [tilespmem:s21+$0x440];
	v6 =	vmax.f32 v6, v42  }
0x88: {  	v13 =	vld [tilespmem:s21+$0x8440];
	v43 =	vadd.f32 v10, v9;
	(xrf2) =	vadd.scan.msk.f32 $0xffff, v5;
	v5 =	vmul.f32 v6, v3  }
0x89: {  	v14 =	vld [tilespmem:s21+$0x8450]  }
0x8a: {  	v17 =	vld [tilespmem:s21+$0x8460];
	(xrf2) =	vadd.scan.msk.f32 $0xffff, v5;
	v5 =	vmul.f32 $2.000000030e-01, v43  }
0x8b: {  	v19 =	vld [tilespmem:s21+$0x8470]  }
0x8c: {  	v10 =	vld [tilespmem:s21+$0x470];
	v5 =	vmax.f32 v43, v5  }
0x8d: {  	v6 =	vld [tilespmem:s21+$0x450];
	v5 =	vmul.f32 v5, v1  }
0x8e: {  	v22 =	vld [tilespmem:s21+$0x8480];
	v8 =	vadd.f32 v44, v12  }
0x8f: {  	v13 =	vadd.f32 v13, v11;
	(xrf2) =	vadd.scan.msk.f32 $0xffff, v5;
	v5 =	vld [tilespmem:s21+$0x460]  }
0x90: {  	v48 =	vld [tilespmem:s21+$0x8490];
	v16 =	vmul.f32 $2.000000030e-01, v8  }
0x91: {  	v23 =	vld [tilespmem:s21+$0x84A0];
	v21 =	vmul.f32 $2.000000030e-01, v13  }
0x92: {  	v30 =	vld [tilespmem:s21+$0x4B0];
	v19 =	vadd.f32 v19, v10;
	v8 =	vmax.f32 v8, v16;
	v14 =	vadd.f32 v14, v6;
	v46, _, _ =	vpop (xrf2)  }
0x93: {  	v55 =	vld [tilespmem:s21+$0x84B0];
	v47 =	vmax.f32 v13, v21;
	v8 =	vmul.f32 v8, v2;
	v15 =	vmul.f32 $1.442695020e+00, v46  }
0x94: {  	v28 =	vld [tilespmem:s21+$0x84C0];
	v54 =	vmul.f32 $2.000000030e-01, v19;
	v49 =	vmul.f32 $2.000000030e-01, v14;
	v50 =	vadd.f32 v17, v5  }
0x95: {  	(xrf2) =	vadd.scan.msk.f32 $0xffff, v8;
	v8 =	vmul.f32 v47, v45;
	v20 =	vbroadcast v15, $0xF;
	v15 =	vld [tilespmem:s21+$0x480]  }
0x96: {  	v16 =	vld [tilespmem:s21+$0x490];
	v57 =	vmax.f32 v19, v54;
	v18, _, _ =	vpop (xrf2);
	v53 =	vmul.f32 $2.000000030e-01, v50  }
0x97: {  	v19 =	vld [tilespmem:s21+$0x4C0];
	v52 =	vmax.f32 v14, v49;
	(xrf2) =	vadd.scan.msk.f32 $0xffff, v8;
	v18 =	vmul.f32 $1.442695020e+00, v18;
	(erf) = vpow2.f32 v20  }
0x98: {  	v17 =	vld [tilespmem:s21+$0x4A0];
	v8 =	vmul.f32 v52, v3;
	v14 =	vmax.f32 v50, v53  }
0x99: {  	v18 =	vbroadcast v18, $0xF;
	v56 =	vmul.f32 v14, v1  }
0x9a: {  	v51, _, _ =	vpop (xrf2);
	(xrf2) =	vadd.scan.msk.f32 $0xffff, v8;
	v14 =	vmul.f32 v57, v2;
	v22 =	vadd.f32 v22, v15  }
0x9b: {  	v63 =	vadd.f32 v55, v30;
	v13 =	vadd.f32 v48, v16;
	(erf) = vpow2.f32 v18;
	(xrf2) =	vadd.scan.msk.f32 $0xffff, v56  }
0x9c: {  	v34 =	vadd.f32 v28, v19;
	v18 =	vmul.f32 $1.442695020e+00, v51;
	v58 =	vmul.f32 $2.000000030e-01, v22;
	(xrf2) =	vadd.scan.msk.f32 $0xffff, v14  }
0x9d: {  	v32 =	vmul.f32 $2.000000030e-01, v63;
	v59 =	vmul.f32 $2.000000030e-01, v13;
	v23 =	vadd.f32 v23, v17  }
0x9e: {  	v36 =	vmul.f32 $2.000000030e-01, v34;
	v18 =	vbroadcast v18, $0xF;
	v60 =	vmax.f32 v22, v58  }
0x9f: {  	v13 =	vmax.f32 v13, v59;
	v62, _, _ =	vpop (xrf2);
	v61 =	vmul.f32 $2.000000030e-01, v23;
	v8 =	vmul.f32 v60, v45  }
0xa0: {  	v38 =	vld [tilespmem:s21+$0x84D0];
	v13 =	vmul.f32 v13, v3;
	(erf) = vpow2.f32 v18;
	v22 =	vpop (erf)  }
0xa1: {  	v28 =	vld [tilespmem:s21+$0x4D0];
	v29 =	vmax.f32 v23, v61;
	v18 =	vmul.f32 $1.442695020e+00, v62;
	(xrf2) =	vadd.scan.msk.f32 $0xffff, v8;
	v0 =	vmul.f32 v22, v4;
	v4, _, _ =	vpop (xrf2)  }
0xa2: {  	v33 =	vmax.f32 v63, v32;
	v31 =	vmul.f32 v29, v1;
	(xrf2) =	vadd.scan.msk.f32 $0xffff, v13;
	v4 =	vmul.f32 $1.442695020e+00, v4  }
0xa3: {  	v20 =	vmax.f32 v34, v36;
	v14 =	vmul.f32 v33, v2;
	v18 =	vbroadcast v18, $0xF  }
0xa4: {  	v25 =	vld [tilespmem:s21+$0x84E0];
	v20 =	vmul.f32 v20, v45;
	(xrf2) =	vadd.scan.msk.f32 $0xffff, v31;
	v35, _, _ =	vpop (xrf2);
	v4 =	vbroadcast v4, $0xF  }
0xa5: {  	(erf) = vpow2.f32 v18;
	v18 =	vmul.f32 $1.442695020e+00, v35;
	(xrf2) =	vadd.scan.msk.f32 $0xffff, v14;
	v14 =	vld [tilespmem:s21+$0x4E0];
	v37, _, _ =	vpop (xrf2)  }
0xa6: {  	v23 =	vadd.f32 v38, v28;
	(erf) = vpow2.f32 v4;
	v39 =	vmul.f32 $1.442695020e+00, v37;
	v40, _, _ =	vpop (xrf2)  }
0xa7: {  	v4 =	vbroadcast v18, $0xF;
	v21 =	vmul.f32 $1.442695020e+00, v40  }
0xa8: {  	v41 =	vld [tilespmem:s21+$0x84F0];
	v46 =	vmul.f32 $2.000000030e-01, v23;
	v18 =	vbroadcast v39, $0xF  }
0xa9: {  	v26 =	vpop (erf);
	(erf) = vpow2.f32 v4;
	v4 =	vld [tilespmem:s21+$0x4F0];
	v21 =	vbroadcast v21, $0xF  }
0xaa: {  	v32 =	vld [tilespmem:s21+$0x8510];
	v52 =	vmul.f32 v26, v7;
	v13 =	vpop (erf);
	v31 =	vadd.f32 v25, v14;
	(erf) = vpow2.f32 v18  }
0xab: {  	[tilespmem:$0x1FFA0] =	vst v0;
	v0 =	vmul.f32 v13, v9;
	v25 =	vld [tilespmem:s21+$0x510];
	v24, _, _ =	vpop (xrf2);
	(erf) = vpow2.f32 v21  }
0xac: {  	v63 =	vld [tilespmem:s21+$0x8540];
	v21 =	vmax.f32 v23, v46;
	v49 =	vmul.f32 $2.000000030e-01, v31;
	v24 =	vmul.f32 $1.442695020e+00, v24;
	v27, _, _ =	vpop (xrf2)  }
0xad: {  	v53 =	vld [tilespmem:s21+$0x8520];
	(xrf2) =	vadd.scan.msk.f32 $0xffff, v20;
	v21 =	vmul.f32 v21, v3;
	v42 =	vmul.f32 $1.442695020e+00, v27  }
0xae: {  	v29 =	vld [tilespmem:s21+$0x8500];
	v44, _, _ =	vpop (xrf2);
	v20 =	vadd.f32 v41, v4;
	v23 =	vmax.f32 v31, v49;
	v43 =	vbroadcast v24, $0xF  }
0xaf: {  	v24 =	vld [tilespmem:s21+$0x500];
	v27 =	vmul.f32 $1.442695020e+00, v44;
	v50 =	vmul.f32 v23, v1  }
0xb0: {  	v48, _, _ =	vpop (xrf2);
	(xrf2) =	vadd.scan.msk.f32 $0xffff, v21;
	v34 =	vadd.f32 v32, v25;
	v44 =	vld [tilespmem:s21+$0x550];
	v18 =	vbroadcast v42, $0xF;
	v33 =	vmul.f32 $2.000000030e-01, v20  }
0xb1: {  	v47 =	vbroadcast v27, $0xF;
	v27 =	vmul.f32 $1.442695020e+00, v48;
	(xrf2) =	vadd.scan.msk.f32 $0xffff, v50;
	v50 =	vld [tilespmem:s21+$0x540]  }
0xb2: {  	(erf) = vpow2.f32 v43;
	v61 =	vmul.f32 $2.000000030e-01, v34;
	v48 =	vld [tilespmem:s21+$0x8550]  }
0xb3: {  	v31 =	vpop (erf);
	(erf) = vpow2.f32 v18;
	v18 =	vld [tilespmem:s21+$0x520];
	v20 =	vmax.f32 v20, v33;
	v27 =	vbroadcast v27, $0xF  }
0xb4: {  	v32 =	vpop (erf);
	(erf) = vpow2.f32 v47;
	v20 =	vmul.f32 v20, v2  }
0xb5: {  	v36 =	vld [tilespmem:s21+$0x8530];
	[tilespmem:$0x1FFB0] =	vst v0;
	v0 =	vmul.f32 v32, v11;
	v56 =	vpop (erf);
	v51 =	vadd.f32 v29, v24;
	(erf) = vpow2.f32 v27  }
0xb6: {  	v29 =	vld [tilespmem:s21+$0x530];
	v27 =	vmul.f32 v31, v12;
	(xrf2) =	vadd.scan.msk.f32 $0xffff, v20;
	v47 =	vpop (erf);
	v20 =	vmax.f32 v34, v61;
	v12 =	vmul.f32 v56, v6  }
0xb7: {  	v60 =	vmul.f32 $2.000000030e-01, v51;
	v20 =	vmul.f32 v20, v3;
	v34 =	vadd.f32 v63, v50;
	v59, _, _ =	vpop (xrf2)  }
0xb8: {  	v41 =	vadd.f32 v48, v44;
	v33 =	vadd.f32 v53, v18;
	v53 =	vpop (erf);
	v35 =	vmul.f32 $1.442695020e+00, v59  }
0xb9: {  	[tilespmem:$0x1FFC0] =	vst v0;
	v21 =	vmax.f32 v51, v60;
	v0 =	vmul.f32 v53, v10;
	v57 =	vmul.f32 $2.000000030e-01, v34  }
0xba: {  	v58 =	vmul.f32 $2.000000030e-01, v41;
	v21 =	vmul.f32 v21, v45  }
0xbb: {  	v42 =	vld [tilespmem:s21+$0x8560];
	v38 =	vmul.f32 $2.000000030e-01, v33;
	v46 =	vadd.f32 v36, v29;
	v62 =	vbroadcast v35, $0xF;
	v51 =	vpop (erf)  }
0xbc: {  	v49, _, _ =	vpop (xrf2);
	v36 =	vld [tilespmem:s21+$0x560];
	v34 =	vmax.f32 v34, v57;
	(xrf2) =	vadd.scan.msk.f32 $0xffff, v21;
	v21 =	vmul.f32 v47, v5;
	v15 =	vmul.f32 v51, v15  }
0xbd: {  	v59 =	vld [tilespmem:s21+$0x8570];
	v6 =	vmax.f32 v33, v38;
	v37 =	vmul.f32 $2.000000030e-01, v46;
	v33 =	vmul.f32 $1.442695020e+00, v49;
	(xrf2) =	vadd.scan.msk.f32 $0xffff, v20  }
0xbe: {  	v35 =	vld [tilespmem:s21+$0x570];
	v40 =	vpop (erf);
	v34 =	vmul.f32 v34, v45;
	v54 =	vmul.f32 v6, v1  }
0xbf: {  	[tilespmem:$0x1FFD0] =	vst v0;
	(erf) = vpow2.f32 v62;
	v0 =	vmul.f32 v40, v16;
	v5 =	vpop (erf)  }
0xc0: {  	v9 =	vld [tilespmem:s21+$0x8580];
	v16 =	vmul.f32 v5, v17;
	v10 =	vmax.f32 v46, v37;
	v33 =	vbroadcast v33, $0xF;
	v7 =	vpop (erf);
	(xrf2) =	vadd.scan.msk.f32 $0xffff, v54  }
0xc1: {  	v55, _, _ =	vpop (xrf2);
	v37 =	vld [tilespmem:s21+$0x580];
	v39 =	vmul.f32 v10, v2;
	v8 =	vadd.f32 v42, v36;
	v17 =	vmul.f32 v7, v30  }
0xc2: {  	v62 =	vmax.f32 v41, v58;
	v38, _, _ =	vpop (xrf2);
	v30 =	vmul.f32 $1.442695020e+00, v55;
	(erf) = vpow2.f32 v33  }
0xc3: {  	v20 =	vadd.f32 v59, v35;
	v38 =	vmul.f32 $1.442695020e+00, v38;
	(xrf2) =	vadd.scan.msk.f32 $0xffff, v39;
	v23 =	vmul.f32 $2.000000030e-01, v8  }
0xc4: {  	v30 =	vbroadcast v30, $0xF;
	(xrf2) =	vadd.scan.msk.f32 $0xffff, v34;
	v34 =	vmul.f32 v62, v3  }
0xc5: {  	v43 =	vmul.f32 $2.000000030e-01, v20;
	v60 =	vbroadcast v38, $0xF;
	v55 =	vmax.f32 v8, v23  }
0xc6: {  	v58 =	vld [tilespmem:s21+$0x85A0];
	v57 =	vadd.f32 v9, v37;
	(erf) = vpow2.f32 v30;
	v33 =	vmul.f32 v55, v1;
	v61, _, _ =	vpop (xrf2)  }
0xc7: {  	v39 =	vld [tilespmem:s21+$0x5A0];
	(erf) = vpow2.f32 v60;
	v38 =	vmul.f32 $1.442695020e+00, v61;
	v63, _, _ =	vpop (xrf2);
	(xrf2) =	vadd.scan.msk.f32 $0xffff, v34  }
0xc8: {  	v10 =	vpop (erf);
	v34 =	vmax.f32 v20, v43;
	v61 =	vmul.f32 $2.000000030e-01, v57;
	v6 =	vmul.f32 $1.442695020e+00, v63  }
0xc9: {  	v48 =	vld [tilespmem:s21+$0x8590];
	v19 =	vmul.f32 v10, v19;
	v34 =	vmul.f32 v34, v2  }
0xca: {  	v11 =	vbroadcast v38, $0xF;
	v38 =	vld [tilespmem:s21+$0x590];
	v46, _, _ =	vpop (xrf2);
	(xrf2) =	vadd.scan.msk.f32 $0xffff, v33;
	v33 =	vmax.f32 v57, v61;
	v30 =	vbroadcast v6, $0xF  }
0xcb: {  	v54 =	vmul.f32 $1.442695020e+00, v46;
	v46 =	vpop (erf);
	v33 =	vmul.f32 v33, v45  }
0xcc: {  	v49 =	vadd.f32 v58, v39;
	(erf) = vpow2.f32 v11;
	v20 =	vmul.f32 v46, v28  }
0xcd: {  	v8 =	vld [tilespmem:s21+$0x5B0];
	v59, _, _ =	vpop (xrf2);
	(erf) = vpow2.f32 v30;
	v30 =	vbroadcast v54, $0xF  }
0xce: {  	v22 =	vnsel vm3, $0x0, v22;
	v6 =	vld [tilespmem:s21+$0x85B0];
	(xrf2) =	vadd.scan.msk.f32 $0xffff, v34;
	v28 =	vmul.f32 $2.000000030e-01, v49;
	v60 =	vmul.f32 $1.442695020e+00, v59;
	v62, _, _ =	vpop (xrf2)  }
0xcf: {  	v41 =	vld [tilespmem:s21+$0x5C0];
	(xrf2) =	vadd.scan.msk.f32 $0xffff, v33;
	v58 =	vpop (erf);
	(erf) = vpow2.f32 v30;
	v63 =	vadd.f32 v48, v38;
	v30 =	vmul.f32 $1.442695020e+00, v62  }
0xd0: {  	v22 =	vsel vm2, v26, v22;
	v54 =	vld [tilespmem:s21+$0x85C0];
	v26 =	vbroadcast v60, $0xF;
	v34 =	vmul.f32 v58, v14  }
0xd1: {  	v48 =	vmul.f32 $2.000000030e-01, v63;
	v9 =	vbroadcast v30, $0xF;
	v11, _, _ =	vpop (xrf2)  }
0xd2: {  	(erf) = vpow2.f32 v26;
	v26 =	vmul.f32 $1.442695020e+00, v11  }
0xd3: {  	v42 =	vld [tilespmem:s21+$0x5D0];
	v23 =	vmax.f32 v63, v48;
	v48 =	vadd.f32 v6, v8;
	v6 =	vpop (erf);
	(erf) = vpow2.f32 v9  }
0xd4: {  	v57 =	vld [tilespmem:s21+$0x85D0];
	v60 =	vmax.f32 v49, v28;
	v30 =	vmul.f32 v23, v3;
	v33 =	vmul.f32 v6, v4  }
0xd5: {  	v63 =	vadd.f32 v54, v41;
	v4, _, _ =	vpop (xrf2);
	v59 =	vbroadcast v26, $0xF;
	v62 =	vmul.f32 $2.000000030e-01, v48  }
0xd6: {  	v13 =	vsel vm1, v13, v22;
	v61 =	vmul.f32 v60, v1;
	v55 =	vpop (erf);
	v4 =	vmul.f32 $1.442695020e+00, v4;
	(xrf2) =	vadd.scan.msk.f32 $0xffff, v30  }
0xd7: {  	v26 =	vld [tilespmem:s21+$0x85E0];
	v43 =	vpop (erf);
	(erf) = vpow2.f32 v59;
	v54 =	vmax.f32 v48, v62;
	v59 =	vmul.f32 $2.000000030e-01, v63  }
0xd8: {  	v9 =	vsel vm0, v31, v13;
	v60, _, _ =	vpop (xrf2);
	(xrf2) =	vadd.scan.msk.f32 $0xffff, v61;
	v23 =	vmul.f32 v43, v25;
	v13 =	vmul.f32 v54, v2;
	v54 =	vld [tilespmem:s21+$0x5E0]  }
0xd9: {  	v61 =	vadd.f32 v57, v42;
	v22 =	vmul.f32 $1.442695020e+00, v60;
	v62 =	vnsel vm3, $0x0, v32;
	v32, _, _ =	vpop (xrf2)  }
0xda: {  	v4 =	vbroadcast v4, $0xF;
	v48 =	vpop (erf);
	v56 =	vsel vm2, v56, v62;
	v62 =	vmul.f32 $1.442695020e+00, v32;
	(xrf2) =	vadd.scan.msk.f32 $0xffff, v13  }
0xdb: {  	v25 =	vld [tilespmem:s21+$0x600];
	v14 =	vmax.f32 v63, v59;
	v11 =	vmul.f32 $2.000000030e-01, v61;
	v31 =	vbroadcast v22, $0xF;
	v49 =	vpop (erf)  }
0xdc: {  	[tilespmem:$0x1FFE0] =	vst v0;
	v56 =	vsel vm1, v47, v56;
	(erf) = vpow2.f32 v4;
	v0 =	vmul.f32 v49, v29;
	v29 =	vld [tilespmem:s21+$0x5F0]  }
0xdd: {  	v63 =	vmul.f32 v14, v45;
	v60 =	vmax.f32 v61, v11;
	v61 =	vld [tilespmem:s21+$0x85F0];
	v47 =	vpop (erf);
	v4 =	vadd.f32 v26, v54  }
0xde: {  	(erf) = vpow2.f32 v31;
	v22 =	vmul.f32 v47, v50;
	v50 =	vld [tilespmem:s21+$0x8600]  }
0xdf: {  	(xrf2) =	vadd.scan.msk.f32 $0xffff, v63;
	v13 =	vmul.f32 v60, v3;
	v31 =	vmul.f32 $2.000000030e-01, v4  }
0xe0: {  	v28 =	vmul.f32 v55, v24;
	v24 =	vmul.f32 v48, v18;
	v11 =	vsel vm0, v53, v56;
	v30, _, _ =	vpop (xrf2)  }
0xe1: {  	v18 =	vld [tilespmem:s21+$0x610];
	v63 =	vbroadcast v62, $0xF;
	(xrf2) =	vadd.scan.msk.f32 $0xffff, v13;
	v13 =	vnsel vm3, $0x0, v51;
	v53 =	vpop (erf);
	v4 =	vmax.f32 v4, v31  }
0xe2: {  	v51 =	vmul.f32 $1.442695020e+00, v30;
	v32, _, _ =	vpop (xrf2);
	v30 =	vadd.f32 v61, v29;
	v61 =	vld [tilespmem:s21+$0x8610];
	v4 =	vmul.f32 v4, v1  }
0xe3: {  	v26 =	vmul.f32 v53, v44;
	v44 =	vmul.f32 $1.442695020e+00, v32;
	v50 =	vadd.f32 v50, v25  }
0xe4: {  	v14 =	vld [tilespmem:s21+$0x620];
	v51 =	vbroadcast v51, $0xF;
	v31 =	vmul.f32 $2.000000030e-01, v30;
	v32, _, _ =	vpop (xrf2);
	(xrf2) =	vadd.scan.msk.f32 $0xffff, v4  }
0xe5: {  	v62 =	vld [tilespmem:s21+$0x8620];
	(erf) = vpow2.f32 v63;
	v56 =	vmul.f32 $2.000000030e-01, v50  }
0xe6: {  	v63 =	vld [tilespmem:s21+$0x8630];
	(erf) = vpow2.f32 v51;
	v51 =	vmul.f32 $1.442695020e+00, v32;
	v4 =	vmax.f32 v30, v31  }
0xe7: {  	[tilespmem:$0x1FFF0] =	vst v0;
	v40 =	vsel vm2, v40, v13;
	v13 =	vld [tilespmem:s21+$0x630];
	v0 =	vmul.f32 v4, v2;
	v61 =	vadd.f32 v61, v18  }
0xe8: {  	v44 =	vbroadcast v44, $0xF;
	v32 =	vld [tilespmem:s21+$0x640];
	v50 =	vmax.f32 v50, v56;
	v51 =	vbroadcast v51, $0xF  }
0xe9: {  	v40 =	vsel vm1, v5, v40;
	v59, _, _ =	vpop (xrf2);
	v56 =	vld [tilespmem:s21+$0x8640];
	(xrf2) =	vadd.scan.msk.f32 $0xffff, v0;
	v0 =	vmul.f32 v50, v45;
	v5 =	vmul.f32 $2.000000030e-01, v61  }
0xea: {  	(erf) = vpow2.f32 v44;
	v44 =	vmul.f32 $1.442695020e+00, v59  }
0xeb: {  	(erf) = vpow2.f32 v51;
	v51 =	vadd.f32 v62, v14;
	v60, _, _ =	vpop (xrf2);
	(xrf2) =	vadd.scan.msk.f32 $0xffff, v0;
	v0 =	vmax.f32 v61, v5  }
0xec: {  	v59 =	vadd.f32 v63, v13;
	v44 =	vbroadcast v44, $0xF;
	v0 =	vmul.f32 v0, v3  }
0xed: {  	v31 =	vld [tilespmem:s21+$0x650];
	v50 =	vmul.f32 $1.442695020e+00, v60;
	v61 =	vmul.f32 $2.000000030e-01, v51  }
0xee: {  	v4 =	vld [tilespmem:$0x1FFA0];
	(erf) = vpow2.f32 v44;
	v44 =	vadd.f32 v56, v32;
	v60 =	vmul.f32 $2.000000030e-01, v59;
	(xrf2) =	vadd.scan.msk.f32 $0xffff, v0;
	v30, _, _ =	vpop (xrf2)  }
0xef: {  	v57 =	vpop (erf);
	v5 =	vld [tilespmem:s21+$0x660];
	v50 =	vbroadcast v50, $0xF;
	v0 =	vmax.f32 v51, v61;
	v30 =	vmul.f32 $1.442695020e+00, v30  }
0xf0: {  	v62 =	vpop (erf);
	v61 =	vsel vm0, v7, v40;
	v40 =	vmax.f32 v59, v60;
	v59 =	vld [tilespmem:s21+$0x8660];
	v0 =	vmul.f32 v0, v1  }
0xf1: {  	[tilespmem:s21+$0x410] =	vst v52;
	v63 =	vmul.f32 v62, v35;
	v56 =	vld [tilespmem:s21+$0x8650];
	v51 =	vpop (erf);
	v7 =	vmul.f32 $2.000000030e-01, v44  }
0xf2: {  	v52 =	vld [tilespmem:$0x1FFB0];
	v10 =	vnsel vm3, $0x0, v10;
	v35 =	vmul.f32 v51, v37;
	(xrf2) =	vadd.scan.msk.f32 $0xffff, v0;
	v0 =	vmul.f32 v40, v2  }
0xf3: {  	(erf) = vpow2.f32 v50;
	v7 =	vmax.f32 v44, v7;
	v40 =	vld [tilespmem:s21+$0x670];
	v60 =	vbroadcast v30, $0xF;
	v30, _, _ =	vpop (xrf2)  }
0xf4: {  	v10 =	vsel vm2, v46, v10;
	v7 =	vmul.f32 v7, v45;
	v50 =	vpop (erf);
	(xrf2) =	vadd.scan.msk.f32 $0xffff, v0;
	v0 =	vld [tilespmem:s21+$0x8670];
	v46 =	vmul.f32 $1.442695020e+00, v30  }
0xf5: {  	v37 =	vmul.f32 v50, v38;
	v44 =	vpop (erf);
	(erf) = vpow2.f32 v60;
	v60 =	vadd.f32 v59, v5  }
0xf6: {  	[tilespmem:s21+$0x400] =	vst v4;
	v56 =	vadd.f32 v56, v31;
	v38 =	vmul.f32 v44, v39;
	v4 =	vpop (erf);
	v46 =	vbroadcast v46, $0xF  }
0xf7: {  	[tilespmem:s21+$0x430] =	vst v27;
	v27 =	vsel vm1, v58, v10;
	v39 =	vmul.f32 v4, v8;
	v8, _, _ =	vpop (xrf2);
	v58 =	vmul.f32 $2.000000030e-01, v60  }
0xf8: {  	[tilespmem:s21+$0x420] =	vst v52;
	v59 =	vld [tilespmem:s21+$0x680];
	(xrf2) =	vadd.scan.msk.f32 $0xffff, v7;
	v7 =	vmul.f32 $2.000000030e-01, v56;
	v52, _, _ =	vpop (xrf2);
	(erf) = vpow2.f32 v46  }
0xf9: {  	v46 =	vadd.f32 v0, v40;
	v0 =	vmul.f32 $1.442695020e+00, v52;
	v52 =	vmax.f32 v60, v58;
	v60 =	vld [tilespmem:$0x1FFC0]  }
0xfa: {  	v7 =	vmax.f32 v56, v7;
	v56 =	vld [tilespmem:s21+$0x8680]  }
0xfb: {  	v30 =	vld [tilespmem:s21+$0x690];
	v8 =	vmul.f32 $1.442695020e+00, v8;
	v7 =	vmul.f32 v7, v3  }
0xfc: {  	v58 =	vld [tilespmem:s21+$0x8690]  }
0xfd: {  	(xrf2) =	vadd.scan.msk.f32 $0xffff, v7;
	v7 =	vbroadcast v8, $0xF  }
0xfe: {  	v27 =	vsel vm0, v6, v27;
	v6 =	vmul.f32 v52, v1;
	v52, _, _ =	vpop (xrf2);
	[tilespmem:s21+$0x440] =	vst v60;
	v60 =	vmul.f32 $2.000000030e-01, v46  }
0xff: {  	[tilespmem:s21+$0x450] =	vst v12;
	(erf) = vpow2.f32 v7;
	v12 =	vadd.f32 v56, v59;
	v7 =	vmul.f32 $1.442695020e+00, v52;
	v52 =	vld [tilespmem:$0x1FFD0]  }
0x100: {  	s4 =	sshrl.u32 s21, $0x2;
	v0 =	vbroadcast v0, $0xF;
	v60 =	vmax.f32 v46, v60  }
0x101: {  	[tilespmem:s4+$0x10400] =	vst v9;
	v9 =	vld [tilespmem:s21+$0x6A0];
	v58 =	vadd.f32 v58, v30;
	v56 =	vmul.f32 v60, v2;
	v60 =	vmul.f32 $2.000000030e-01, v12  }
0x102: {  	[tilespmem:s21+$0x460] =	vst v21;
	v21 =	vnsel vm3, $0x0, v55;
	(xrf2) =	vadd.scan.msk.f32 $0xffff, v6;
	v6 =	vld [tilespmem:s21+$0x6B0]  }
0x103: {  	[tilespmem:s21+$0x480] =	vst v15;
	(erf) = vpow2.f32 v0;
	v55, _, _ =	vpop (xrf2);
	v46 =	vld [tilespmem:s21+$0x86A0];
	v12 =	vmax.f32 v12, v60;
	v60 =	vmul.f32 $2.000000030e-01, v58  }
0x104: {  	s13 =	sor.u32 $0x10, s4;
	v0 =	vbroadcast v7, $0xF;
	[tilespmem:s21+$0x470] =	vst v52;
	v52 =	vmul.f32 $1.442695020e+00, v55;
	(xrf2) =	vadd.scan.msk.f32 $0xffff, v56;
	v56 =	vld [tilespmem:s21+$0x86B0]  }
0x105: {  	v7, _, _ =	vpop (xrf2);
	[tilespmem:s13+$0x10400] =	vst v11;
	v11 =	vsel vm2, v43, v21;
	v21 =	vmul.f32 v12, v45;
	v15 =	vmax.f32 v58, v60;
	v58 =	vld [tilespmem:$0x1FFE0]  }
0x106: {  	v47 =	vnsel vm3, $0x0, v47;
	v36 =	vmul.f32 v57, v36;
	v7 =	vmul.f32 $1.442695020e+00, v7;
	v12 =	vld [tilespmem:s21+$0x6C0]  }
0x107: {  	v10 =	vpop (erf);
	v11 =	vsel vm1, v48, v11;
	v48 =	vld [tilespmem:s21+$0x86D0];
	(xrf2) =	vadd.scan.msk.f32 $0xffff, v21;
	v21 =	vbroadcast v52, $0xF;
	v52 =	vmul.f32 v15, v3  }
0x108: {  	[tilespmem:s21+$0x4E0] =	vst v34;
	v41 =	vmul.f32 v10, v41;
	(erf) = vpow2.f32 v0;
	v0 =	vadd.f32 v46, v9;
	v46 =	vld [tilespmem:s21+$0x86C0]  }
0x109: {  	v47 =	vsel vm2, v53, v47;
	v7 =	vbroadcast v7, $0xF;
	v15 =	vld [tilespmem:s21+$0x6D0];
	v60, _, _ =	vpop (xrf2);
	(erf) = vpow2.f32 v21;
	(xrf2) =	vadd.scan.msk.f32 $0xffff, v52  }
0x10a: {  	v34 =	vsel vm1, v57, v47;
	v8 =	vpop (erf);
	v60 =	vmul.f32 $1.442695020e+00, v60;
	[tilespmem:s21+$0x490] =	vst v58;
	v58 =	vmul.f32 $2.000000030e-01, v0  }
0x10b: {  	[tilespmem:s21+$0x4A0] =	vst v16;
	v42 =	vmul.f32 v8, v42;
	(erf) = vpow2.f32 v7;
	v7 =	vadd.f32 v56, v6  }
0x10c: {  	s0 =	sor.u32 $0x20, s4;
	v16 =	vld [tilespmem:s21+$0x6E0];
	[tilespmem:s21+$0x4B0] =	vst v17;
	v11 =	vsel vm0, v49, v11;
	v21 =	vbroadcast v60, $0xF;
	v0 =	vmax.f32 v0, v58  }
0x10d: {  	v55 =	vpop (erf);
	v49 =	vld [tilespmem:s21+$0x86E0];
	v46 =	vadd.f32 v46, v12;
	[tilespmem:s0+$0x10400] =	vst v61;
	v61 =	vmul.f32 $2.000000030e-01, v7;
	v0 =	vmul.f32 v0, v1  }
0x10e: {  	v17 =	vld [tilespmem:s21+$0x6F0];
	[tilespmem:s21+$0x4C0] =	vst v19;
	v43 =	vmul.f32 v55, v54;
	v48 =	vadd.f32 v48, v15;
	(erf) = vpow2.f32 v21;
	v58, _, _ =	vpop (xrf2)  }
0x10f: {  	v21 =	vld [tilespmem:s21+$0x86F0];
	v7 =	vmax.f32 v7, v61;
	v60 =	vmul.f32 $1.442695020e+00, v58;
	(xrf2) =	vadd.scan.msk.f32 $0xffff, v0;
	v0 =	vmul.f32 $2.000000030e-01, v46  }
0x110: {  	v19 =	vld [tilespmem:s21+$0x700];
	[tilespmem:s21+$0x4F0] =	vst v33;
	v33 =	vsel vm0, v62, v34;
	v61 =	vmul.f32 $2.000000030e-01, v48;
	v7 =	vmul.f32 v7, v2;
	v58, _, _ =	vpop (xrf2)  }
0x111: {  	v56, _, _ =	vpop (xrf2);
	v52 =	vbroadcast v60, $0xF;
	v60 =	vmul.f32 $1.442695020e+00, v58;
	v0 =	vmax.f32 v46, v0;
	v46 =	vld [tilespmem:s21+$0x8700]  }
0x112: {  	[tilespmem:s21+$0x4D0] =	vst v20;
	v20 =	vld [tilespmem:s21+$0x710];
	v57 =	vadd.f32 v49, v16;
	s0 =	sor.u32 $0x30, s4;
	v58 =	vmul.f32 $1.442695020e+00, v56;
	v0 =	vmul.f32 v0, v45  }
0x113: {  	v53 =	vld [tilespmem:s21+$0x8720];
	[tilespmem:s0+$0x10400] =	vst v27;
	(xrf2) =	vadd.scan.msk.f32 $0xffff, v7;
	v62, _, _ =	vpop (xrf2);
	(erf) = vpow2.f32 v52;
	v52 =	vbroadcast v60, $0xF  }
0x114: {  	v60 =	vadd.f32 v21, v17;
	v27 =	vmul.f32 $1.442695020e+00, v62;
	(xrf2) =	vadd.scan.msk.f32 $0xffff, v0;
	v0 =	vmax.f32 v48, v61;
	v48 =	vld [tilespmem:s21+$0x8710]  }
0x115: {  	v21 =	vld [tilespmem:s21+$0x720];
	v61 =	vmul.f32 $2.000000030e-01, v57;
	v0 =	vmul.f32 v0, v3  }
0x116: {  	(erf) = vpow2.f32 v52;
	v56 =	vmul.f32 $2.000000030e-01, v60;
	v46 =	vadd.f32 v46, v19  }
0x117: {  	v54 =	vbroadcast v27, $0xF;
	(xrf2) =	vadd.scan.msk.f32 $0xffff, v0;
	v0 =	vmax.f32 v57, v61;
	v57 =	vbroadcast v58, $0xF  }
0x118: {  	[tilespmem:s21+$0x510] =	vst v23;
	v23 =	vld [tilespmem:s21+$0x730];
	v58 =	vmax.f32 v60, v56;
	v0 =	vmul.f32 v0, v1;
	v60 =	vmul.f32 $2.000000030e-01, v46  }
0x119: {  	[tilespmem:s21+$0x500] =	vst v28;
	v34 =	vld [tilespmem:s21+$0x8730];
	v28 =	vmul.f32 v58, v2;
	(erf) = vpow2.f32 v57;
	v61, _, _ =	vpop (xrf2);
	v62 =	vadd.f32 v48, v20  }
0x11a: {  	v27 =	vld [tilespmem:s21+$0x740];
	v57 =	vadd.f32 v53, v21;
	v7 =	vmul.f32 $1.442695020e+00, v61;
	(xrf2) =	vadd.scan.msk.f32 $0xffff, v0;
	v0 =	vmax.f32 v46, v60  }
0x11b: {  	[tilespmem:s21+$0x520] =	vst v24;
	v48 =	vld [tilespmem:s21+$0x8740];
	(erf) = vpow2.f32 v54;
	v0 =	vmul.f32 v0, v45  }
0x11c: {  	v49 =	vpop (erf);
	v58 =	vnsel vm3, $0x0, v51;
	(xrf2) =	vadd.scan.msk.f32 $0xffff, v28;
	v56 =	vmul.f32 $2.000000030e-01, v62;
	v61 =	vmul.f32 $2.000000030e-01, v57  }
0x11d: {  	v24 =	vsel vm2, v50, v58;
	v7 =	vbroadcast v7, $0xF;
	v60, _, _ =	vpop (xrf2);
	(xrf2) =	vadd.scan.msk.f32 $0xffff, v0;
	v0 =	vmul.f32 v49, v29  }
0x11e: {  	[tilespmem:s21+$0x540] =	vst v22;
	v28 =	vmax.f32 v62, v56;
	v62 =	vld [tilespmem:$0x1FFF0];
	v53 =	vmax.f32 v57, v61;
	v54 =	vmul.f32 $1.442695020e+00, v60  }
0x11f: {  	v22 =	vld [tilespmem:s21+$0x750];
	[tilespmem:s21+$0x550] =	vst v26;
	v56 =	vadd.f32 v34, v23;
	(erf) = vpow2.f32 v7;
	v52, _, _ =	vpop (xrf2);
	v28 =	vmul.f32 v28, v3  }
0x120: {  	[tilespmem:s21+$0x560] =	vst v36;
	v29 =	vpop (erf);
	v60 =	vadd.f32 v48, v27;
	v48 =	vld [tilespmem:s21+$0x8750];
	v7 =	vmul.f32 $1.442695020e+00, v52;
	v57 =	vbroadcast v54, $0xF  }
0x121: {  	[tilespmem:s21+$0x570] =	vst v63;
	v24 =	vsel vm1, v44, v24;
	v47 =	vmul.f32 v29, v25;
	v61 =	vmul.f32 $2.000000030e-01, v56  }
0x122: {  	v4 =	vsel vm0, v4, v24;
	v24 =	vld [tilespmem:s21+$0x760];
	(xrf2) =	vadd.scan.msk.f32 $0xffff, v28;
	v7 =	vbroadcast v7, $0xF;
	v58, _, _ =	vpop (xrf2);
	(erf) = vpow2.f32 v57  }
0x123: {  	s0 =	sor.u32 $0x40, s4;
	v52 =	vld [tilespmem:s21+$0x8760];
	[tilespmem:s21+$0x530] =	vst v62;
	v28 =	vmul.f32 $1.442695020e+00, v58;
	v62 =	vmul.f32 $2.000000030e-01, v60  }
0x124: {  	[tilespmem:s0+$0x10400] =	vst v11;
	v11 =	vmul.f32 v53, v1;
	(erf) = vpow2.f32 v7;
	s0 =	sor.u32 $0x50, s4  }
0x125: {  	v57 =	vadd.f32 v48, v22;
	v44 =	vbroadcast v28, $0xF;
	v46, _, _ =	vpop (xrf2);
	v34 =	vmax.f32 v60, v62;
	[tilespmem:s0+$0x10400] =	vst v33  }
0x126: {  	v25 =	vld [tilespmem:s21+$0x770];
	v33 =	vpop (erf);
	(xrf2) =	vadd.scan.msk.f32 $0xffff, v11;
	v11 =	vmax.f32 v56, v61;
	v50 =	vmul.f32 $1.442695020e+00, v46;
	v34 =	vmul.f32 v34, v45  }
0x127: {  	[tilespmem:s21+$0x580] =	vst v35;
	v51, _, _ =	vpop (xrf2);
	v56 =	vld [tilespmem:s21+$0x8770];
	v35 =	vmul.f32 v33, v18;
	v11 =	vmul.f32 v11, v2  }
0x128: {  	v63 =	vld [tilespmem:s21+$0x8790];
	v36 =	vadd.f32 v52, v24;
	v61 =	vmul.f32 $2.000000030e-01, v57;
	v26 =	vmul.f32 $1.442695020e+00, v51  }
0x129: {  	v10 =	vnsel vm3, $0x0, v10;
	v60 =	vld [tilespmem:s21+$0x8780];
	(erf) = vpow2.f32 v44;
	v53 =	vbroadcast v50, $0xF;
	v54, _, _ =	vpop (xrf2);
	(xrf2) =	vadd.scan.msk.f32 $0xffff, v11  }
0x12a: {  	v8 =	vsel vm2, v8, v10;
	v18 =	vld [tilespmem:s21+$0x780];
	v52 =	vmul.f32 $2.000000030e-01, v36;
	v10 =	vmul.f32 $1.442695020e+00, v54;
	(xrf2) =	vadd.scan.msk.f32 $0xffff, v34  }
0x12b: {  	[tilespmem:s21+$0x590] =	vst v37;
	v8 =	vsel vm1, v55, v8;
	v26 =	vbroadcast v26, $0xF;
	v11 =	vpop (erf);
	(erf) = vpow2.f32 v53;
	v53 =	vld [tilespmem:s21+$0x87A0]  }
0x12c: {  	[tilespmem:s21+$0x5B0] =	vst v39;
	v10 =	vbroadcast v10, $0xF;
	v58, _, _ =	vpop (xrf2);
	v34 =	vadd.f32 v56, v25;
	v39 =	vmul.f32 v11, v14;
	v14 =	vld [tilespmem:s21+$0x790]  }
0x12d: {  	[tilespmem:s21+$0x5A0] =	vst v38;
	v8 =	vsel vm0, v49, v8;
	v44 =	vpop (erf);
	(erf) = vpow2.f32 v26;
	v26 =	vmul.f32 $1.442695020e+00, v58;
	v58 =	vld [tilespmem:s21+$0x87B0]  }
0x12e: {  	[tilespmem:s21+$0x5D0] =	vst v42;
	s0 =	sor.u32 $0x60, s4;
	v7 =	vmax.f32 v57, v61;
	v42 =	vmul.f32 v44, v13;
	v55 =	vmul.f32 $2.000000030e-01, v34;
	v13 =	vld [tilespmem:s21+$0x7B0]  }
0x12f: {  	v29 =	vnsel vm3, $0x0, v29;
	[tilespmem:s0+$0x10400] =	vst v4;
	v7 =	vmul.f32 v7, v3;
	v37 =	vpop (erf);
	v4 =	vbroadcast v26, $0xF;
	v26 =	vld [tilespmem:s21+$0x7A0]  }
0x130: {  	v54 =	vmax.f32 v36, v52;
	(erf) = vpow2.f32 v10;
	v34 =	vmax.f32 v34, v55;
	v62, _, _ =	vpop (xrf2)  }
0x131: {  	[tilespmem:s21+$0x5C0] =	vst v41;
	v41 =	vpop (erf);
	(erf) = vpow2.f32 v4;
	v4 =	vadd.f32 v60, v18;
	v10 =	vmul.f32 $1.442695020e+00, v62  }
0x132: {  	(xrf2) =	vadd.scan.msk.f32 $0xffff, v7;
	v7 =	vmul.f32 v54, v1;
	v38 =	vadd.f32 v63, v14;
	v62 =	vmul.f32 v34, v2  }
0x133: {  	[tilespmem:s21+$0x5F0] =	vst v0;
	v28 =	vld [tilespmem:s21+$0x7C0];
	v57 =	vmul.f32 $2.000000030e-01, v4;
	v54 =	vadd.f32 v58, v13;
	v10 =	vbroadcast v10, $0xF;
	v56, _, _ =	vpop (xrf2)  }
0x134: {  	v63 =	vld [tilespmem:s21+$0x87C0];
	(xrf2) =	vadd.scan.msk.f32 $0xffff, v7;
	v50 =	vmul.f32 $2.000000030e-01, v38;
	v51 =	vadd.f32 v53, v26;
	v0 =	vmul.f32 $1.442695020e+00, v56;
	v60, _, _ =	vpop (xrf2)  }
0x135: {  	v4 =	vmax.f32 v4, v57;
	v56 =	vmul.f32 $2.000000030e-01, v54;
	v61 =	vmul.f32 $1.442695020e+00, v60  }
0x136: {  	v29 =	vsel vm2, v33, v29;
	v49 =	vpop (erf);
	(xrf2) =	vadd.scan.msk.f32 $0xffff, v62;
	v4 =	vmul.f32 v4, v45;
	(erf) = vpow2.f32 v10  }
0x137: {  	[tilespmem:s21+$0x600] =	vst v47;
	v46 =	vsel vm1, v11, v29;
	v53 =	vmul.f32 $2.000000030e-01, v51;
	v0 =	vbroadcast v0, $0xF  }
0x138: {  	v52 =	vpop (erf);
	v10 =	vmax.f32 v54, v56;
	v7 =	vbroadcast v61, $0xF;
	(xrf2) =	vadd.scan.msk.f32 $0xffff, v4;
	v4 =	vmax.f32 v38, v50  }
0x139: {  	v47 =	vld [tilespmem:s21+$0x87F0];
	[tilespmem:s21+$0x610] =	vst v35;
	v35 =	vpop (erf);
	v10 =	vmul.f32 v10, v2;
	(erf) = vpow2.f32 v0;
	v0 =	vadd.f32 v63, v28  }
0x13a: {  	[tilespmem:s21+$0x5E0] =	vst v43;
	s0 =	sor.u32 $0x70, s4;
	v57 =	vld [tilespmem:s21+$0x87D0];
	v55 =	vmax.f32 v51, v53;
	v29 =	vmul.f32 v4, v3;
	(erf) = vpow2.f32 v7  }
0x13b: {  	[tilespmem:s0+$0x10400] =	vst v8;
	v8 =	vsel vm0, v44, v46;
	v4 =	vld [tilespmem:s21+$0x7D0];
	v7 =	vmul.f32 v55, v1;
	v61 =	vmul.f32 $2.000000030e-01, v0  }
0x13c: {  	v32 =	vmul.f32 v37, v32;
	[tilespmem:s21+$0x620] =	vst v39;
	v31 =	vmul.f32 v41, v31;
	v62 =	vld [tilespmem:s21+$0x87E0];
	(xrf2) =	vadd.scan.msk.f32 $0xffff, v29  }
0x13d: {  	v58 =	vnsel vm3, $0x0, v37;
	v63 =	vmul.f32 v49, v5;
	v60, _, _ =	vpop (xrf2);
	v29 =	vld [tilespmem:s21+$0x7E0];
	(xrf2) =	vadd.scan.msk.f32 $0xffff, v7;
	v0 =	vmax.f32 v0, v61  }
0x13e: {  	s0 =	sor.u32 $0x80, s4;
	[tilespmem:s21+$0x630] =	vst v42;
	v43 =	vsel vm2, v41, v58;
	v5 =	vld [tilespmem:s21+$0x7F0];
	v37 =	vmul.f32 $1.442695020e+00, v60;
	v46, _, _ =	vpop (xrf2);
	v0 =	vmul.f32 v0, v45  }
0x13f: {  	[tilespmem:s0+$0x10400] =	vst v8;
	v48 =	vmul.f32 v52, v40;
	v8 =	vsel vm1, v49, v43;
	(xrf2) =	vadd.scan.msk.f32 $0xffff, v10;
	v10 =	vpop (erf)  }
0x140: {  	v49 =	vmul.f32 v35, v59;
	v44 =	vbroadcast v37, $0xF;
	v50, _, _ =	vpop (xrf2);
	(xrf2) =	vadd.scan.msk.f32 $0xffff, v0;
	v0 =	vadd.f32 v57, v4  }
0x141: {  	v8 =	vsel vm0, v52, v8;
	v37 =	vmul.f32 $1.442695020e+00, v46;
	v40 =	vmul.f32 v10, v30  }
0x142: {  	[tilespmem:s21+$0x640] =	vst v32;
	v54 =	vpop (erf);
	v53 =	vmul.f32 $1.442695020e+00, v50;
	v56 =	vadd.f32 v62, v29;
	v55 =	vmul.f32 $2.000000030e-01, v0  }
0x143: {  	[tilespmem:s21+$0x650] =	vst v31;
	v58 =	vadd.f32 v47, v5;
	v9 =	vmul.f32 v54, v9;
	(erf) = vpow2.f32 v44;
	v62 =	vpop (erf)  }
0x144: {  	[tilespmem:s21+$0x670] =	vst v48;
	v52 =	vbroadcast v37, $0xF;
	v42 =	vpop (erf);
	v61 =	vmul.f32 $2.000000030e-01, v56;
	v0 =	vmax.f32 v0, v55  }
0x145: {  	[tilespmem:s21+$0x660] =	vst v63;
	v63 =	vmul.f32 $2.000000030e-01, v58;
	v51, _, _ =	vpop (xrf2);
	v0 =	vmul.f32 v0, v3  }
0x146: {  	s0 =	sor.u32 $0x90, s4;
	[tilespmem:s21+$0x680] =	vst v49;
	v57 =	vbroadcast v53, $0xF;
	v6 =	vmul.f32 v62, v6;
	v41 =	vmax.f32 v56, v61;
	v59, _, _ =	vpop (xrf2)  }
0x147: {  	[tilespmem:s0+$0x10400] =	vst v8;
	v34 =	vmul.f32 $1.442695020e+00, v51;
	v43, _, _ =	vpop (xrf2);
	(xrf2) =	vadd.scan.msk.f32 $0xffff, v0;
	v0 =	vmul.f32 v41, v1  }
0x148: {  	[tilespmem:s21+$0x690] =	vst v40;
	(erf) = vpow2.f32 v52;
	v44 =	vmax.f32 v58, v63;
	v52 =	vmul.f32 v42, v12  }
0x149: {  	v30 =	vmul.f32 v44, v2;
	v60 =	vbroadcast v34, $0xF;
	v48, _, _ =	vpop (xrf2);
	(xrf2) =	vadd.scan.msk.f32 $0xffff, v0;
	v0 =	vnsel vm3, $0x0, v35  }
0x14a: {  	[tilespmem:s21+$0x6A0] =	vst v9;
	v46 =	vpop (erf);
	(erf) = vpow2.f32 v57;
	v47 =	vmul.f32 $1.442695020e+00, v59;
	v0 =	vsel vm2, v10, v0  }
0x14b: {  	v53 =	vmul.f32 v46, v15;
	(erf) = vpow2.f32 v60;
	v50, _, _ =	vpop (xrf2);
	(xrf2) =	vadd.scan.msk.f32 $0xffff, v30;
	v0 =	vsel vm1, v54, v0  }
0x14c: {  	s0 =	sor.u32 $0xA0, s4;
	v51 =	vpop (erf);
	[tilespmem:s21+$0x6B0] =	vst v6;
	v49 =	vmul.f32 $1.442695020e+00, v43;
	v7 =	vbroadcast v47, $0xF;
	v0 =	vsel vm0, v62, v0  }
0x14d: {  	v58 =	vnsel vm3, $0x0, v42;
	v60 =	vmul.f32 $1.442695020e+00, v48;
	v54 =	vpop (erf);
	[tilespmem:s0+$0x10400] =	vst v0;
	v0 =	vmul.f32 v51, v16  }
0x14e: {  	v9 =	vsel vm2, v46, v58;
	v55 =	vbroadcast v49, $0xF;
	(erf) = vpow2.f32 v7;
	v56 =	vpop (erf)  }
0x14f: {  	v7 =	vbroadcast v60, $0xF;
	v11 =	vmul.f32 $1.442695020e+00, v50;
	v59 =	vpop (erf);
	[tilespmem:s21+$0x6E0] =	vst v0;
	v0 =	vsel vm1, v51, v9  }
0x150: {  	[tilespmem:s21+$0x6C0] =	vst v52;
	v57 =	vmul.f32 v54, v17;
	(erf) = vpow2.f32 v55;
	v61 =	vpop (erf);
	v0 =	vsel vm0, v54, v0  }
0x151: {  	[tilespmem:s21+$0x6D0] =	vst v53;
	v62 =	vmul.f32 v56, v19;
	v35 =	vbroadcast v11, $0xF;
	v31 =	vpop (erf)  }
0x152: {  	s0 =	sor.u32 $0xB0, s4;
	v63 =	vmul.f32 v59, v20;
	[tilespmem:s21+$0x6F0] =	vst v57;
	(erf) = vpow2.f32 v7;
	v32, _, _ =	vpop (xrf2)  }
0x153: {  	v33 =	vmul.f32 v61, v21;
	v34 =	vmul.f32 v31, v23;
	[tilespmem:s0+$0x10400] =	vst v0;
	v0 =	vpop (erf)  }
0x154: {  	v8 =	vnsel vm3, $0x0, v56;
	[tilespmem:s21+$0x700] =	vst v62;
	v19 =	vmul.f32 $1.442695020e+00, v32;
	v36, _, _ =	vpop (xrf2);
	(erf) = vpow2.f32 v35  }
0x155: {  	v8 =	vsel vm2, v59, v8;
	[tilespmem:s21+$0x710] =	vst v63;
	v37 =	vmul.f32 v0, v27;
	v38 =	vmul.f32 $1.442695020e+00, v36;
	v39, _, _ =	vpop (xrf2)  }
0x156: {  	v40 =	vsel vm1, v61, v8;
	[tilespmem:s21+$0x720] =	vst v33;
	v41 =	vpop (erf);
	v42 =	vbroadcast v19, $0xF;
	v11 =	vmul.f32 $1.442695020e+00, v39  }
0x157: {  	v6 =	vsel vm0, v31, v40;
	s0 =	sor.u32 $0xC0, s4;
	[tilespmem:s21+$0x730] =	vst v34;
	v43 =	vmul.f32 v41, v22;
	v7 =	vbroadcast v38, $0xF  }
0x158: {  	[tilespmem:s0+$0x10400] =	vst v6;
	v44 =	vpop (erf);
	(erf) = vpow2.f32 v42;
	v46 =	vbroadcast v11, $0xF  }
0x159: {  	v0 =	vnsel vm3, $0x0, v0;
	[tilespmem:s21+$0x740] =	vst v37;
	v47 =	vmul.f32 v44, v24;
	v48 =	vpop (erf);
	(erf) = vpow2.f32 v7  }
0x15a: {  	v0 =	vsel vm2, v41, v0;
	[tilespmem:s21+$0x750] =	vst v43;
	v49 =	vmul.f32 v48, v25;
	(erf) = vpow2.f32 v46  }
0x15b: {  	v0 =	vsel vm1, v44, v0;
	v50 =	vpop (erf);
	[tilespmem:s21+$0x760] =	vst v47  }
0x15c: {  	s0 =	sor.u32 $0xD0, s4;
	v0 =	vsel vm0, v48, v0;
	v51 =	vpop (erf);
	v52 =	vmul.f32 v50, v18;
	[tilespmem:s21+$0x770] =	vst v49  }
0x15d: {  	v53 =	vpop (erf);
	[tilespmem:s0+$0x10400] =	vst v0;
	v0 =	vmul.f32 v51, v14  }
0x15e: {  	v55 =	vnsel vm3, $0x0, v50;
	v54 =	vpop (erf);
	[tilespmem:s21+$0x780] =	vst v52;
	v56 =	vmul.f32 v53, v26  }
0x15f: {  	v57 =	vmul.f32 v54, v13;
	[tilespmem:s21+$0x790] =	vst v0;
	v0 =	vsel vm2, v51, v55  }
0x160: {  	v58 =	vpop (erf);
	[tilespmem:s21+$0x7A0] =	vst v56;
	v0 =	vsel vm1, v53, v0  }
0x161: {  	s0 =	sor.u32 $0xE0, s4;
	[tilespmem:s21+$0x7B0] =	vst v57;
	v60 =	vmul.f32 v58, v28;
	v0 =	vsel vm0, v54, v0;
	v59 =	vpop (erf)  }
0x162: {  	p0 =	slt.u32 s19, $0xF0;
	[tilespmem:s0+$0x10400] =	vst v0;
	v0 =	vmul.f32 v59, v4;
	v61 =	vpop (erf)  }
.Ltmp0:
0x163: {  	[tilespmem:s21+$0x7C0] =	vst v60;
	v4 =	vnsel vm3, $0x0, v58;
	v62 =	vmul.f32 v61, v29;
	v63 =	vpop (erf);
	(pc) =	sbr.rel @p0 .LBB2_3-.Ltmp0, $4  }
0x164: {  	[tilespmem:s21+$0x7D0] =	vst v0;
	v0 =	vsel vm2, v59, v4;
	v4 =	vmul.f32 v63, v5  }
0x165: {  	v0 =	vsel vm1, v61, v0;
	[tilespmem:s21+$0x7E0] =	vst v62  }
0x166: {  	s4 =	sor.u32 $0xF0, s4;
	v0 =	vsel vm0, v63, v0;
	[tilespmem:s21+$0x7F0] =	vst v4;
	s21 =	sadd.s32 $0x10, s19  }
0x167: {  	[tilespmem:s4+$0x10400] =	vst v0;
	s19 =	smov.u32 s21  }
0x168: {  	s0 =	simm.s32 $0x400  }
0x169: {  	[spmem:s1] =	stream.indirect.scatter.add.f32 [tilespmem:s0], [sflag:$0x3], $0x40, s29, s30, $0xb8;
	[tilespmem:$0x1E9C0] =	vst v63  }
0x16a: {  	s19 =	simm.s32 $0x10400  }
0x16b: {  	[spmem:s2] =	stream.indirect.scatter.add.f32 [tilespmem:s19], [sflag:$0x3], $0x10, s29, s30, $0xb8;
	[tilespmem:$0x1E9C0] =	vst v63  }
0x16c: {  	_ = 	snop  }
0x16d: {  	[spmem:s1] =	stream.indirect.scatter.add.f32 [tilespmem:s28], [sflag:$0x3], $0x40, s31, s30, $0xb8;
	[tilespmem:$0x1E9C0] =	vst v63  }
0x16e: {  	s21 =	simm.s32 $0x10C00  }
0x16f: {  	[spmem:s2] =	stream.indirect.scatter.add.f32 [tilespmem:s21], [sflag:$0x3], $0x10, s31, s30, $0xb8;
	[tilespmem:$0x1E9C0] =	vst v63  }
0x170: {  	_ =	swait.ge [sflag:s22], $0x2000  }
0x171: {  	[sflag:s22] =	ssyncset.done $0x0  }
0x172: {  	[sflag:s22] =	ssyncadd.s32 $0xFFFFE000  }
0x173: {  	_ =	swait.ge [sflag:s22], $0x800  }
0x174: {  	[sflag:s22] =	ssyncset.done $0x0  }
0x175: {  	[sflag:s22] =	ssyncadd.s32 $0xFFFFF800  }
0x176: {  	_ =	swait.ge [sflag:s22], $0x2000  }
0x177: {  	p0 =	seq.s32 s15, $0x27;
	[sflag:s22] =	ssyncset.done $0x0  }
0x178: {  	s4 =	sadd.s32 @!p0 $0x200, s17;
	[sflag:s22] =	ssyncadd.s32 $0xFFFFE000  }
0x179: {  	s13 =	sadd.s32 @!p0 s11, s4;
	_ =	swait.ge [sflag:s22], $0x800  }
0x17a: {  	s13 =	sshrl.u32 @!p0 s13, $0x3;
	[sflag:s22] =	ssyncset.done $0x0  }
0x17b: {  	s19 =	simm.s32 @!p0 $0x0;
	s17 =	sadd.s32 @!p0 s7, s13;
	[sflag:s22] =	ssyncadd.s32 $0xFFFFF800  }
0x17c: {  	[tilespmem:s19], [sflag:$0x5] =	stream.linear.gather @!p0 [hbm4b:s17+s19], $0x80, $0x38;
	[tilespmem:$0x1E9C0] =	vst v63  }
0x17d: {  	s17 =	simm.s32 @!p0 $0x5  }
0x17e: {  	_ =	swait.ge @!p0 [sflag:s17], $0x80  }
0x17f: {  	[sflag:s17] =	ssyncset.done @!p0 $0x0  }
0x180: {  	s13 =	sadd.s32 @!p0 s8, s13;
	s21 =	simm.s32 @!p0 $0x100;
	[sflag:s17] =	ssyncadd.s32 @!p0 $0xFFFFFF80  }
0x181: {  	[tilespmem:s21], [sflag:$0x5] =	stream.linear.gather @!p0 [hbm4b:s13+s19], $0x80, $0x38;
	[tilespmem:$0x1E9C0] =	vst v63  }
0x182: {  	s4 =	sadd.s32 @!p0 s4, s25;
	_ =	swait.ge @!p0 [sflag:s17], $0x80  }
0x183: {  	s4 =	sshrl.u32 @!p0 s4, $0x3;
	[sflag:s17] =	ssyncset.done @!p0 $0x0  }
0x184: {  	s0 =	simm.s32 @!p0 $0x80;
	s13 =	sadd.s32 @!p0 s7, s4;
	[sflag:s17] =	ssyncadd.s32 @!p0 $0xFFFFFF80  }
0x185: {  	[tilespmem:s0], [sflag:$0x5] =	stream.linear.gather @!p0 [hbm4b:s13+s19], $0x80, $0x38;
	[tilespmem:$0x1E9C0] =	vst v63  }
0x186: {  	_ =	swait.ge @!p0 [sflag:s17], $0x80  }
0x187: {  	[sflag:s17] =	ssyncset.done @!p0 $0x0  }
0x188: {  	s4 =	sadd.s32 @!p0 s8, s4;
	s13 =	simm.s32 @!p0 $0x180;
	[sflag:s17] =	ssyncadd.s32 @!p0 $0xFFFFFF80  }
0x189: {  	[tilespmem:s13], [sflag:$0x5] =	stream.linear.gather @!p0 [hbm4b:s4+s19], $0x80, $0x38;
	[tilespmem:$0x1E9C0] =	vst v63  }
0x18a: {  	_ =	swait.ge @!p0 [sflag:s17], $0x80  }
0x18b: {  	[sflag:s17] =	ssyncset.done @!p0 $0x0  }
0x18c: {  	s4 =	simm.s32 @!p0 $0x400;
	[sflag:s17] =	ssyncadd.s32 @!p0 $0xFFFFFF80  }
0x18d: {  	[tilespmem:s4], [sflag:$0x1] =	stream.indirect.gather @!p0 [hbm4b:s5+s0], $0x40, s19, s0, $0xb8;
	[tilespmem:$0x1E9C0] =	vst v63  }
0x18e: {  	s4 =	simm.s32 @!p0 $0x8400  }
0x18f: {  	[tilespmem:s4], [sflag:$0x1] =	stream.indirect.gather @!p0 [hbm4b:s6+s0], $0x40, s21, s0, $0xb8;
	[tilespmem:$0x1E9C0] =	vst v63  }
0x190: {  	s4 =	simm.s32 @!p0 $0x2400  }
0x191: {  	[tilespmem:s4], [sflag:$0x1] =	stream.indirect.gather @!p0 [hbm4b:s5+s0], $0x40, s0, s0, $0xb8;
	[tilespmem:$0x1E9C0] =	vst v63  }
0x192: {  	s4 =	simm.s32 @!p0 $0xA400  }
0x193: {  	[tilespmem:s4], [sflag:$0x1] =	stream.indirect.gather @!p0 [hbm4b:s6+s0], $0x40, s13, s0, $0xb8;
	[tilespmem:$0x1E9C0] =	vst v63  }
0x194: {  	_ =	swait.ge [sflag:s23], $0x2000  }
0x195: {  	[sflag:s23] =	ssyncset.done $0x0  }
0x196: {  	[sflag:s23] =	ssyncadd.s32 $0xFFFFE000  }
0x197: {  	_ =	swait.ge [sflag:s23], $0x2000  }
0x198: {  	[sflag:s23] =	ssyncset.done $0x0  }
0x199: {  	[sflag:s23] =	ssyncadd.s32 $0xFFFFE000  }
0x19a: {  	_ =	swait.ge [sflag:s23], $0x2000  }
0x19b: {  	[sflag:s23] =	ssyncset.done $0x0  }
0x19c: {  	[sflag:s23] =	ssyncadd.s32 $0xFFFFE000  }
0x19d: {  	_ =	swait.ge [sflag:s23], $0x2000  }
0x19e: {  	[sflag:s23] =	ssyncset.done $0x0  }
0x19f: {  	s17 =	simm.s32 $0x0;
	[sflag:s23] =	ssyncadd.s32 $0xFFFFE000  }
.LBB2_5:
0x1a0: {  	s19 =	sshll.u32 s17, $0x6  }
0x1a1: {  	v0 =	vld [tilespmem:s19+$0x4400]  }
0x1a2: {  	v4 =	vld [tilespmem:s19+$0xC400]  }
0x1a3: {  	v7 =	vld [tilespmem:s19+$0x4410]  }
0x1a4: {  	v5 =	vld [tilespmem:s19+$0xC410];
	_ =	sdelay $0x2  }
0x1a5: {  	v4 =	vadd.f32 v4, v0  }
0x1a6: {  	v9 =	vld [tilespmem:s19+$0x4420]  }
0x1a7: {  	v8 =	vld [tilespmem:s19+$0xC420];
	v5 =	vadd.f32 v5, v7;
	v6 =	vmul.f32 $2.000000030e-01, v4;
	_ =	sdelay $0x1  }
0x1a8: {  	v58 =	vmul.f32 $2.000000030e-01, v5;
	v4 =	vmax.f32 v4, v6  }
0x1a9: {  	v4 =	vmul.f32 v4, v45  }
0x1aa: {  	v5 =	vmax.f32 v5, v58  }
0x1ab: {  	(xrf2) =	vadd.scan.msk.f32 $0xffff, v4;
	v4 =	vmul.f32 v5, v3;
	v5 =	vadd.f32 v8, v9  }
0x1ac: {  	v12 =	vld [tilespmem:s19+$0x4430]  }
0x1ad: {  	v59 =	vld [tilespmem:s19+$0xC430];
	(xrf2) =	vadd.scan.msk.f32 $0xffff, v4;
	v4 =	vmul.f32 $2.000000030e-01, v5  }
0x1ae: {  	v11 =	vld [tilespmem:s19+$0x4440]  }
0x1af: {  	v13 =	vld [tilespmem:s19+$0xC440];
	v4 =	vmax.f32 v5, v4  }
0x1b0: {  	v14 =	vld [tilespmem:s19+$0xC460];
	v4 =	vmul.f32 v4, v1  }
0x1b1: {  	v6 =	vld [tilespmem:s19+$0x4450]  }
0x1b2: {  	v8 =	vadd.f32 v59, v12;
	(xrf2) =	vadd.scan.msk.f32 $0xffff, v4;
	v4 =	vld [tilespmem:s19+$0xC450]  }
0x1b3: {  	v5 =	vld [tilespmem:s19+$0x4460]  }
0x1b4: {  	v18 =	vld [tilespmem:s19+$0xC470];
	v16 =	vmul.f32 $2.000000030e-01, v8  }
0x1b5: {  	v21 =	vld [tilespmem:s19+$0xC480];
	v13 =	vadd.f32 v13, v11;
	v10, _, _ =	vpop (xrf2)  }
0x1b6: {  	v8 =	vmax.f32 v8, v16;
	v15 =	vmul.f32 $1.442695020e+00, v10;
	v10 =	vld [tilespmem:s19+$0x4470]  }
0x1b7: {  	v62 =	vld [tilespmem:s19+$0xC490];
	v20 =	vmul.f32 $2.000000030e-01, v13;
	v8 =	vmul.f32 v8, v2;
	v4 =	vadd.f32 v4, v6  }
0x1b8: {  	v14 =	vadd.f32 v14, v5;
	v17, _, _ =	vpop (xrf2);
	v19 =	vbroadcast v15, $0xF;
	v15 =	vld [tilespmem:s19+$0x4480]  }
0x1b9: {  	v61 =	vmax.f32 v13, v20;
	v16 =	vld [tilespmem:s19+$0x4490];
	(xrf2) =	vadd.scan.msk.f32 $0xffff, v8;
	v17 =	vmul.f32 $1.442695020e+00, v17;
	v63 =	vmul.f32 $2.000000030e-01, v4  }
0x1ba: {  	v22 =	vld [tilespmem:s19+$0xC4A0];
	v8 =	vmul.f32 v61, v45;
	v25 =	vmul.f32 $2.000000030e-01, v14  }
0x1bb: {  	v60 =	vbroadcast v17, $0xF;
	v17 =	vld [tilespmem:s19+$0x44A0];
	v18 =	vadd.f32 v18, v10;
	v4 =	vmax.f32 v4, v63  }
0x1bc: {  	(xrf2) =	vadd.scan.msk.f32 $0xffff, v8;
	v8 =	vmax.f32 v14, v25;
	(erf) = vpow2.f32 v19;
	v24, _, _ =	vpop (xrf2);
	v4 =	vmul.f32 v4, v3  }
0x1bd: {  	v30 =	vld [tilespmem:s19+$0x44B0];
	v19 =	vmul.f32 $1.442695020e+00, v24;
	v26 =	vmul.f32 $2.000000030e-01, v18;
	v21 =	vadd.f32 v21, v15  }
0x1be: {  	v27 =	vld [tilespmem:s19+$0xC4B0];
	v13 =	vadd.f32 v62, v16;
	(erf) = vpow2.f32 v60;
	(xrf2) =	vadd.scan.msk.f32 $0xffff, v4;
	v4 =	vmul.f32 v8, v1  }
0x1bf: {  	v19 =	vbroadcast v19, $0xF;
	v28 =	vmax.f32 v18, v26;
	v29 =	vmul.f32 $2.000000030e-01, v21  }
0x1c0: {  	v22 =	vadd.f32 v22, v17;
	v8 =	vmul.f32 v28, v2  }
0x1c1: {  	v31 =	vmul.f32 $2.000000030e-01, v13;
	(xrf2) =	vadd.scan.msk.f32 $0xffff, v4;
	(erf) = vpow2.f32 v19;
	v4 =	vmax.f32 v21, v29  }
0x1c2: {  	v42 =	vld [tilespmem:s19+$0x44C0];
	v33 =	vmul.f32 $2.000000030e-01, v22;
	(xrf2) =	vadd.scan.msk.f32 $0xffff, v8;
	v4 =	vmul.f32 v4, v45  }
0x1c3: {  	v35 =	vld [tilespmem:s19+$0xC4C0];
	v32 =	vmax.f32 v13, v31;
	v14 =	vadd.f32 v27, v30;
	v34, _, _ =	vpop (xrf2)  }
0x1c4: {  	v18 =	vmul.f32 $1.442695020e+00, v34;
	v8 =	vmul.f32 v32, v3;
	(xrf2) =	vadd.scan.msk.f32 $0xffff, v4;
	v4 =	vmax.f32 v22, v33  }
0x1c5: {  	v36 =	vmul.f32 $2.000000030e-01, v14;
	v22 =	vpop (erf);
	v4 =	vmul.f32 v4, v1  }
0x1c6: {  	v18 =	vbroadcast v18, $0xF;
	v19 =	vmov v2;
	(xrf2) =	vadd.scan.msk.f32 $0xffff, v8;
	v2 =	vmul.f32 v22, v0;
	v0, _, _ =	vpop (xrf2)  }
0x1c7: {  	v25 =	vld [tilespmem:s19+$0xC4E0];
	v0 =	vmul.f32 $1.442695020e+00, v0;
	(xrf2) =	vadd.scan.msk.f32 $0xffff, v4;
	v4 =	vmax.f32 v14, v36  }
0x1c8: {  	v37 =	vadd.f32 v35, v42;
	(erf) = vpow2.f32 v18;
	v26 =	vpop (erf);
	v14 =	vld [tilespmem:s19+$0x44E0];
	v4 =	vmul.f32 v4, v19  }
0x1c9: {  	v7 =	vmul.f32 v26, v7;
	v0 =	vbroadcast v0, $0xF;
	v38, _, _ =	vpop (xrf2)  }
0x1ca: {  	v28 =	vld [tilespmem:s19+$0x44D0];
	v18 =	vmul.f32 $1.442695020e+00, v38;
	v13 =	vpop (erf);
	(xrf2) =	vadd.scan.msk.f32 $0xffff, v4;
	v4 =	vmul.f32 $2.000000030e-01, v37  }
0x1cb: {  	v39, _, _ =	vpop (xrf2);
	(erf) = vpow2.f32 v0;
	v0 =	vld [tilespmem:s19+$0xC4D0];
	v9 =	vmul.f32 v13, v9  }
0x1cc: {  	v44 =	vld [tilespmem:s19+$0xC4F0];
	v18 =	vbroadcast v18, $0xF;
	v20 =	vmul.f32 $1.442695020e+00, v39;
	v40, _, _ =	vpop (xrf2);
	v4 =	vmax.f32 v37, v4  }
0x1cd: {  	v35 =	vld [tilespmem:s19+$0xC530];
	v29 =	vadd.f32 v25, v14;
	v21 =	vmul.f32 $1.442695020e+00, v40;
	v23 =	vmul.f32 v4, v45  }
0x1ce: {  	v31 =	vld [tilespmem:s19+$0xC510];
	(erf) = vpow2.f32 v18;
	v41 =	vbroadcast v20, $0xF  }
0x1cf: {  	v4 =	vld [tilespmem:s19+$0x44F0];
	v43, _, _ =	vpop (xrf2);
	v51 =	vmul.f32 $2.000000030e-01, v29;
	v21 =	vbroadcast v21, $0xF  }
0x1d0: {  	v25 =	vld [tilespmem:s19+$0x4510];
	v20 =	vmul.f32 $1.442695020e+00, v43;
	v24, _, _ =	vpop (xrf2);
	(erf) = vpow2.f32 v41;
	v0 =	vadd.f32 v0, v28  }
0x1d1: {  	v27 =	vld [tilespmem:s19+$0xC500];
	v46 =	vmul.f32 $1.442695020e+00, v24;
	(erf) = vpow2.f32 v21  }
0x1d2: {  	(xrf2) =	vadd.scan.msk.f32 $0xffff, v23;
	v24 =	vld [tilespmem:s19+$0x4500];
	v20 =	vbroadcast v20, $0xF;
	v47, _, _ =	vpop (xrf2);
	v48 =	vmul.f32 $2.000000030e-01, v0  }
0x1d3: {  	v33 =	vld [tilespmem:s19+$0xC520];
	v18 =	vbroadcast v46, $0xF;
	v21 =	vmul.f32 $1.442695020e+00, v47  }
0x1d4: {  	v43 =	vld [tilespmem:s19+$0xC550];
	v23 =	vadd.f32 v44, v4;
	(erf) = vpow2.f32 v20;
	v0 =	vmax.f32 v0, v48  }
0x1d5: {  	v34 =	vadd.f32 v31, v25;
	v44 =	vld [tilespmem:s19+$0x4550];
	(erf) = vpow2.f32 v18;
	v0 =	vmul.f32 v0, v3  }
0x1d6: {  	v20 =	vmax.f32 v29, v51;
	v29 =	vld [tilespmem:s19+$0x4530];
	v49 =	vbroadcast v21, $0xF;
	v50, _, _ =	vpop (xrf2);
	v32 =	vmul.f32 $2.000000030e-01, v23  }
0x1d7: {  	v31 =	vpop (erf);
	v18 =	vld [tilespmem:s19+$0x4520];
	v21 =	vmul.f32 $1.442695020e+00, v50;
	v53 =	vadd.f32 v27, v24;
	(xrf2) =	vadd.scan.msk.f32 $0xffff, v0;
	v0 =	vmul.f32 v20, v1  }
0x1d8: {  	v61 =	vmul.f32 $2.000000030e-01, v34;
	v27 =	vmul.f32 v31, v12  }
0x1d9: {  	v63 =	vld [tilespmem:s19+$0xC540];
	v52 =	vmax.f32 v23, v32;
	v21 =	vbroadcast v21, $0xF;
	(xrf2) =	vadd.scan.msk.f32 $0xffff, v0;
	v0 =	vmul.f32 $2.000000030e-01, v53  }
0x1da: {  	v50 =	vld [tilespmem:s19+$0x4540];
	(erf) = vpow2.f32 v49;
	v20 =	vmul.f32 v52, v19;
	v38 =	vadd.f32 v43, v44  }
0x1db: {  	v32 =	vpop (erf);
	v41 =	vadd.f32 v35, v29;
	(erf) = vpow2.f32 v21;
	v0 =	vmax.f32 v53, v0  }
0x1dc: {  	v60, _, _ =	vpop (xrf2);
	(xrf2) =	vadd.scan.msk.f32 $0xffff, v20;
	v12 =	vmul.f32 v32, v11;
	v33 =	vadd.f32 v33, v18;
	v0 =	vmul.f32 v0, v45  }
0x1dd: {  	v56 =	vpop (erf);
	v20 =	vmax.f32 v34, v61;
	v52 =	vmul.f32 $2.000000030e-01, v38;
	v21 =	vmul.f32 $1.442695020e+00, v60  }
0x1de: {  	v47 =	vpop (erf);
	v20 =	vmul.f32 v20, v3;
	(xrf2) =	vadd.scan.msk.f32 $0xffff, v0;
	v0 =	vmul.f32 $2.000000030e-01, v33  }
0x1df: {  	v23 =	vmul.f32 v56, v6;
	v36 =	vmul.f32 $2.000000030e-01, v41;
	v34 =	vadd.f32 v63, v50;
	v53 =	vpop (erf)  }
0x1e0: {  	v62 =	vbroadcast v21, $0xF;
	v51 =	vpop (erf);
	v21 =	vmul.f32 v47, v5;
	(xrf2) =	vadd.scan.msk.f32 $0xffff, v20;
	v0 =	vmax.f32 v33, v0  }
0x1e1: {  	v11 =	vmul.f32 v53, v10;
	v40 =	vpop (erf);
	v0 =	vmul.f32 v0, v1  }
0x1e2: {  	v49 =	vmul.f32 $2.000000030e-01, v34;
	v20 =	vmul.f32 v51, v15;
	v46, _, _ =	vpop (xrf2)  }
0x1e3: {  	v39 =	vld [tilespmem:s19+$0xC560];
	v15 =	vmul.f32 v40, v16;
	v5 =	vpop (erf);
	v33 =	vmul.f32 $1.442695020e+00, v46;
	(xrf2) =	vadd.scan.msk.f32 $0xffff, v0;
	v0 =	vmax.f32 v41, v36  }
0x1e4: {  	v35 =	vld [tilespmem:s19+$0x4570];
	v16 =	vmul.f32 v5, v17;
	v6 =	vpop (erf);
	v0 =	vmul.f32 v0, v19  }
0x1e5: {  	v34 =	vmax.f32 v34, v49;
	v48, _, _ =	vpop (xrf2);
	v36 =	vld [tilespmem:s19+$0x4560];
	v17 =	vmul.f32 v6, v30;
	v33 =	vbroadcast v33, $0xF  }
0x1e6: {  	v41 =	vld [tilespmem:s19+$0xC570];
	v37, _, _ =	vpop (xrf2);
	v30 =	vmul.f32 $1.442695020e+00, v48;
	(xrf2) =	vadd.scan.msk.f32 $0xffff, v0;
	v0 =	vmul.f32 v34, v45  }
0x1e7: {  	(erf) = vpow2.f32 v62;
	v37 =	vmul.f32 $1.442695020e+00, v37  }
0x1e8: {  	v61 =	vld [tilespmem:s19+$0xC580];
	(erf) = vpow2.f32 v33;
	v30 =	vbroadcast v30, $0xF;
	(xrf2) =	vadd.scan.msk.f32 $0xffff, v0;
	v0 =	vmax.f32 v38, v52  }
0x1e9: {  	v55 =	vbroadcast v37, $0xF;
	v37 =	vld [tilespmem:s19+$0x4580];
	v57, _, _ =	vpop (xrf2);
	v0 =	vmul.f32 v0, v3  }
0x1ea: {  	(erf) = vpow2.f32 v30;
	v39 =	vadd.f32 v39, v36;
	v58 =	vmul.f32 $1.442695020e+00, v57;
	v59, _, _ =	vpop (xrf2)  }
0x1eb: {  	(erf) = vpow2.f32 v55;
	v60 =	vmul.f32 $1.442695020e+00, v59;
	(xrf2) =	vadd.scan.msk.f32 $0xffff, v0;
	v0 =	vadd.f32 v41, v35  }
0x1ec: {  	v43 =	vld [tilespmem:s19+$0xC590];
	v63 =	vmul.f32 $2.000000030e-01, v39;
	v62 =	vbroadcast v58, $0xF  }
0x1ed: {  	v38 =	vld [tilespmem:s19+$0x4590];
	v30 =	vbroadcast v60, $0xF;
	v41 =	vmul.f32 $2.000000030e-01, v0  }
0x1ee: {  	[tilespmem:$0x1FF60] =	vst v7;
	v49 =	vld [tilespmem:s19+$0xC5A0];
	v46 =	vmax.f32 v39, v63;
	v48 =	vadd.f32 v61, v37;
	(erf) = vpow2.f32 v62;
	v7, _, _ =	vpop (xrf2)  }
0x1ef: {  	v39 =	vld [tilespmem:s19+$0x45A0];
	v33 =	vmul.f32 v46, v1;
	v8 =	vmul.f32 $1.442695020e+00, v7;
	v0 =	vmax.f32 v0, v41  }
0x1f0: {  	v59 =	vmul.f32 $2.000000030e-01, v48;
	v0 =	vmul.f32 v0, v19  }
0x1f1: {  	v22 =	vnsel vm3, $0x0, v22;
	v60 =	vld [tilespmem:s19+$0x45B0];
	(erf) = vpow2.f32 v30;
	(xrf2) =	vadd.scan.msk.f32 $0xffff, v33;
	v30 =	vbroadcast v8, $0xF;
	v57, _, _ =	vpop (xrf2)  }
0x1f2: {  	v63 =	vld [tilespmem:s19+$0xC5B0];
	v33 =	vmax.f32 v48, v59;
	v58 =	vmul.f32 $1.442695020e+00, v57;
	(xrf2) =	vadd.scan.msk.f32 $0xffff, v0;
	v0 =	vadd.f32 v43, v38  }
0x1f3: {  	v22 =	vsel vm2, v26, v22;
	v10 =	vpop (erf);
	v33 =	vmul.f32 v33, v45;
	(erf) = vpow2.f32 v30  }
0x1f4: {  	v41 =	vld [tilespmem:s19+$0x45C0];
	v48 =	vadd.f32 v49, v39;
	v62, _, _ =	vpop (xrf2);
	v26 =	vbroadcast v58, $0xF;
	v7 =	vmul.f32 $2.000000030e-01, v0  }
0x1f5: {  	v54 =	vmul.f32 v10, v42;
	v52 =	vpop (erf);
	v49 =	vld [tilespmem:s19+$0xC5C0];
	v30 =	vmul.f32 $1.442695020e+00, v62;
	(xrf2) =	vadd.scan.msk.f32 $0xffff, v33  }
0x1f6: {  	v42 =	vld [tilespmem:s19+$0x45D0];
	v61 =	vmul.f32 $2.000000030e-01, v48;
	(erf) = vpow2.f32 v26;
	v55, _, _ =	vpop (xrf2);
	v0 =	vmax.f32 v0, v7  }
0x1f7: {  	[tilespmem:$0x1FF70] =	vst v54;
	v54 =	vld [tilespmem:s19+$0xC5D0];
	v62 =	vadd.f32 v63, v60;
	v8 =	vbroadcast v30, $0xF;
	v58 =	vpop (erf);
	v0 =	vmul.f32 v0, v3  }
0x1f8: {  	v13 =	vsel vm1, v13, v22;
	v26 =	vmul.f32 $1.442695020e+00, v55;
	v34 =	vmul.f32 v58, v14  }
0x1f9: {  	v46 =	vpop (erf);
	v7 =	vmax.f32 v48, v61;
	(erf) = vpow2.f32 v8;
	v8 =	vmul.f32 $2.000000030e-01, v62;
	(xrf2) =	vadd.scan.msk.f32 $0xffff, v0  }
0x1fa: {  	v49 =	vadd.f32 v49, v41;
	v55 =	vpop (erf);
	v63 =	vbroadcast v26, $0xF;
	v0 =	vmul.f32 v7, v1  }
0x1fb: {  	v59 =	vsel vm0, v31, v13;
	v33 =	vmul.f32 v46, v4;
	v30 =	vmul.f32 v55, v24;
	v43 =	vpop (erf)  }
0x1fc: {  	v57 =	vadd.f32 v54, v42;
	v24 =	vmul.f32 $2.000000030e-01, v49;
	v4, _, _ =	vpop (xrf2);
	(erf) = vpow2.f32 v63;
	(xrf2) =	vadd.scan.msk.f32 $0xffff, v0  }
0x1fd: {  	v61 =	vnsel vm3, $0x0, v32;
	v4 =	vmul.f32 $1.442695020e+00, v4;
	v0 =	vmax.f32 v62, v8;
	v48 =	vpop (erf)  }
0x1fe: {  	v54 =	vld [tilespmem:s19+$0x45E0];
	v13 =	vmax.f32 v49, v24;
	v62 =	vmul.f32 $2.000000030e-01, v57;
	v26, _, _ =	vpop (xrf2);
	v0 =	vmul.f32 v0, v19  }
0x1ff: {  	v63 =	vsel vm2, v56, v61;
	v61 =	vld [tilespmem:s19+$0xC5F0];
	v32 =	vmul.f32 v48, v18;
	v4 =	vbroadcast v4, $0xF;
	v8, _, _ =	vpop (xrf2)  }
0x200: {  	v14 =	vmul.f32 $1.442695020e+00, v26;
	v26 =	vld [tilespmem:s19+$0xC5E0];
	v49 =	vpop (erf);
	(xrf2) =	vadd.scan.msk.f32 $0xffff, v0;
	v0 =	vmul.f32 v13, v45  }
0x201: {  	v18 =	vmul.f32 $1.442695020e+00, v8;
	v24 =	vmul.f32 v49, v29;
	v29 =	vld [tilespmem:s19+$0x45F0]  }
0x202: {  	v31 =	vmul.f32 v43, v25;
	v56 =	vsel vm1, v47, v63;
	(erf) = vpow2.f32 v4  }
0x203: {  	v25 =	vld [tilespmem:s19+$0x4600];
	v14 =	vbroadcast v14, $0xF;
	(xrf2) =	vadd.scan.msk.f32 $0xffff, v0;
	v0 =	vmax.f32 v57, v62;
	v62 =	vbroadcast v18, $0xF;
	v63, _, _ =	vpop (xrf2)  }
0x204: {  	v7 =	vsel vm0, v53, v56;
	v47 =	vpop (erf);
	v18 =	vld [tilespmem:s19+$0x4610];
	v57 =	vmul.f32 v0, v3;
	v56 =	vmul.f32 $1.442695020e+00, v63  }
0x205: {  	v22 =	vmul.f32 v47, v50;
	v50 =	vld [tilespmem:s19+$0xC600];
	(erf) = vpow2.f32 v14;
	v4 =	vadd.f32 v26, v54;
	v53 =	vpop (erf)  }
0x206: {  	v26 =	vmul.f32 v53, v44;
	v44 =	vadd.f32 v61, v29;
	v61 =	vld [tilespmem:s19+$0xC610];
	v8, _, _ =	vpop (xrf2);
	v13 =	vbroadcast v56, $0xF  }
0x207: {  	v51 =	vnsel vm3, $0x0, v51;
	(xrf2) =	vadd.scan.msk.f32 $0xffff, v57;
	v57 =	vmul.f32 $2.000000030e-01, v4;
	v8 =	vmul.f32 $1.442695020e+00, v8  }
0x208: {  	v40 =	vsel vm2, v40, v51;
	(erf) = vpow2.f32 v62  }
0x209: {  	v14 =	vld [tilespmem:s19+$0x4620];
	v4 =	vmax.f32 v4, v57;
	v57 =	vmul.f32 $2.000000030e-01, v44;
	v51 =	vbroadcast v8, $0xF  }
0x20a: {  	v62 =	vld [tilespmem:s19+$0xC620];
	v50 =	vadd.f32 v50, v25;
	v4 =	vmul.f32 v4, v1;
	(erf) = vpow2.f32 v13;
	v13, _, _ =	vpop (xrf2)  }
0x20b: {  	v61 =	vadd.f32 v61, v18;
	v56 =	vmul.f32 $1.442695020e+00, v13  }
0x20c: {  	v63 =	vld [tilespmem:s19+$0xC630];
	(xrf2) =	vadd.scan.msk.f32 $0xffff, v4;
	v4 =	vmax.f32 v44, v57;
	v44 =	vmul.f32 $2.000000030e-01, v50;
	(erf) = vpow2.f32 v51  }
0x20d: {  	v40 =	vsel vm1, v5, v40;
	v8 =	vld [tilespmem:s19+$0x4630];
	v0 =	vmul.f32 v4, v19;
	v51, _, _ =	vpop (xrf2);
	v56 =	vbroadcast v56, $0xF  }
0x20e: {  	v57 =	vpop (erf);
	v13 =	vld [tilespmem:s19+$0x4640];
	v5 =	vmul.f32 $2.000000030e-01, v61;
	v44 =	vmax.f32 v50, v44;
	v51 =	vmul.f32 $1.442695020e+00, v51  }
0x20f: {  	v62 =	vadd.f32 v62, v14;
	v4 =	vmul.f32 v57, v36;
	v50 =	vld [tilespmem:s19+$0xC640];
	(xrf2) =	vadd.scan.msk.f32 $0xffff, v0;
	v0 =	vmul.f32 v44, v45  }
0x210: {  	v51 =	vbroadcast v51, $0xF  }
0x211: {  	(erf) = vpow2.f32 v56;
	v56, _, _ =	vpop (xrf2);
	(xrf2) =	vadd.scan.msk.f32 $0xffff, v0;
	v0 =	vmax.f32 v61, v5;
	v61 =	vmul.f32 $2.000000030e-01, v62  }
0x212: {  	[tilespmem:$0x1FF80] =	vst v4;
	v44 =	vmul.f32 $1.442695020e+00, v56;
	v56 =	vpop (erf);
	v0 =	vmul.f32 v0, v3  }
0x213: {  	v4 =	vmovc v3;
	(erf) = vpow2.f32 v51;
	v3 =	vmovc v45;
	v45 =	vadd.f32 v63, v8;
	v36 =	vmul.f32 v56, v35  }
0x214: {  	v5 =	vld [tilespmem:s19+$0x4650];
	v35 =	vadd.f32 v50, v13;
	v51 =	vpop (erf);
	v44 =	vbroadcast v44, $0xF;
	(xrf2) =	vadd.scan.msk.f32 $0xffff, v0;
	v0 =	vmax.f32 v62, v61  }
0x215: {  	[tilespmem:s19+$0x4400] =	vst v2;
	v50 =	vld [tilespmem:s19+$0xC650];
	v62 =	vmul.f32 $2.000000030e-01, v45;
	v61 =	vsel vm0, v6, v40;
	v40 =	vmul.f32 v51, v37  }
0x216: {  	v2 =	vld [tilespmem:$0x1FF60];
	[tilespmem:$0x1FF90] =	vst v13;
	v13 =	vmov v1;
	v37, _, _ =	vpop (xrf2);
	v0 =	vmul.f32 v0, v1;
	v1 =	vmul.f32 $2.000000030e-01, v35  }
0x217: {  	v6 =	vld [tilespmem:s19+$0x4660];
	v37 =	vmul.f32 $1.442695020e+00, v37;
	(erf) = vpow2.f32 v44;
	v44 =	vmax.f32 v45, v62  }
0x218: {  	v62 =	vld [tilespmem:s19+$0xC660]  }
0x219: {  	v45 =	vpop (erf);
	(xrf2) =	vadd.scan.msk.f32 $0xffff, v0;
	v0 =	vmul.f32 v44, v19;
	v35 =	vmax.f32 v35, v1;
	v37 =	vbroadcast v37, $0xF  }
0x21a: {  	v35 =	vmul.f32 v35, v3;
	v50 =	vadd.f32 v50, v5;
	v44 =	vpop (erf)  }
0x21b: {  	v63 =	vld [tilespmem:s19+$0x4670];
	v1 =	vmul.f32 v45, v38;
	v38 =	vmul.f32 v44, v39;
	v39, _, _ =	vpop (xrf2);
	(xrf2) =	vadd.scan.msk.f32 $0xffff, v0  }
0x21c: {  	v0 =	vld [tilespmem:s19+$0xC670];
	v39 =	vmul.f32 $1.442695020e+00, v39;
	(xrf2) =	vadd.scan.msk.f32 $0xffff, v35;
	v35 =	vmul.f32 $2.000000030e-01, v50  }
0x21d: {  	[tilespmem:s19+$0x4410] =	vst v2;
	(erf) = vpow2.f32 v37;
	v37, _, _ =	vpop (xrf2);
	v2 =	vadd.f32 v62, v6  }
0x21e: {  	[tilespmem:s19+$0x4420] =	vst v9;
	v62 =	vld [tilespmem:s19+$0x4680];
	v37 =	vmul.f32 $1.442695020e+00, v37;
	v9 =	vbroadcast v39, $0xF;
	v35 =	vmax.f32 v50, v35  }
0x21f: {  	s4 =	sshrl.u32 s19, $0x2;
	[tilespmem:s19+$0x4430] =	vst v27;
	v39 =	vld [tilespmem:s19+$0xC680];
	v27 =	vmul.f32 v35, v4;
	v35 =	vmul.f32 $2.000000030e-01, v2  }
0x220: {  	v10 =	vnsel vm3, $0x0, v10;
	v28 =	vmul.f32 v52, v28;
	[tilespmem:s4+$0x11400] =	vst v59;
	v59 =	vbroadcast v37, $0xF  }
0x221: {  	[tilespmem:s19+$0x4440] =	vst v12;
	v10 =	vsel vm2, v52, v10;
	v50 =	vadd.f32 v0, v63;
	v0 =	vld [tilespmem:s19+$0x4690];
	v2 =	vmax.f32 v2, v35  }
0x222: {  	[tilespmem:s19+$0x4450] =	vst v23;
	v10 =	vsel vm1, v58, v10;
	(erf) = vpow2.f32 v9;
	v35 =	vld [tilespmem:s19+$0xC690];
	v9, _, _ =	vpop (xrf2);
	v2 =	vmul.f32 v2, v13  }
0x223: {  	v10 =	vsel vm0, v46, v10;
	v52 =	vpop (erf);
	(xrf2) =	vadd.scan.msk.f32 $0xffff, v27;
	v12 =	vmul.f32 $2.000000030e-01, v50;
	v37 =	vmul.f32 $1.442695020e+00, v9  }
0x224: {  	[tilespmem:s19+$0x4460] =	vst v21;
	v60 =	vmul.f32 v52, v60;
	(erf) = vpow2.f32 v59;
	v59, _, _ =	vpop (xrf2);
	v27 =	vadd.f32 v39, v62;
	v9 =	vld [tilespmem:s19+$0x46A0]  }
0x225: {  	v39 =	vld [tilespmem:s19+$0xC6A0];
	v23 =	vmul.f32 $1.442695020e+00, v59;
	(xrf2) =	vadd.scan.msk.f32 $0xffff, v2;
	v2 =	vmax.f32 v50, v12;
	v37 =	vbroadcast v37, $0xF  }
0x226: {  	[tilespmem:s19+$0x4470] =	vst v11;
	v58 =	vpop (erf);
	v12 =	vnsel vm3, $0x0, v55;
	v2 =	vmul.f32 v2, v19;
	v55 =	vmul.f32 $2.000000030e-01, v27  }
0x227: {  	v11 =	vld [tilespmem:s19+$0x46B0];
	[tilespmem:s19+$0x4490] =	vst v15;
	v41 =	vmul.f32 v58, v41;
	v21, _, _ =	vpop (xrf2);
	v23 =	vbroadcast v23, $0xF;
	v35 =	vadd.f32 v35, v0  }
0x228: {  	s0 =	sor.u32 $0x10, s4;
	v15 =	vld [tilespmem:s19+$0x46D0];
	v59, _, _ =	vpop (xrf2);
	v21 =	vmul.f32 $1.442695020e+00, v21;
	(erf) = vpow2.f32 v37;
	(xrf2) =	vadd.scan.msk.f32 $0xffff, v2;
	v2 =	vmax.f32 v27, v55  }
0x229: {  	[tilespmem:s0+$0x11400] =	vst v7;
	v7 =	vsel vm2, v43, v12;
	v37 =	vmul.f32 $1.442695020e+00, v59;
	v27 =	vld [tilespmem:s19+$0xC6B0];
	v2 =	vmul.f32 v2, v3  }
0x22a: {  	[tilespmem:s19+$0x4480] =	vst v20;
	v46 =	vpop (erf);
	v12 =	vld [tilespmem:s19+$0x46C0];
	v50 =	vmul.f32 $2.000000030e-01, v35;
	(erf) = vpow2.f32 v23;
	v20 =	vadd.f32 v39, v9  }
0x22b: {  	v55 =	vpop (erf);
	v59 =	vbroadcast v37, $0xF;
	v37 =	vld [tilespmem:s19+$0xC6D0];
	(xrf2) =	vadd.scan.msk.f32 $0xffff, v2;
	v2 =	vbroadcast v21, $0xF  }
0x22c: {  	[tilespmem:s19+$0x44A0] =	vst v16;
	v43 =	vmul.f32 v55, v54;
	v54 =	vld [tilespmem:s19+$0xC6C0];
	v35 =	vmax.f32 v35, v50;
	v39 =	vmul.f32 $2.000000030e-01, v20  }
0x22d: {  	v16 =	vld [tilespmem:s19+$0x46E0];
	[tilespmem:s19+$0x44B0] =	vst v17;
	v7 =	vsel vm1, v48, v7;
	v48, _, _ =	vpop (xrf2);
	v35 =	vmul.f32 v35, v4;
	(erf) = vpow2.f32 v2  }
0x22e: {  	s13 =	sor.u32 $0x20, s4;
	v17 =	vld [tilespmem:s19+$0x46F0];
	[tilespmem:s19+$0x44D0] =	vst v28;
	v2 =	vmul.f32 $1.442695020e+00, v48;
	v20 =	vmax.f32 v20, v39;
	v21 =	vadd.f32 v27, v11  }
0x22f: {  	[tilespmem:s13+$0x11400] =	vst v61;
	v27 =	vld [tilespmem:s19+$0xC6E0];
	(erf) = vpow2.f32 v59;
	v20 =	vmul.f32 v20, v13  }
0x230: {  	v7 =	vsel vm0, v49, v7;
	v48 =	vld [tilespmem:s19+$0xC6F0];
	(xrf2) =	vadd.scan.msk.f32 $0xffff, v35;
	v2 =	vbroadcast v2, $0xF;
	v61 =	vmul.f32 $2.000000030e-01, v21  }
0x231: {  	[tilespmem:s19+$0x44E0] =	vst v34;
	v50, _, _ =	vpop (xrf2);
	v37 =	vadd.f32 v37, v15;
	v23 =	vadd.f32 v54, v12;
	v54 =	vnsel vm3, $0x0, v47  }
0x232: {  	[tilespmem:s19+$0x44F0] =	vst v33;
	v59 =	vmul.f32 $1.442695020e+00, v50;
	v50 =	vld [tilespmem:$0x1FF70];
	v35 =	vsel vm2, v53, v54;
	(erf) = vpow2.f32 v2  }
0x233: {  	(xrf2) =	vadd.scan.msk.f32 $0xffff, v20;
	v21 =	vmax.f32 v21, v61;
	v47 =	vmul.f32 $2.000000030e-01, v37;
	v2 =	vmul.f32 $2.000000030e-01, v23  }
0x234: {  	[tilespmem:s19+$0x4500] =	vst v30;
	v49 =	vld [tilespmem:s19+$0x4700];
	v20 =	vbroadcast v59, $0xF;
	v53, _, _ =	vpop (xrf2);
	v21 =	vmul.f32 v21, v19;
	v27 =	vadd.f32 v27, v16  }
0x235: {  	[tilespmem:s19+$0x4510] =	vst v31;
	v59 =	vld [tilespmem:s19+$0xC700];
	v61 =	vsel vm1, v57, v35;
	v35 =	vadd.f32 v48, v17;
	v54 =	vmul.f32 $1.442695020e+00, v53  }
0x236: {  	[tilespmem:s19+$0x4520] =	vst v32;
	v2 =	vmax.f32 v23, v2;
	(erf) = vpow2.f32 v20;
	v53 =	vmul.f32 $2.000000030e-01, v27  }
0x237: {  	v33 =	vsel vm0, v56, v61;
	v20 =	vld [tilespmem:s19+$0x4710];
	v56 =	vmul.f32 $2.000000030e-01, v35;
	[tilespmem:s19+$0x44C0] =	vst v50;
	v2 =	vmul.f32 v2, v3;
	v50, _, _ =	vpop (xrf2)  }
0x238: {  	[tilespmem:s19+$0x4530] =	vst v24;
	v28 =	vbroadcast v54, $0xF;
	(xrf2) =	vadd.scan.msk.f32 $0xffff, v21;
	v21 =	vld [tilespmem:s19+$0x4720];
	v39 =	vmul.f32 $1.442695020e+00, v50  }
0x239: {  	v34 =	vmax.f32 v35, v56;
	v56 =	vnsel vm3, $0x0, v51;
	(xrf2) =	vadd.scan.msk.f32 $0xffff, v2;
	v2 =	vmax.f32 v37, v47;
	v37 =	vld [tilespmem:s19+$0xC710]  }
0x23a: {  	s21 =	sor.u32 $0x30, s4;
	[tilespmem:s19+$0x4540] =	vst v22;
	v57 =	vadd.f32 v59, v49;
	v59 =	vld [tilespmem:s19+$0xC720];
	v2 =	vmul.f32 v2, v4;
	v54, _, _ =	vpop (xrf2);
	v61 =	vbroadcast v39, $0xF  }
0x23b: {  	[tilespmem:s21+$0x11400] =	vst v10;
	(erf) = vpow2.f32 v28;
	v48 =	vsel vm2, v45, v56;
	v10 =	vmul.f32 $1.442695020e+00, v54  }
0x23c: {  	v35 =	vmul.f32 $2.000000030e-01, v57;
	(xrf2) =	vadd.scan.msk.f32 $0xffff, v2;
	v2 =	vmax.f32 v27, v53;
	(erf) = vpow2.f32 v61  }
0x23d: {  	[tilespmem:s19+$0x4550] =	vst v26;
	v23 =	vld [tilespmem:s19+$0x4730];
	v24 =	vsel vm1, v44, v48;
	v39, _, _ =	vpop (xrf2);
	v2 =	vmul.f32 v2, v13;
	v10 =	vbroadcast v10, $0xF  }
0x23e: {  	[tilespmem:s19+$0x4570] =	vst v36;
	v28 =	vld [tilespmem:s19+$0xC730];
	v27 =	vmul.f32 v34, v19;
	v30 =	vmul.f32 $1.442695020e+00, v39;
	v50 =	vadd.f32 v37, v20  }
0x23f: {  	v39 =	vld [tilespmem:$0x1FF80];
	v54 =	vadd.f32 v59, v21;
	(xrf2) =	vadd.scan.msk.f32 $0xffff, v2;
	v2 =	vmax.f32 v57, v35;
	(erf) = vpow2.f32 v10  }
0x240: {  	[tilespmem:s19+$0x4580] =	vst v40;
	v26 =	vsel vm0, v52, v24;
	v24 =	vld [tilespmem:s19+$0x4760];
	v57 =	vbroadcast v30, $0xF;
	v2 =	vmul.f32 v2, v3  }
0x241: {  	s13 =	sor.u32 $0x40, s4;
	[tilespmem:s19+$0x4590] =	vst v1;
	v59 =	vld [tilespmem:s19+$0xC740];
	v53 =	vmul.f32 $2.000000030e-01, v50;
	v47 =	vmul.f32 $2.000000030e-01, v54  }
0x242: {  	v42 =	vmul.f32 v46, v42;
	[tilespmem:s13+$0x11400] =	vst v7;
	v37 =	vpop (erf);
	(xrf2) =	vadd.scan.msk.f32 $0xffff, v27;
	v27 =	vld [tilespmem:s19+$0x4740];
	(erf) = vpow2.f32 v57  }
0x243: {  	v52 =	vld [tilespmem:s19+$0xC760];
	v61, _, _ =	vpop (xrf2);
	(xrf2) =	vadd.scan.msk.f32 $0xffff, v2;
	v2 =	vmul.f32 v37, v29;
	v34 =	vmax.f32 v50, v53;
	v51 =	vmax.f32 v54, v47  }
0x244: {  	v22 =	vld [tilespmem:s19+$0x4750];
	s21 =	sor.u32 $0x50, s4;
	v53 =	vmul.f32 $1.442695020e+00, v61;
	v54 =	vadd.f32 v28, v23;
	[tilespmem:s19+$0x4560] =	vst v39;
	v50, _, _ =	vpop (xrf2);
	v29 =	vmul.f32 v34, v4  }
0x245: {  	v31 =	vpop (erf);
	v47 =	vld [tilespmem:s19+$0xC750];
	v7 =	vmul.f32 v51, v13;
	[tilespmem:s21+$0x11400] =	vst v33;
	v51 =	vnsel vm3, $0x0, v58;
	v10 =	vmul.f32 $1.442695020e+00, v50  }
0x246: {  	v56 =	vbroadcast v53, $0xF;
	v33 =	vsel vm2, v46, v51;
	(xrf2) =	vadd.scan.msk.f32 $0xffff, v29;
	v29 =	vmul.f32 v31, v25  }
0x247: {  	[tilespmem:s19+$0x45A0] =	vst v38;
	v30 =	vadd.f32 v59, v27;
	v59 =	vmul.f32 $2.000000030e-01, v54;
	v34 =	vpop (erf);
	v10 =	vbroadcast v10, $0xF  }
0x248: {  	[tilespmem:s19+$0x45B0] =	vst v60;
	v35 =	vadd.f32 v52, v24;
	v57, _, _ =	vpop (xrf2);
	(erf) = vpow2.f32 v56;
	v39 =	vmul.f32 v34, v18  }
0x249: {  	[tilespmem:s19+$0x45C0] =	vst v41;
	v55 =	vsel vm1, v55, v33;
	v28 =	vmul.f32 $1.442695020e+00, v57;
	v61 =	vmul.f32 $2.000000030e-01, v30  }
0x24a: {  	v25 =	vld [tilespmem:s19+$0x4770];
	(xrf2) =	vadd.scan.msk.f32 $0xffff, v7;
	v7 =	vmax.f32 v54, v59;
	v33 =	vpop (erf);
	v57 =	vadd.f32 v47, v22;
	(erf) = vpow2.f32 v10  }
0x24b: {  	[tilespmem:s19+$0x45D0] =	vst v42;
	v31 =	vnsel vm3, $0x0, v31;
	v56 =	vld [tilespmem:s19+$0xC770];
	v7 =	vmul.f32 v7, v19;
	v40 =	vpop (erf);
	v38 =	vmul.f32 v33, v14  }
0x24c: {  	s13 =	sor.u32 $0x60, s4;
	[tilespmem:s19+$0x45E0] =	vst v43;
	v1 =	vsel vm0, v37, v55;
	v44 =	vbroadcast v28, $0xF;
	v45, _, _ =	vpop (xrf2);
	v46 =	vmul.f32 $2.000000030e-01, v57  }
0x24d: {  	[tilespmem:s13+$0x11400] =	vst v26;
	v18 =	vld [tilespmem:s19+$0x4780];
	v30 =	vmax.f32 v30, v61;
	v42 =	vmul.f32 v40, v8;
	v48 =	vmul.f32 $1.442695020e+00, v45;
	v50, _, _ =	vpop (xrf2)  }
0x24e: {  	v31 =	vsel vm2, v34, v31;
	v61 =	vld [tilespmem:s19+$0xC780];
	v30 =	vmul.f32 v30, v3;
	(xrf2) =	vadd.scan.msk.f32 $0xffff, v7;
	v28 =	vmul.f32 $1.442695020e+00, v50  }
0x24f: {  	[tilespmem:s19+$0x45F0] =	vst v2;
	v14 =	vld [tilespmem:s19+$0x4790];
	(erf) = vpow2.f32 v44;
	v10 =	vmax.f32 v57, v46;
	v50 =	vmul.f32 $2.000000030e-01, v35  }
0x250: {  	s21 =	sor.u32 $0x70, s4;
	v53 =	vbroadcast v48, $0xF;
	v54, _, _ =	vpop (xrf2);
	(xrf2) =	vadd.scan.msk.f32 $0xffff, v30;
	v48 =	vld [tilespmem:s19+$0xC790];
	v10 =	vmul.f32 v10, v4;
	v30 =	vadd.f32 v56, v25  }
0x251: {  	v26 =	vld [tilespmem:s19+$0x47A0];
	[tilespmem:s21+$0x11400] =	vst v1;
	v1 =	vsel vm1, v33, v31;
	v28 =	vbroadcast v28, $0xF;
	v36 =	vmul.f32 $1.442695020e+00, v54  }
0x252: {  	v51 =	vld [tilespmem:s19+$0xC7A0];
	v52 =	vmax.f32 v35, v50;
	(erf) = vpow2.f32 v53;
	v53 =	vmul.f32 $2.000000030e-01, v30  }
0x253: {  	v44 =	vld [tilespmem:s19+$0x47B0];
	v32 =	vadd.f32 v61, v18;
	(erf) = vpow2.f32 v28;
	v58 =	vbroadcast v36, $0xF;
	v59, _, _ =	vpop (xrf2)  }
0x254: {  	v1 =	vsel vm0, v40, v1;
	v56 =	vld [tilespmem:s19+$0xC7B0];
	v28 =	vmul.f32 $1.442695020e+00, v59;
	v47, _, _ =	vpop (xrf2);
	(xrf2) =	vadd.scan.msk.f32 $0xffff, v10;
	v10 =	vmul.f32 v52, v13  }
0x255: {  	v55 =	vmul.f32 $2.000000030e-01, v32;
	v36 =	vpop (erf);
	(erf) = vpow2.f32 v58;
	v37 =	vadd.f32 v48, v14  }
0x256: {  	v30 =	vmax.f32 v30, v53;
	v7 =	vmul.f32 $1.442695020e+00, v47;
	v28 =	vbroadcast v28, $0xF  }
0x257: {  	v59 =	vld [tilespmem:s19+$0xC7C0];
	v30 =	vmul.f32 v30, v19;
	v41 =	vpop (erf);
	v32 =	vmax.f32 v32, v55;
	v60 =	vmul.f32 $2.000000030e-01, v37  }
0x258: {  	v61 =	vadd.f32 v51, v26;
	v32 =	vmul.f32 v32, v3;
	(erf) = vpow2.f32 v28;
	v54, _, _ =	vpop (xrf2);
	v28 =	vld [tilespmem:s19+$0x47C0]  }
0x259: {  	v45 =	vmovc v3;
	v48 =	vadd.f32 v56, v44;
	(xrf2) =	vadd.scan.msk.f32 $0xffff, v10;
	v2 =	vmul.f32 $1.442695020e+00, v54;
	v40 =	vmax.f32 v37, v60  }
0x25a: {  	v7 =	vbroadcast v7, $0xF;
	v31 =	vpop (erf);
	(xrf2) =	vadd.scan.msk.f32 $0xffff, v30;
	v3 =	vmov v4;
	v46 =	vmul.f32 v40, v4;
	v4 =	vld [tilespmem:$0x1FF90]  }
0x25b: {  	v47 =	vmul.f32 $2.000000030e-01, v61;
	v57, _, _ =	vpop (xrf2);
	v2 =	vbroadcast v2, $0xF  }
0x25c: {  	[tilespmem:s19+$0x4600] =	vst v29;
	v51 =	vmul.f32 $2.000000030e-01, v48;
	(erf) = vpow2.f32 v7;
	(xrf2) =	vadd.scan.msk.f32 $0xffff, v32;
	v32 =	vpop (erf)  }
0x25d: {  	[tilespmem:s19+$0x4610] =	vst v39;
	v7 =	vmax.f32 v61, v47;
	v37 =	vpop (erf);
	(erf) = vpow2.f32 v2;
	v2 =	vadd.f32 v59, v28  }
0x25e: {  	[tilespmem:s19+$0x4620] =	vst v38;
	v52 =	vld [tilespmem:s19+$0xC7D0];
	v7 =	vmul.f32 v7, v13;
	v58 =	vmul.f32 $1.442695020e+00, v57  }
0x25f: {  	[tilespmem:s19+$0x4630] =	vst v42;
	v50 =	vmul.f32 v36, v4;
	v4 =	vld [tilespmem:s19+$0x47D0];
	v55 =	vmul.f32 $2.000000030e-01, v2  }
0x260: {  	v29 =	vld [tilespmem:s19+$0x47E0];
	v53 =	vnsel vm3, $0x0, v36;
	v56 =	vmul.f32 v41, v5;
	v5 =	vmax.f32 v48, v51;
	(xrf2) =	vadd.scan.msk.f32 $0xffff, v46  }
0x261: {  	s13 =	sor.u32 $0x80, s4;
	v57 =	vld [tilespmem:s19+$0xC7E0];
	v10 =	vbroadcast v58, $0xF;
	v58 =	vmul.f32 v5, v19;
	v54, _, _ =	vpop (xrf2);
	(xrf2) =	vadd.scan.msk.f32 $0xffff, v7;
	v2 =	vmax.f32 v2, v55  }
0x262: {  	[tilespmem:s13+$0x11400] =	vst v1;
	v1 =	vsel vm2, v41, v53;
	v41 =	vpop (erf);
	v2 =	vmul.f32 v2, v45  }
0x263: {  	v6 =	vmul.f32 v31, v6;
	v61 =	vld [tilespmem:s19+$0xC7F0];
	v40 =	vmul.f32 v32, v63;
	v60, _, _ =	vpop (xrf2);
	(xrf2) =	vadd.scan.msk.f32 $0xffff, v58  }
0x264: {  	v5 =	vld [tilespmem:s19+$0x47F0];
	v43 =	vmul.f32 v37, v62;
	v36 =	vmul.f32 $1.442695020e+00, v54;
	v46, _, _ =	vpop (xrf2);
	(xrf2) =	vadd.scan.msk.f32 $0xffff, v2;
	v2 =	vadd.f32 v52, v4  }
0x265: {  	v1 =	vsel vm1, v31, v1;
	v0 =	vmul.f32 v41, v0;
	(erf) = vpow2.f32 v10  }
0x266: {  	v10 =	vadd.f32 v57, v29;
	v59 =	vbroadcast v36, $0xF;
	v51 =	vmul.f32 $2.000000030e-01, v2  }
0x267: {  	v1 =	vsel vm0, v32, v1;
	v42 =	vmul.f32 $1.442695020e+00, v60;
	v48 =	vmul.f32 $1.442695020e+00, v46  }
0x268: {  	[tilespmem:s19+$0x4650] =	vst v56;
	v56 =	vmul.f32 $2.000000030e-01, v10;
	(erf) = vpow2.f32 v59;
	v47, _, _ =	vpop (xrf2);
	v2 =	vmax.f32 v2, v51  }
0x269: {  	[tilespmem:s19+$0x4640] =	vst v50;
	v53 =	vadd.f32 v61, v5;
	v31 =	vbroadcast v42, $0xF;
	v50 =	vpop (erf);
	v2 =	vmul.f32 v2, v3  }
0x26a: {  	[tilespmem:s19+$0x4660] =	vst v6;
	v30 =	vmul.f32 $1.442695020e+00, v47;
	v52 =	vbroadcast v48, $0xF;
	v58 =	vmax.f32 v10, v56;
	v54, _, _ =	vpop (xrf2)  }
0x26b: {  	s21 =	sor.u32 $0x90, s4;
	[tilespmem:s19+$0x4670] =	vst v40;
	v57 =	vmul.f32 $2.000000030e-01, v53;
	v60, _, _ =	vpop (xrf2);
	(xrf2) =	vadd.scan.msk.f32 $0xffff, v2;
	v2 =	vmul.f32 v58, v13  }
0x26c: {  	[tilespmem:s21+$0x11400] =	vst v1;
	v1 =	vpop (erf);
	v9 =	vmul.f32 v50, v9;
	(erf) = vpow2.f32 v31  }
0x26d: {  	v11 =	vmul.f32 v1, v11;
	v55 =	vbroadcast v30, $0xF;
	v63, _, _ =	vpop (xrf2);
	(xrf2) =	vadd.scan.msk.f32 $0xffff, v2;
	v2 =	vnsel vm3, $0x0, v37  }
0x26e: {  	[tilespmem:s19+$0x4690] =	vst v0;
	v59 =	vpop (erf);
	v61 =	vmax.f32 v53, v57;
	v0 =	vmul.f32 $1.442695020e+00, v54;
	v2 =	vsel vm2, v41, v2  }
0x26f: {  	[tilespmem:s19+$0x4680] =	vst v43;
	(erf) = vpow2.f32 v52;
	v62 =	vpop (erf);
	v6 =	vmul.f32 v61, v19;
	v2 =	vsel vm1, v50, v2  }
0x270: {  	[tilespmem:s19+$0x46A0] =	vst v9;
	v36 =	vpop (erf);
	v0 =	vbroadcast v0, $0xF;
	v34 =	vmul.f32 $1.442695020e+00, v60  }
0x271: {  	[tilespmem:s19+$0x46B0] =	vst v11;
	(erf) = vpow2.f32 v55;
	v35, _, _ =	vpop (xrf2)  }
0x272: {  	s13 =	sor.u32 $0xA0, s4;
	(xrf2) =	vadd.scan.msk.f32 $0xffff, v6;
	v1 =	vsel vm0, v1, v2;
	v2 =	vpop (erf);
	(erf) = vpow2.f32 v0;
	v0 =	vbroadcast v34, $0xF  }
0x273: {  	[tilespmem:s13+$0x11400] =	vst v1;
	v1 =	vmul.f32 v36, v16  }
0x274: {  	v41 =	vnsel vm3, $0x0, v59;
	v39 =	vpop (erf);
	(erf) = vpow2.f32 v0;
	v0 =	vmul.f32 $1.442695020e+00, v63  }
0x275: {  	v38 =	vmul.f32 v62, v15;
	v37 =	vmul.f32 v59, v12;
	v9 =	vsel vm2, v62, v41;
	v42 =	vpop (erf)  }
0x276: {  	v8 =	vmul.f32 $1.442695020e+00, v35;
	[tilespmem:s19+$0x46E0] =	vst v1;
	v1 =	vsel vm1, v36, v9;
	v43 =	vpop (erf);
	v0 =	vbroadcast v0, $0xF  }
0x277: {  	[tilespmem:s19+$0x46D0] =	vst v38;
	v40 =	vmul.f32 v2, v17;
	v46 =	vmul.f32 v39, v49;
	v1 =	vsel vm0, v2, v1;
	v49, _, _ =	vpop (xrf2)  }
0x278: {  	[tilespmem:s19+$0x46C0] =	vst v37;
	v48 =	vpop (erf);
	(erf) = vpow2.f32 v0;
	v0 =	vbroadcast v8, $0xF  }
0x279: {  	s21 =	sor.u32 $0xB0, s4;
	v7 =	vnsel vm3, $0x0, v39;
	[tilespmem:s19+$0x46F0] =	vst v40;
	v2 =	vmul.f32 v43, v21;
	v51, _, _ =	vpop (xrf2)  }
0x27a: {  	v7 =	vsel vm2, v42, v7;
	[tilespmem:s21+$0x11400] =	vst v1;
	v1 =	vpop (erf);
	(erf) = vpow2.f32 v0;
	v0 =	vmul.f32 $1.442695020e+00, v51  }
0x27b: {  	v47 =	vmul.f32 v42, v20;
	v9 =	vmul.f32 $1.442695020e+00, v49;
	[tilespmem:s19+$0x4720] =	vst v2;
	v2 =	vsel vm1, v43, v7  }
0x27c: {  	[tilespmem:s19+$0x4700] =	vst v46;
	v50 =	vmul.f32 v48, v23;
	v53, _, _ =	vpop (xrf2);
	v2 =	vsel vm0, v48, v2;
	v0 =	vbroadcast v0, $0xF  }
0x27d: {  	[tilespmem:s19+$0x4710] =	vst v47;
	v54 =	vpop (erf);
	v9 =	vbroadcast v9, $0xF;
	v8 =	vmul.f32 $1.442695020e+00, v53  }
0x27e: {  	s13 =	sor.u32 $0xC0, s4;
	v52 =	vmul.f32 v1, v27;
	[tilespmem:s19+$0x4730] =	vst v50;
	v55 =	vmul.f32 v54, v22  }
0x27f: {  	[tilespmem:s13+$0x11400] =	vst v2;
	(erf) = vpow2.f32 v9;
	v8 =	vbroadcast v8, $0xF;
	v2 =	vpop (erf)  }
0x280: {  	v1 =	vnsel vm3, $0x0, v1;
	[tilespmem:s19+$0x4740] =	vst v52;
	v56 =	vmul.f32 v2, v24;
	(erf) = vpow2.f32 v0;
	v0 =	vpop (erf)  }
0x281: {  	v1 =	vsel vm2, v54, v1;
	[tilespmem:s19+$0x4750] =	vst v55;
	(erf) = vpow2.f32 v8;
	v57 =	vmul.f32 v0, v25  }
0x282: {  	v1 =	vsel vm1, v2, v1;
	[tilespmem:s19+$0x4760] =	vst v56;
	v58 =	vpop (erf)  }
0x283: {  	s21 =	sor.u32 $0xD0, s4;
	v0 =	vsel vm0, v0, v1;
	v2 =	vpop (erf);
	v1 =	vmul.f32 v58, v18;
	[tilespmem:s19+$0x4770] =	vst v57  }
0x284: {  	v59 =	vpop (erf);
	[tilespmem:s21+$0x11400] =	vst v0;
	v0 =	vmul.f32 v2, v14  }
0x285: {  	v60 =	vpop (erf);
	[tilespmem:s19+$0x4780] =	vst v1;
	v1 =	vnsel vm3, $0x0, v58;
	v61 =	vmul.f32 v59, v26  }
0x286: {  	[tilespmem:s19+$0x4790] =	vst v0;
	v0 =	vsel vm2, v2, v1;
	v1 =	vmul.f32 v60, v44  }
0x287: {  	v2 =	vpop (erf);
	[tilespmem:s19+$0x47A0] =	vst v61;
	v0 =	vsel vm1, v59, v0  }
0x288: {  	s13 =	sor.u32 $0xE0, s4;
	v62 =	vpop (erf);
	[tilespmem:s19+$0x47B0] =	vst v1;
	v0 =	vsel vm0, v60, v0;
	v1 =	vmul.f32 v2, v28  }
0x289: {  	v63 =	vpop (erf);
	[tilespmem:s13+$0x11400] =	vst v0;
	v0 =	vmul.f32 v62, v4  }
0x28a: {  	p0 =	slt.u32 s17, $0xF0;
	v4 =	vpop (erf);
	[tilespmem:s19+$0x47C0] =	vst v1;
	v1 =	vnsel vm3, $0x0, v2  }
.Ltmp1:
0x28b: {  	v2 =	vmul.f32 v63, v29;
	[tilespmem:s19+$0x47D0] =	vst v0;
	v0 =	vsel vm2, v62, v1;
	v1 =	vmul.f32 v4, v5;
	(pc) =	sbr.rel @p0 .LBB2_5-.Ltmp1, $4  }
0x28c: {  	_ = 	snop  }
0x28d: {  	[tilespmem:s19+$0x47E0] =	vst v2;
	v0 =	vsel vm1, v63, v0  }
0x28e: {  	s21 =	sadd.s32 $0x10, s17;
	[tilespmem:s19+$0x47F0] =	vst v1;
	v0 =	vsel vm0, v4, v0;
	s19 =	sor.u32 $0xF0, s4  }
0x28f: {  	s17 =	smov.u32 s21;
	v2 =	vmov v19;
	[tilespmem:s19+$0x11400] =	vst v0;
	v1 =	vmov v13  }
0x290: {  	[spmem:s1] =	stream.indirect.scatter.add.f32 [tilespmem:s14], [sflag:$0x4], $0x40, s9, s30, $0xb8;
	[tilespmem:$0x1E9C0] =	vst v63  }
0x291: {  	s15 =	sadd.s32 $0x1, s15  }
0x292: {  	s0 =	simm.s32 $0x11400;
	p0 =	sne.s32 s15, $0x28  }
0x293: {  	[spmem:s2] =	stream.indirect.scatter.add.f32 [tilespmem:s0], [sflag:$0x4], $0x10, s9, s30, $0xb8;
	[tilespmem:$0x1E9C0] =	vst v63  }
.Ltmp2:
0x294: {  	_ = 	snop;
	(pc) =	sbr.rel @p0 .LBB2_2-.Ltmp2, $4  }
0x295: {  	_ = 	snop  }
0x296: {  	[spmem:s1] =	stream.indirect.scatter.add.f32 [tilespmem:s16], [sflag:$0x4], $0x40, s12, s30, $0xb8;
	[tilespmem:$0x1E9C0] =	vst v63  }
0x297: {  	s21 =	simm.s32 $0x11C00  }
0x298: {  	[spmem:s2] =	stream.indirect.scatter.add.f32 [tilespmem:s21], [sflag:$0x4], $0x10, s12, s30, $0xb8;
	[tilespmem:$0x1E9C0] =	vst v63  }
0x299: {  	s0 =	simm.s32 $0x4  }
0x29a: {  	_ =	swait.ge [sflag:s0], $0x2000  }
0x29b: {  	[sflag:s0] =	ssyncset.done $0x0  }
0x29c: {  	[sflag:s0] =	ssyncadd.s32 $0xFFFFE000  }
0x29d: {  	_ =	swait.ge [sflag:s0], $0x800  }
0x29e: {  	[sflag:s0] =	ssyncset.done $0x0  }
0x29f: {  	[sflag:s0] =	ssyncadd.s32 $0xFFFFF800  }
0x2a0: {  	_ =	swait.ge [sflag:s0], $0x2000  }
0x2a1: {  	[sflag:s0] =	ssyncset.done $0x0  }
0x2a2: {  	[sflag:s0] =	ssyncadd.s32 $0xFFFFE000  }
0x2a3: {  	_ =	swait.ge [sflag:s0], $0x800  }
0x2a4: {  	[sflag:s0] =	ssyncset.done $0x0  }
0x2a5: {  	[sflag:s0] =	ssyncadd.s32 $0xFFFFF800  }
0x2a6: {  	[bflag:$0x0] =	sbarrier.arrive $0xFFFF  }
0x2a7: {  	s19 =	rddreg [dreg:$0x8]  }
0x2a8: {  	s21 =	rddreg [dreg:$0xf]  }
0x2a9: {  	s4 =	rddreg [dreg:$0x13]  }
0x2aa: {  	[hbm:s21], [sflag:s19] =	dma.local [spmem:s4], $0x13C0  }
0x2ab: {  	_ =	swait.ge [sflag:s26], $0x13C0  }
0x2ac: {  	[sflag:s26] =	ssyncset.done $0x0;
	s13 =	rddreg [dreg:$0x10]  }
0x2ad: {  	s15 =	rddreg [dreg:$0x14];
	[sflag:s26] =	ssyncadd.s32 $0xFFFFEC40  }
0x2ae: {  	[hbm:s13], [sflag:s19] =	dma.local [spmem:s15], $0x4F0  }
0x2af: {  	_ =	swait.ge [sflag:s26], $0x4F0  }
0x2b0: {  	s17 =	rddreg [dreg:$0x12]  }
0x2b1: {  	s21 =	rddreg [dreg:$0x11];
	s4 =	sadd.s32 $0x1, s17  }
0x2b2: {  	p0 =	sne.s32 s4, s21  }
.Ltmp3:
0x2b3: {  	_ = 	snop;
	(pc) =	sbr.rel @p0 .LBB2_1-.Ltmp3, $3  }
0x2b4: {  	_ =	sdelay $0x1  }
0x2b5: {  	[sflag:s26] =	ssyncset.done $0x0  }
0x2b6: {  	[sflag:s26] =	ssyncadd.s32 $0xFFFFFB10  }
0x2b7: {  	_ =	sfence.sel $0x180000  }
0x2b8: {  	[bflag:$0x0] =	sbarrier.arrive $0xFFFF  }
0x2b9: {  	_ =	strace $0x90000047  }
0x2ba: {  	s0 =	stileid.u32;
	[bflag:$0x2] =	sbarrier.arrive $0xFFFF  }
0x2bb: {  	p0 =	sne.s32 s0, $0x0;
	s0 =	rddreg [dreg:$0x4]  }
0x2bc: {  	s0 =	sadd.s32 @!p0 $0x100000, s0  }
0x2bd: {  	[sflag:s0] =	ssyncadd.tile.s32 @!p0 $0x1;
	_ =	shalt  }
.Lfunc_end2:
_tile_overlayer_lowered:
.L_overlay_start_2:
0x2be: {  	(tag) =	ssettag $0x2  }
0x2bf: {  	s0 =	rddreg [dreg:$0x0];
	s2 =	stileid.u32  }
0x2c0: {  	s1 =	rddreg [dreg:$0x1];
	p0 =	sne.s32 s2, $0x0  }
0x2c1: {  	s3 =	rddreg [dreg:$0x2];
	[bflag:$0x3] =	sbarrier.arrive $0xFFFF;
	s2 =	simm.s32 @!p0 $0x1C05  }
0x2c2: {  	[timem:s3], [sflag:s2] =	dma.local @!p0 [hbm:s0], s1  }
0x2c3: {  	s0 =	simm.s32 @!p0 $0x5  }
0x2c4: {  	_ =	swait.ge @!p0 [sflag:s0], s1  }
0x2c5: {  	s1 =	ssub.s32 @!p0 $0x0, s1;
	[sflag:s0] =	ssyncset.done @!p0 $0x0  }
0x2c6: {  	[sflag:s0] =	ssyncadd.s32 @!p0 s1  }
0x2c7: {  	[bflag:$0x3] =	sbarrier.arrive $0xFFFF  }
0x2c8: {  	_ =	shalt  }

</sc_bundles>
